<compile_context>
chip_gen: v7x
topology: tpu7x:2x2x1
jax: 0.10.2.dev20260603
libtpu: 0.0.44.dev20260713+nightly
codegen_flags: <defaults>
</compile_context>

<pallas_src>
import functools

import jax
import jax.numpy as jnp
from jax import lax
from jax.experimental import pallas as pl
from jax.experimental.pallas import tpu as pltpu
from jax.experimental.pallas import tpu_sc as plsc

KE = 14.399645351950548

NC = 2
NS = 16
NW = NC * NS
LANES = 16
CHUNK = 128
ROWS = 8
ZCH = 1024


def _f16bits(u):
    rnd = jnp.bitwise_and(lax.shift_right_logical(u, 13), 1)
    return lax.shift_right_logical(u + 0xFFF + rnd - 0x38000000, 13)


def _table_body(zf_ref, ap_ref, out_ref):
    zf = zf_ref[...]
    z = jnp.exp(ap_ref[0] * jnp.log(zf))
    hz = _f16bits(lax.bitcast_convert_type(z, jnp.int32))
    hq = _f16bits(lax.bitcast_convert_type(zf, jnp.int32))
    out_ref[...] = jnp.bitwise_or(lax.shift_left(hz, 16), hq)


def _sum_body(p_ref, o_ref):
    o_ref[...] = p_ref[0] + p_ref[1]


def _dec(h):
    return lax.bitcast_convert_type(lax.shift_left(h, 13) + 0x38000000,
                                    jnp.float32)


def _sc_body(nblk_base, nblk_extra, nchunks,
             tab_h, par_h, zer_h, ii_h, jj_h, rr_h, cc_h, out_h,
             tab_v, par_v, ii_v, jj_v, r_v, cu_v, ct_v, e_sh,
             ii_sem, in_sem, sc_sem, aux_sem):
    cid = lax.axis_index("c")
    sid = lax.axis_index("s")
    wid = sid * NC + cid

    nb = nblk_base + (wid < nblk_extra).astype(jnp.int32)
    sb = wid * nblk_base + jnp.minimum(wid, nblk_extra)

    tcp = pltpu.async_copy(tab_h, tab_v, aux_sem)
    pcp = pltpu.async_copy(par_h, par_v, aux_sem)

    for k in range((nchunks + NS - 1) // NS):
        ci = sid + k * NS

        @pl.when(ci < nchunks)
        def _():
            pltpu.sync_copy(zer_h.at[pl.ds(ci * ZCH, ZCH)],
                            e_sh.at[pl.ds(ci * ZCH, ZCH)])

    tcp.wait()
    pcp.wait()
    plsc.subcore_barrier()

    nq1 = par_v[0]
    nq2 = par_v[1]
    nq3 = par_v[2]
    nq4 = par_v[3]
    cc1 = par_v[4]
    cc2 = par_v[5]
    cc3 = par_v[6]
    cc4 = par_v[7]

    def _issue_in(b):
        row0 = (sb + b) * ROWS
        s5 = lax.rem(b, 6)
        s4 = lax.rem(b, 5)
        pltpu.async_copy(ii_h.at[pl.ds(row0, ROWS)], ii_v.at[s5],
                         ii_sem.at[s5])
        pltpu.async_copy(jj_h.at[pl.ds(row0, ROWS)], jj_v.at[s4],
                         in_sem.at[s4])
        pltpu.async_copy(rr_h.at[pl.ds(row0, ROWS)], r_v.at[s4],
                         in_sem.at[s4])
        pltpu.async_copy(cc_h.at[pl.ds(row0, ROWS)], cu_v.at[s4],
                         in_sem.at[s4])

    def _wait_in(b):
        row0 = (sb + b) * ROWS
        s5 = lax.rem(b, 6)
        s4 = lax.rem(b, 5)
        pltpu.make_async_copy(ii_h.at[pl.ds(row0, ROWS)], ii_v.at[s5],
                              ii_sem.at[s5]).wait()
        pltpu.make_async_copy(jj_h.at[pl.ds(row0, ROWS)], jj_v.at[s4],
                              in_sem.at[s4]).wait()
        pltpu.make_async_copy(rr_h.at[pl.ds(row0, ROWS)], r_v.at[s4],
                              in_sem.at[s4]).wait()
        pltpu.make_async_copy(cc_h.at[pl.ds(row0, ROWS)], cu_v.at[s4],
                              in_sem.at[s4]).wait()

    def _drain_sc(b):
        s3 = lax.rem(b, 2)
        s5 = lax.rem(b, 6)
        for c in range(ROWS):
            pltpu.make_async_copy(ct_v.at[s3, c],
                                  e_sh.at[ii_v.at[s5, c]],
                                  sc_sem.at[s3]).wait()

    for pb in range(4):
        @pl.when(pb < nb)
        def _():
            _issue_in(pb)

    def _block(b, carry):
        s3 = lax.rem(b, 2)
        s5 = lax.rem(b, 6)
        s4 = lax.rem(b, 5)

        @pl.when(b >= 2)
        def _():
            _drain_sc(b - 2)

        @pl.when(b + 4 < nb)
        def _():
            _issue_in(b + 4)

        _wait_in(b)

        @plsc.parallel_loop(0, ROWS * 8, unroll=2)
        def _row(v):
            c = lax.shift_right_logical(v, 3)
            q = jnp.bitwise_and(v, 7)
            sl = pl.ds(q * LANES, LANES)
            iiv = ii_v[s5, c, sl]
            jjv = jj_v[s4, c, sl]
            wi = plsc.load_gather(tab_v, [iiv])
            wj = plsc.load_gather(tab_v, [jjv])
            zi = _dec(lax.shift_right_logical(wi, 16))
            zj = _dec(lax.shift_right_logical(wj, 16))
            qi = _dec(jnp.bitwise_and(wi, 0xFFFF))
            qj = _dec(jnp.bitwise_and(wj, 0xFFFF))
            rv = r_v[s4, c, sl]
            cuv = cu_v[s4, c, sl]
            s = (zi + zj) * rv
            f = (cc1 * jnp.exp(nq1 * s) + cc2 * jnp.exp(nq2 * s)
                 + cc3 * jnp.exp(nq3 * s) + cc4 * jnp.exp(nq4 * s))
            ct_v[s3, c, sl] = f * (qi * qj) * (cuv / rv)

        for c in range(ROWS):
            pltpu.async_copy(ct_v.at[s3, c], e_sh.at[ii_v.at[s5, c]],
                             sc_sem.at[s3], add=True)
        return carry

    lax.fori_loop(0, nb, _block, 0)

    @pl.when(nb >= 2)
    def _():
        _drain_sc(nb - 2)

    @pl.when(nb >= 1)
    def _():
        _drain_sc(nb - 1)

    plsc.subcore_barrier()

    @pl.when(sid == 0)
    def _():
        pltpu.sync_copy(e_sh, out_h.at[cid])


def kernel(N, Zf, rij, cutoff_values, idx_i, idx_j,
           _adiv, _apow, _c1, _c2, _c3, _c4, _a1, _a2, _a3, _a4):
    f32 = jnp.float32
    sp = jax.nn.softplus
    n = Zf.shape[0]
    p = rij.shape[0]
    npad = ((n + ZCH - 1) // ZCH) * ZCH
    nchunks = npad // ZCH
    nrows = p // CHUNK
    tblk = nrows // ROWS
    nblk_base, nblk_extra = divmod(tblk, NW)

    adiv = sp(_adiv)[0]
    apow = sp(_apow)[0]
    aa = [sp(x)[0] for x in (_a1, _a2, _a3, _a4)]
    cc = [sp(x)[0] for x in (_c1, _c2, _c3, _c4)]
    csum = cc[0] + cc[1] + cc[2] + cc[3]
    keh = KE / 2.0
    par = jnp.stack([-(aa[0] * adiv), -(aa[1] * adiv),
                     -(aa[2] * adiv), -(aa[3] * adiv),
                     keh * cc[0] / csum, keh * cc[1] / csum,
                     keh * cc[2] / csum, keh * cc[3] / csum]).astype(f32)
    par = jnp.broadcast_to(par[:, None], (8, LANES))

    zf_pad = jnp.concatenate([Zf.astype(f32),
                              jnp.ones((npad - n,), f32)])
    zf2 = zf_pad.reshape(npad // CHUNK, CHUNK)
    ap1 = jnp.reshape(apow, (1,)).astype(f32)

    tab2 = pl.pallas_call(
        _table_body,
        out_shape=jax.ShapeDtypeStruct((npad // CHUNK, CHUNK), jnp.int32),
        in_specs=[pl.BlockSpec(memory_space=pltpu.VMEM),
                  pl.BlockSpec(memory_space=pltpu.SMEM)],
        out_specs=pl.BlockSpec(memory_space=pltpu.VMEM),
    )(zf2, ap1)
    tab = tab2.reshape(npad)[:n]
    zer = jnp.zeros((npad,), f32)

    ii2 = idx_i.astype(jnp.int32).reshape(nrows, CHUNK)
    jj2 = idx_j.astype(jnp.int32).reshape(nrows, CHUNK)
    rr2 = rij.astype(f32).reshape(nrows, CHUNK)
    cc2 = cutoff_values.astype(f32).reshape(nrows, CHUNK)

    mesh = plsc.VectorSubcoreMesh(core_axis_name="c", subcore_axis_name="s")
    parts = pl.kernel(
        functools.partial(_sc_body, nblk_base, nblk_extra, nchunks),
        out_type=jax.ShapeDtypeStruct((NC, npad), f32),
        mesh=mesh,
        compiler_params=pltpu.CompilerParams(needs_layout_passes=False),
        scratch_types=[
            pltpu.VMEM((n,), jnp.int32),
            pltpu.VMEM((8, LANES), f32),
            pltpu.VMEM((6, ROWS, CHUNK), jnp.int32),
            pltpu.VMEM((5, ROWS, CHUNK), jnp.int32),
            pltpu.VMEM((5, ROWS, CHUNK), f32),
            pltpu.VMEM((5, ROWS, CHUNK), f32),
            pltpu.VMEM((2, ROWS, CHUNK), f32),
            pltpu.VMEM_SHARED((npad,), f32),
            pltpu.SemaphoreType.DMA((6,)),
            pltpu.SemaphoreType.DMA((5,)),
            pltpu.SemaphoreType.DMA((2,)),
            pltpu.SemaphoreType.DMA,
        ],
    )(tab, par, zer, ii2, jj2, rr2, cc2)

    e2 = pl.pallas_call(
        _sum_body,
        out_shape=jax.ShapeDtypeStruct((npad // CHUNK, CHUNK), f32),
        in_specs=[pl.BlockSpec(memory_space=pltpu.VMEM)],
        out_specs=pl.BlockSpec(memory_space=pltpu.VMEM),
    )(parts.reshape(NC, npad // CHUNK, CHUNK))
    return e2.reshape(npad)[:n]

# --- scband reference (transcript-rebuilt; emitter-appended) ---
"""Pipeline reference for scband-zblrepulsion-energy-17875653886228 (READ-ONLY COPY).

The authoritative reference and input builder live on the scoring server;
editing this copy changes nothing except your own understanding.
"""

import jax, jax.numpy as jnp
import numpy as np

A0 = 0.5291772105638411
KE = 14.399645351950548


def softplus_inverse(x):
    # log(exp(x) - 1)
    return float(np.log(np.expm1(x)))


def setup_inputs(seed: int = 0) -> dict:
    key = jax.random.key(seed)
    N = 100000
    P = 6400000
    k1, k2, k3, k4, k5 = jax.random.split(key, 5)
    # nuclear charges: positive floats (typical Z range 1..92)
    Zf = jax.random.uniform(k1, (N,), dtype=jnp.float32, minval=1.0, maxval=92.0)
    # pairwise distances: strictly positive to keep 1/rij well-behaved
    rij = jax.random.uniform(k2, (P,), dtype=jnp.float32, minval=0.5, maxval=5.0)
    cutoff_values = jax.random.uniform(k3, (P,), dtype=jnp.float32, minval=0.0, maxval=1.0)
    idx_i = jax.random.randint(k4, (P,), 0, N, dtype=jnp.int64 if jax.config.jax_enable_x64 else jnp.int32)
    idx_j = jax.random.randint(k5, (P,), 0, N, dtype=jnp.int64 if jax.config.jax_enable_x64 else jnp.int32)
    params = {
        "_adiv": jnp.full((1,), softplus_inverse(1.0 / (0.8854 * A0)), dtype=jnp.float32),
        "_apow": jnp.full((1,), softplus_inverse(0.23), dtype=jnp.float32),
        "_c1": jnp.full((1,), softplus_inverse(0.1818), dtype=jnp.float32),
        "_c2": jnp.full((1,), softplus_inverse(0.5099), dtype=jnp.float32),
        "_c3": jnp.full((1,), softplus_inverse(0.2802), dtype=jnp.float32),
        "_c4": jnp.full((1,), softplus_inverse(0.02817), dtype=jnp.float32),
        "_a1": jnp.full((1,), softplus_inverse(3.2), dtype=jnp.float32),
        "_a2": jnp.full((1,), softplus_inverse(0.9423), dtype=jnp.float32),
        "_a3": jnp.full((1,), softplus_inverse(0.4028), dtype=jnp.float32),
        "_a4": jnp.full((1,), softplus_inverse(0.2016), dtype=jnp.float32),
    }
    inp = {"N": N, "Zf": Zf, "rij": rij, "cutoff_values": cutoff_values,
           "idx_i": idx_i, "idx_j": idx_j}
    inp.update(params)
    return inp


def reference(N, Zf, rij, cutoff_values, idx_i, idx_j,
              _adiv, _apow, _c1, _c2, _c3, _c4, _a1, _a2, _a3, _a4):
    sp = jax.nn.softplus
    kehalf = KE / 2.0
    z = Zf ** sp(_apow)[0]                      # [N]
    a = (z[idx_i] + z[idx_j]) * sp(_adiv)[0]    # [P]  gather
    a1 = sp(_a1)[0] * a
    a2 = sp(_a2)[0] * a
    a3 = sp(_a3)[0] * a
    a4 = sp(_a4)[0] * a
    c1 = sp(_c1)[0]
    c2 = sp(_c2)[0]
    c3 = sp(_c3)[0]
    c4 = sp(_c4)[0]
    csum = c1 + c2 + c3 + c4
    c1 = c1 / csum
    c2 = c2 / csum
    c3 = c3 / csum
    c4 = c4 / csum
    zizj = Zf[idx_i] * Zf[idx_j]                # [P]  gather
    f = (c1 * jnp.exp(-a1 * rij) + c2 * jnp.exp(-a2 * rij)
         + c3 * jnp.exp(-a3 * rij) + c4 * jnp.exp(-a4 * rij)) * cutoff_values
    contrib = kehalf * f * zizj / rij           # [P]
    n_static = Zf.shape[0]
    zero_n = jnp.asarray(N - N, dtype=Zf.dtype)
    e = (jnp.zeros((n_static,), dtype=Zf.dtype) + zero_n).at[idx_i].add(contrib)  # scatter-add
    return e

if __name__ == "__main__":
    import jax
    _d = setup_inputs()
    print(jax.jit(kernel)(*tuple(_d.values())))

</pallas_src>

<mosaic_0001>
#map = affine_map<(d0, d1) -> (0)>
#map1 = affine_map<(d0, d1) -> (0, 0)>
module attributes {stable_mosaic.version = 14 : i64} {
  func.func @_sc_body(%arg0: i32, %arg1: i32, %arg2: memref<100000xi32, #tpu.memory_space<hbm>>, %arg3: memref<8x16xf32, #tpu.memory_space<hbm>>, %arg4: memref<100352xf32, #tpu.memory_space<hbm>>, %arg5: memref<50000x128xi32, #tpu.memory_space<hbm>>, %arg6: memref<50000x128xi32, #tpu.memory_space<hbm>>, %arg7: memref<50000x128xf32, #tpu.memory_space<hbm>>, %arg8: memref<50000x128xf32, #tpu.memory_space<hbm>>, %arg9: memref<2x100352xf32, #tpu.memory_space<hbm>>, %arg10: memref<100000xi32, #tpu.memory_space<vmem>>, %arg11: memref<8x16xf32, #tpu.memory_space<vmem>>, %arg12: memref<6x8x128xi32, #tpu.memory_space<vmem>>, %arg13: memref<5x8x128xi32, #tpu.memory_space<vmem>>, %arg14: memref<5x8x128xf32, #tpu.memory_space<vmem>>, %arg15: memref<5x8x128xf32, #tpu.memory_space<vmem>>, %arg16: memref<2x8x128xf32, #tpu.memory_space<vmem>>, %arg17: memref<100352xf32, #tpu.memory_space<vmem_shared>>, %arg18: memref<6x!tpu.dma_semaphore, #tpu.memory_space<semaphore_mem>>, %arg19: memref<5x!tpu.dma_semaphore, #tpu.memory_space<semaphore_mem>>, %arg20: memref<2x!tpu.dma_semaphore, #tpu.memory_space<semaphore_mem>>, %arg21: memref<!tpu.dma_semaphore, #tpu.memory_space<semaphore_mem>>) attributes {dimension_semantics = [#tpu.dimension_semantics<core_parallel>, #tpu.dimension_semantics<subcore_parallel>], iteration_bounds = array<i64: 2, 16>, scalar_prefetch = 0 : i64, scratch_operands = 12 : i64, tpu.core_type = #tpu.core_type<sc_vector_subcore>, window_params = [{transform_indices = #map}, {transform_indices = #map1}, {transform_indices = #map}, {transform_indices = #map1}, {transform_indices = #map1}, {transform_indices = #map1}, {transform_indices = #map1}, {transform_indices = #map1}]} {
    %mul3A = arith.constant 2 : i32
    %mul3A_0 = arith.muli %arg1, %mul3A : i32
    %add3A = arith.addi %mul3A_0, %arg0 : i32
    %lt3A = arith.constant 10 : i32
    %lt3A_1 = arith.cmpi slt, %add3A, %lt3A : i32
    %convert_element_type3A = arith.extui %lt3A_1 : i1 to i32
    %add3A_2 = arith.constant 195 : i32
    %add3A_3 = arith.addi %add3A_2, %convert_element_type3A : i32
    %mul3A_4 = arith.constant 195 : i32
    %mul3A_5 = arith.muli %add3A, %mul3A_4 : i32
    %min3A = arith.constant 10 : i32
    %min3A_6 = arith.minsi %add3A, %min3A : i32
    %add3A_7 = arith.addi %mul3A_5, %min3A_6 : i32
    tpu.enqueue_dma source(%arg2 : memref<100000xi32, #tpu.memory_space<hbm>>) target(%arg10 : memref<100000xi32, #tpu.memory_space<vmem>>) target_semaphore(%arg21 : memref<!tpu.dma_semaphore, #tpu.memory_space<semaphore_mem>>)
    tpu.enqueue_dma source(%arg3 : memref<8x16xf32, #tpu.memory_space<hbm>>) target(%arg11 : memref<8x16xf32, #tpu.memory_space<vmem>>) target_semaphore(%arg21 : memref<!tpu.dma_semaphore, #tpu.memory_space<semaphore_mem>>)
    %add3A_8 = arith.constant 0 : i32
    %add3A_9 = arith.addi %arg1, %add3A_8 : i32
    %lt3A_10 = arith.constant 98 : i32
    %lt3A_11 = arith.cmpi slt, %add3A_9, %lt3A_10 : i32
    %convert_element_type3A_12 = arith.extui %lt3A_11 : i1 to i32
    %cond3A = arith.constant 0 : i32
    %cond3A_13 = arith.cmpi ne, %convert_element_type3A_12, %cond3A : i32
    scf.if %cond3A_13 {
      %mul3A_129 = arith.constant 1024 : i32
      %mul3A_130 = arith.muli %add3A_9, %mul3A_129 : i32
      %mul3A_131 = arith.constant 1024 : i32
      %mul3A_132 = arith.muli %add3A_9, %mul3A_131 : i32
      "tpu.region"() ({
        %run_scoped3A = tpu.sem_alloc : memref<!tpu.dma_semaphore, #tpu.memory_space<semaphore_mem>>
        %dma_start3A = tpu.memref_slice %arg17[%mul3A_132] : memref<100352xf32, #tpu.memory_space<vmem_shared>> -> memref<1024xf32, #tpu.memory_space<vmem_shared>>
        %dma_start3A_133 = tpu.memref_slice %arg4[%mul3A_130] : memref<100352xf32, #tpu.memory_space<hbm>> -> memref<1024xf32, #tpu.memory_space<hbm>>
        tpu.enqueue_dma source(%dma_start3A_133 : memref<1024xf32, #tpu.memory_space<hbm>>) target(%dma_start3A : memref<1024xf32, #tpu.memory_space<vmem_shared>>) target_semaphore(%run_scoped3A : memref<!tpu.dma_semaphore, #tpu.memory_space<semaphore_mem>>)
        %dma_wait3A = tpu.memref_slice %arg17[%mul3A_132] : memref<100352xf32, #tpu.memory_space<vmem_shared>> -> memref<1024xf32, #tpu.memory_space<vmem_shared>>
        %dma_wait3A_134 = tpu.memref_slice %arg4[%mul3A_130] : memref<100352xf32, #tpu.memory_space<hbm>> -> memref<1024xf32, #tpu.memory_space<hbm>>
        tpu.wait_dma2 semaphore(%run_scoped3A : memref<!tpu.dma_semaphore, #tpu.memory_space<semaphore_mem>>) src(%dma_wait3A_134 : memref<1024xf32, #tpu.memory_space<hbm>>) dst(%dma_wait3A : memref<1024xf32, #tpu.memory_space<vmem_shared>>)
        tpu.yield
      }) : () -> ()
    } else {
    }
    %add3A_14 = arith.constant 16 : i32
    %add3A_15 = arith.addi %arg1, %add3A_14 : i32
    %lt3A_16 = arith.constant 98 : i32
    %lt3A_17 = arith.cmpi slt, %add3A_15, %lt3A_16 : i32
    %convert_element_type3A_18 = arith.extui %lt3A_17 : i1 to i32
    %cond3A_19 = arith.constant 0 : i32
    %cond3A_20 = arith.cmpi ne, %convert_element_type3A_18, %cond3A_19 : i32
    scf.if %cond3A_20 {
      %mul3A_129 = arith.constant 1024 : i32
      %mul3A_130 = arith.muli %add3A_15, %mul3A_129 : i32
      %mul3A_131 = arith.constant 1024 : i32
      %mul3A_132 = arith.muli %add3A_15, %mul3A_131 : i32
      "tpu.region"() ({
        %run_scoped3A = tpu.sem_alloc : memref<!tpu.dma_semaphore, #tpu.memory_space<semaphore_mem>>
        %dma_start3A = tpu.memref_slice %arg17[%mul3A_132] : memref<100352xf32, #tpu.memory_space<vmem_shared>> -> memref<1024xf32, #tpu.memory_space<vmem_shared>>
        %dma_start3A_133 = tpu.memref_slice %arg4[%mul3A_130] : memref<100352xf32, #tpu.memory_space<hbm>> -> memref<1024xf32, #tpu.memory_space<hbm>>
        tpu.enqueue_dma source(%dma_start3A_133 : memref<1024xf32, #tpu.memory_space<hbm>>) target(%dma_start3A : memref<1024xf32, #tpu.memory_space<vmem_shared>>) target_semaphore(%run_scoped3A : memref<!tpu.dma_semaphore, #tpu.memory_space<semaphore_mem>>)
        %dma_wait3A = tpu.memref_slice %arg17[%mul3A_132] : memref<100352xf32, #tpu.memory_space<vmem_shared>> -> memref<1024xf32, #tpu.memory_space<vmem_shared>>
        %dma_wait3A_134 = tpu.memref_slice %arg4[%mul3A_130] : memref<100352xf32, #tpu.memory_space<hbm>> -> memref<1024xf32, #tpu.memory_space<hbm>>
        tpu.wait_dma2 semaphore(%run_scoped3A : memref<!tpu.dma_semaphore, #tpu.memory_space<semaphore_mem>>) src(%dma_wait3A_134 : memref<1024xf32, #tpu.memory_space<hbm>>) dst(%dma_wait3A : memref<1024xf32, #tpu.memory_space<vmem_shared>>)
        tpu.yield
      }) : () -> ()
    } else {
    }
    %add3A_21 = arith.constant 32 : i32
    %add3A_22 = arith.addi %arg1, %add3A_21 : i32
    %lt3A_23 = arith.constant 98 : i32
    %lt3A_24 = arith.cmpi slt, %add3A_22, %lt3A_23 : i32
    %convert_element_type3A_25 = arith.extui %lt3A_24 : i1 to i32
    %cond3A_26 = arith.constant 0 : i32
    %cond3A_27 = arith.cmpi ne, %convert_element_type3A_25, %cond3A_26 : i32
    scf.if %cond3A_27 {
      %mul3A_129 = arith.constant 1024 : i32
      %mul3A_130 = arith.muli %add3A_22, %mul3A_129 : i32
      %mul3A_131 = arith.constant 1024 : i32
      %mul3A_132 = arith.muli %add3A_22, %mul3A_131 : i32
      "tpu.region"() ({
        %run_scoped3A = tpu.sem_alloc : memref<!tpu.dma_semaphore, #tpu.memory_space<semaphore_mem>>
        %dma_start3A = tpu.memref_slice %arg17[%mul3A_132] : memref<100352xf32, #tpu.memory_space<vmem_shared>> -> memref<1024xf32, #tpu.memory_space<vmem_shared>>
        %dma_start3A_133 = tpu.memref_slice %arg4[%mul3A_130] : memref<100352xf32, #tpu.memory_space<hbm>> -> memref<1024xf32, #tpu.memory_space<hbm>>
        tpu.enqueue_dma source(%dma_start3A_133 : memref<1024xf32, #tpu.memory_space<hbm>>) target(%dma_start3A : memref<1024xf32, #tpu.memory_space<vmem_shared>>) target_semaphore(%run_scoped3A : memref<!tpu.dma_semaphore, #tpu.memory_space<semaphore_mem>>)
        %dma_wait3A = tpu.memref_slice %arg17[%mul3A_132] : memref<100352xf32, #tpu.memory_space<vmem_shared>> -> memref<1024xf32, #tpu.memory_space<vmem_shared>>
        %dma_wait3A_134 = tpu.memref_slice %arg4[%mul3A_130] : memref<100352xf32, #tpu.memory_space<hbm>> -> memref<1024xf32, #tpu.memory_space<hbm>>
        tpu.wait_dma2 semaphore(%run_scoped3A : memref<!tpu.dma_semaphore, #tpu.memory_space<semaphore_mem>>) src(%dma_wait3A_134 : memref<1024xf32, #tpu.memory_space<hbm>>) dst(%dma_wait3A : memref<1024xf32, #tpu.memory_space<vmem_shared>>)
        tpu.yield
      }) : () -> ()
    } else {
    }
    %add3A_28 = arith.constant 48 : i32
    %add3A_29 = arith.addi %arg1, %add3A_28 : i32
    %lt3A_30 = arith.constant 98 : i32
    %lt3A_31 = arith.cmpi slt, %add3A_29, %lt3A_30 : i32
    %convert_element_type3A_32 = arith.extui %lt3A_31 : i1 to i32
    %cond3A_33 = arith.constant 0 : i32
    %cond3A_34 = arith.cmpi ne, %convert_element_type3A_32, %cond3A_33 : i32
    scf.if %cond3A_34 {
      %mul3A_129 = arith.constant 1024 : i32
      %mul3A_130 = arith.muli %add3A_29, %mul3A_129 : i32
      %mul3A_131 = arith.constant 1024 : i32
      %mul3A_132 = arith.muli %add3A_29, %mul3A_131 : i32
      "tpu.region"() ({
        %run_scoped3A = tpu.sem_alloc : memref<!tpu.dma_semaphore, #tpu.memory_space<semaphore_mem>>
        %dma_start3A = tpu.memref_slice %arg17[%mul3A_132] : memref<100352xf32, #tpu.memory_space<vmem_shared>> -> memref<1024xf32, #tpu.memory_space<vmem_shared>>
        %dma_start3A_133 = tpu.memref_slice %arg4[%mul3A_130] : memref<100352xf32, #tpu.memory_space<hbm>> -> memref<1024xf32, #tpu.memory_space<hbm>>
        tpu.enqueue_dma source(%dma_start3A_133 : memref<1024xf32, #tpu.memory_space<hbm>>) target(%dma_start3A : memref<1024xf32, #tpu.memory_space<vmem_shared>>) target_semaphore(%run_scoped3A : memref<!tpu.dma_semaphore, #tpu.memory_space<semaphore_mem>>)
        %dma_wait3A = tpu.memref_slice %arg17[%mul3A_132] : memref<100352xf32, #tpu.memory_space<vmem_shared>> -> memref<1024xf32, #tpu.memory_space<vmem_shared>>
        %dma_wait3A_134 = tpu.memref_slice %arg4[%mul3A_130] : memref<100352xf32, #tpu.memory_space<hbm>> -> memref<1024xf32, #tpu.memory_space<hbm>>
        tpu.wait_dma2 semaphore(%run_scoped3A : memref<!tpu.dma_semaphore, #tpu.memory_space<semaphore_mem>>) src(%dma_wait3A_134 : memref<1024xf32, #tpu.memory_space<hbm>>) dst(%dma_wait3A : memref<1024xf32, #tpu.memory_space<vmem_shared>>)
        tpu.yield
      }) : () -> ()
    } else {
    }
    %add3A_35 = arith.constant 64 : i32
    %add3A_36 = arith.addi %arg1, %add3A_35 : i32
    %lt3A_37 = arith.constant 98 : i32
    %lt3A_38 = arith.cmpi slt, %add3A_36, %lt3A_37 : i32
    %convert_element_type3A_39 = arith.extui %lt3A_38 : i1 to i32
    %cond3A_40 = arith.constant 0 : i32
    %cond3A_41 = arith.cmpi ne, %convert_element_type3A_39, %cond3A_40 : i32
    scf.if %cond3A_41 {
      %mul3A_129 = arith.constant 1024 : i32
      %mul3A_130 = arith.muli %add3A_36, %mul3A_129 : i32
      %mul3A_131 = arith.constant 1024 : i32
      %mul3A_132 = arith.muli %add3A_36, %mul3A_131 : i32
      "tpu.region"() ({
        %run_scoped3A = tpu.sem_alloc : memref<!tpu.dma_semaphore, #tpu.memory_space<semaphore_mem>>
        %dma_start3A = tpu.memref_slice %arg17[%mul3A_132] : memref<100352xf32, #tpu.memory_space<vmem_shared>> -> memref<1024xf32, #tpu.memory_space<vmem_shared>>
        %dma_start3A_133 = tpu.memref_slice %arg4[%mul3A_130] : memref<100352xf32, #tpu.memory_space<hbm>> -> memref<1024xf32, #tpu.memory_space<hbm>>
        tpu.enqueue_dma source(%dma_start3A_133 : memref<1024xf32, #tpu.memory_space<hbm>>) target(%dma_start3A : memref<1024xf32, #tpu.memory_space<vmem_shared>>) target_semaphore(%run_scoped3A : memref<!tpu.dma_semaphore, #tpu.memory_space<semaphore_mem>>)
        %dma_wait3A = tpu.memref_slice %arg17[%mul3A_132] : memref<100352xf32, #tpu.memory_space<vmem_shared>> -> memref<1024xf32, #tpu.memory_space<vmem_shared>>
        %dma_wait3A_134 = tpu.memref_slice %arg4[%mul3A_130] : memref<100352xf32, #tpu.memory_space<hbm>> -> memref<1024xf32, #tpu.memory_space<hbm>>
        tpu.wait_dma2 semaphore(%run_scoped3A : memref<!tpu.dma_semaphore, #tpu.memory_space<semaphore_mem>>) src(%dma_wait3A_134 : memref<1024xf32, #tpu.memory_space<hbm>>) dst(%dma_wait3A : memref<1024xf32, #tpu.memory_space<vmem_shared>>)
        tpu.yield
      }) : () -> ()
    } else {
    }
    %add3A_42 = arith.constant 80 : i32
    %add3A_43 = arith.addi %arg1, %add3A_42 : i32
    %lt3A_44 = arith.constant 98 : i32
    %lt3A_45 = arith.cmpi slt, %add3A_43, %lt3A_44 : i32
    %convert_element_type3A_46 = arith.extui %lt3A_45 : i1 to i32
    %cond3A_47 = arith.constant 0 : i32
    %cond3A_48 = arith.cmpi ne, %convert_element_type3A_46, %cond3A_47 : i32
    scf.if %cond3A_48 {
      %mul3A_129 = arith.constant 1024 : i32
      %mul3A_130 = arith.muli %add3A_43, %mul3A_129 : i32
      %mul3A_131 = arith.constant 1024 : i32
      %mul3A_132 = arith.muli %add3A_43, %mul3A_131 : i32
      "tpu.region"() ({
        %run_scoped3A = tpu.sem_alloc : memref<!tpu.dma_semaphore, #tpu.memory_space<semaphore_mem>>
        %dma_start3A = tpu.memref_slice %arg17[%mul3A_132] : memref<100352xf32, #tpu.memory_space<vmem_shared>> -> memref<1024xf32, #tpu.memory_space<vmem_shared>>
        %dma_start3A_133 = tpu.memref_slice %arg4[%mul3A_130] : memref<100352xf32, #tpu.memory_space<hbm>> -> memref<1024xf32, #tpu.memory_space<hbm>>
        tpu.enqueue_dma source(%dma_start3A_133 : memref<1024xf32, #tpu.memory_space<hbm>>) target(%dma_start3A : memref<1024xf32, #tpu.memory_space<vmem_shared>>) target_semaphore(%run_scoped3A : memref<!tpu.dma_semaphore, #tpu.memory_space<semaphore_mem>>)
        %dma_wait3A = tpu.memref_slice %arg17[%mul3A_132] : memref<100352xf32, #tpu.memory_space<vmem_shared>> -> memref<1024xf32, #tpu.memory_space<vmem_shared>>
        %dma_wait3A_134 = tpu.memref_slice %arg4[%mul3A_130] : memref<100352xf32, #tpu.memory_space<hbm>> -> memref<1024xf32, #tpu.memory_space<hbm>>
        tpu.wait_dma2 semaphore(%run_scoped3A : memref<!tpu.dma_semaphore, #tpu.memory_space<semaphore_mem>>) src(%dma_wait3A_134 : memref<1024xf32, #tpu.memory_space<hbm>>) dst(%dma_wait3A : memref<1024xf32, #tpu.memory_space<vmem_shared>>)
        tpu.yield
      }) : () -> ()
    } else {
    }
    %add3A_49 = arith.constant 96 : i32
    %add3A_50 = arith.addi %arg1, %add3A_49 : i32
    %lt3A_51 = arith.constant 98 : i32
    %lt3A_52 = arith.cmpi slt, %add3A_50, %lt3A_51 : i32
    %convert_element_type3A_53 = arith.extui %lt3A_52 : i1 to i32
    %cond3A_54 = arith.constant 0 : i32
    %cond3A_55 = arith.cmpi ne, %convert_element_type3A_53, %cond3A_54 : i32
    scf.if %cond3A_55 {
      %mul3A_129 = arith.constant 1024 : i32
      %mul3A_130 = arith.muli %add3A_50, %mul3A_129 : i32
      %mul3A_131 = arith.constant 1024 : i32
      %mul3A_132 = arith.muli %add3A_50, %mul3A_131 : i32
      "tpu.region"() ({
        %run_scoped3A = tpu.sem_alloc : memref<!tpu.dma_semaphore, #tpu.memory_space<semaphore_mem>>
        %dma_start3A = tpu.memref_slice %arg17[%mul3A_132] : memref<100352xf32, #tpu.memory_space<vmem_shared>> -> memref<1024xf32, #tpu.memory_space<vmem_shared>>
        %dma_start3A_133 = tpu.memref_slice %arg4[%mul3A_130] : memref<100352xf32, #tpu.memory_space<hbm>> -> memref<1024xf32, #tpu.memory_space<hbm>>
        tpu.enqueue_dma source(%dma_start3A_133 : memref<1024xf32, #tpu.memory_space<hbm>>) target(%dma_start3A : memref<1024xf32, #tpu.memory_space<vmem_shared>>) target_semaphore(%run_scoped3A : memref<!tpu.dma_semaphore, #tpu.memory_space<semaphore_mem>>)
        %dma_wait3A = tpu.memref_slice %arg17[%mul3A_132] : memref<100352xf32, #tpu.memory_space<vmem_shared>> -> memref<1024xf32, #tpu.memory_space<vmem_shared>>
        %dma_wait3A_134 = tpu.memref_slice %arg4[%mul3A_130] : memref<100352xf32, #tpu.memory_space<hbm>> -> memref<1024xf32, #tpu.memory_space<hbm>>
        tpu.wait_dma2 semaphore(%run_scoped3A : memref<!tpu.dma_semaphore, #tpu.memory_space<semaphore_mem>>) src(%dma_wait3A_134 : memref<1024xf32, #tpu.memory_space<hbm>>) dst(%dma_wait3A : memref<1024xf32, #tpu.memory_space<vmem_shared>>)
        tpu.yield
      }) : () -> ()
    } else {
    }
    tpu.wait_dma2 semaphore(%arg21 : memref<!tpu.dma_semaphore, #tpu.memory_space<semaphore_mem>>) src(%arg2 : memref<100000xi32, #tpu.memory_space<hbm>>) dst(%arg10 : memref<100000xi32, #tpu.memory_space<vmem>>)
    tpu.wait_dma2 semaphore(%arg21 : memref<!tpu.dma_semaphore, #tpu.memory_space<semaphore_mem>>) src(%arg3 : memref<8x16xf32, #tpu.memory_space<hbm>>) dst(%arg11 : memref<8x16xf32, #tpu.memory_space<vmem>>)
    %barrier3A = arith.constant 0 : index
    tpu.barrier barrier_id(%barrier3A)
    %get3A = arith.constant 0 : i32
    %get3A_56 = arith.index_cast %get3A : i32 to index
    %get3A_57 = arith.constant 0 : index
    %get3A_58 = tpu.vector_load %arg11[%get3A_56, %get3A_57] {strides = array<i32>} : memref<8x16xf32, #tpu.memory_space<vmem>>, vector<16xf32>,
    %get3A_59 = arith.constant 1 : i32
    %get3A_60 = arith.index_cast %get3A_59 : i32 to index
    %get3A_61 = arith.constant 0 : index
    %get3A_62 = tpu.vector_load %arg11[%get3A_60, %get3A_61] {strides = array<i32>} : memref<8x16xf32, #tpu.memory_space<vmem>>, vector<16xf32>,
    %get3A_63 = arith.constant 2 : i32
    %get3A_64 = arith.index_cast %get3A_63 : i32 to index
    %get3A_65 = arith.constant 0 : index
    %get3A_66 = tpu.vector_load %arg11[%get3A_64, %get3A_65] {strides = array<i32>} : memref<8x16xf32, #tpu.memory_space<vmem>>, vector<16xf32>,
    %get3A_67 = arith.constant 3 : i32
    %get3A_68 = arith.index_cast %get3A_67 : i32 to index
    %get3A_69 = arith.constant 0 : index
    %get3A_70 = tpu.vector_load %arg11[%get3A_68, %get3A_69] {strides = array<i32>} : memref<8x16xf32, #tpu.memory_space<vmem>>, vector<16xf32>,
    %get3A_71 = arith.constant 4 : i32
    %get3A_72 = arith.index_cast %get3A_71 : i32 to index
    %get3A_73 = arith.constant 0 : index
    %get3A_74 = tpu.vector_load %arg11[%get3A_72, %get3A_73] {strides = array<i32>} : memref<8x16xf32, #tpu.memory_space<vmem>>, vector<16xf32>,
    %get3A_75 = arith.constant 5 : i32
    %get3A_76 = arith.index_cast %get3A_75 : i32 to index
    %get3A_77 = arith.constant 0 : index
    %get3A_78 = tpu.vector_load %arg11[%get3A_76, %get3A_77] {strides = array<i32>} : memref<8x16xf32, #tpu.memory_space<vmem>>, vector<16xf32>,
    %get3A_79 = arith.constant 6 : i32
    %get3A_80 = arith.index_cast %get3A_79 : i32 to index
    %get3A_81 = arith.constant 0 : index
    %get3A_82 = tpu.vector_load %arg11[%get3A_80, %get3A_81] {strides = array<i32>} : memref<8x16xf32, #tpu.memory_space<vmem>>, vector<16xf32>,
    %get3A_83 = arith.constant 7 : i32
    %get3A_84 = arith.index_cast %get3A_83 : i32 to index
    %get3A_85 = arith.constant 0 : index
    %get3A_86 = tpu.vector_load %arg11[%get3A_84, %get3A_85] {strides = array<i32>} : memref<8x16xf32, #tpu.memory_space<vmem>>, vector<16xf32>,
    %gt3A = arith.constant 0 : i32
    %gt3A_87 = arith.cmpi sgt, %add3A_3, %gt3A : i32
    %convert_element_type3A_88 = arith.extui %gt3A_87 : i1 to i32
    %cond3A_89 = arith.constant 0 : i32
    %cond3A_90 = arith.cmpi ne, %convert_element_type3A_88, %cond3A_89 : i32
    scf.if %cond3A_90 {
      %add3A_129 = arith.constant 0 : i32
      %add3A_130 = arith.addi %add3A_7, %add3A_129 : i32
      %mul3A_131 = arith.constant 8 : i32
      %mul3A_132 = arith.muli %add3A_130, %mul3A_131 : i32
      %rem3A = arith.constant 0 : i32
      %rem3A_133 = arith.constant 6 : i32
      %rem3A_134 = arith.remsi %rem3A, %rem3A_133 : i32
      %rem3A_135 = arith.constant 0 : i32
      %rem3A_136 = arith.constant 5 : i32
      %rem3A_137 = arith.remsi %rem3A_135, %rem3A_136 : i32
      %dma_start3A = arith.constant 0 : i32
      %dma_start3A_138 = arith.constant 0 : i32
      %dma_start3A_139 = tpu.memref_slice %arg12[%rem3A_134, %dma_start3A, %dma_start3A_138] : memref<6x8x128xi32, #tpu.memory_space<vmem>> -> memref<1x8x128xi32, #tpu.memory_space<vmem>>
      %dma_start3A_140 = tpu.memref_squeeze %dma_start3A_139 : memref<1x8x128xi32, #tpu.memory_space<vmem>> -> memref<8x128xi32, #tpu.memory_space<vmem>>
      %dma_start3A_141 = arith.constant 0 : i32
      %dma_start3A_142 = tpu.memref_slice %arg5[%mul3A_132, %dma_start3A_141] : memref<50000x128xi32, #tpu.memory_space<hbm>> -> memref<8x128xi32, #tpu.memory_space<hbm>>
      %dma_start3A_143 = tpu.memref_slice %arg18[%rem3A_134] : memref<6x!tpu.dma_semaphore, #tpu.memory_space<semaphore_mem>> -> memref<1x!tpu.dma_semaphore, #tpu.memory_space<semaphore_mem>>
      %dma_start3A_144 = tpu.memref_squeeze %dma_start3A_143 : memref<1x!tpu.dma_semaphore, #tpu.memory_space<semaphore_mem>> -> memref<!tpu.dma_semaphore, #tpu.memory_space<semaphore_mem>>
      %dma_start3A_145 = arith.constant 0 : i32
      %dma_start3A_146 = arith.constant 0 : i32
      %dma_start3A_147 = tpu.memref_slice %arg12[%rem3A_134, %dma_start3A_145, %dma_start3A_146] : memref<6x8x128xi32, #tpu.memory_space<vmem>> -> memref<1x8x128xi32, #tpu.memory_space<vmem>>
      %dma_start3A_148 = tpu.memref_squeeze %dma_start3A_147 : memref<1x8x128xi32, #tpu.memory_space<vmem>> -> memref<8x128xi32, #tpu.memory_space<vmem>>
      %dma_start3A_149 = arith.constant 0 : i32
      %dma_start3A_150 = tpu.memref_slice %arg5[%mul3A_132, %dma_start3A_149] : memref<50000x128xi32, #tpu.memory_space<hbm>> -> memref<8x128xi32, #tpu.memory_space<hbm>>
      tpu.enqueue_dma source(%dma_start3A_150 : memref<8x128xi32, #tpu.memory_space<hbm>>) target(%dma_start3A_148 : memref<8x128xi32, #tpu.memory_space<vmem>>) target_semaphore(%dma_start3A_144 : memref<!tpu.dma_semaphore, #tpu.memory_space<semaphore_mem>>)
      %dma_start3A_151 = arith.constant 0 : i32
      %dma_start3A_152 = arith.constant 0 : i32
      %dma_start3A_153 = tpu.memref_slice %arg13[%rem3A_137, %dma_start3A_151, %dma_start3A_152] : memref<5x8x128xi32, #tpu.memory_space<vmem>> -> memref<1x8x128xi32, #tpu.memory_space<vmem>>
      %dma_start3A_154 = tpu.memref_squeeze %dma_start3A_153 : memref<1x8x128xi32, #tpu.memory_space<vmem>> -> memref<8x128xi32, #tpu.memory_space<vmem>>
      %dma_start3A_155 = arith.constant 0 : i32
      %dma_start3A_156 = tpu.memref_slice %arg6[%mul3A_132, %dma_start3A_155] : memref<50000x128xi32, #tpu.memory_space<hbm>> -> memref<8x128xi32, #tpu.memory_space<hbm>>
      %dma_start3A_157 = tpu.memref_slice %arg19[%rem3A_137] : memref<5x!tpu.dma_semaphore, #tpu.memory_space<semaphore_mem>> -> memref<1x!tpu.dma_semaphore, #tpu.memory_space<semaphore_mem>>
      %dma_start3A_158 = tpu.memref_squeeze %dma_start3A_157 : memref<1x!tpu.dma_semaphore, #tpu.memory_space<semaphore_mem>> -> memref<!tpu.dma_semaphore, #tpu.memory_space<semaphore_mem>>
      %dma_start3A_159 = arith.constant 0 : i32
      %dma_start3A_160 = arith.constant 0 : i32
      %dma_start3A_161 = tpu.memref_slice %arg13[%rem3A_137, %dma_start3A_159, %dma_start3A_160] : memref<5x8x128xi32, #tpu.memory_space<vmem>> -> memref<1x8x128xi32, #tpu.memory_space<vmem>>
      %dma_start3A_162 = tpu.memref_squeeze %dma_start3A_161 : memref<1x8x128xi32, #tpu.memory_space<vmem>> -> memref<8x128xi32, #tpu.memory_space<vmem>>
      %dma_start3A_163 = arith.constant 0 : i32
      %dma_start3A_164 = tpu.memref_slice %arg6[%mul3A_132, %dma_start3A_163] : memref<50000x128xi32, #tpu.memory_space<hbm>> -> memref<8x128xi32, #tpu.memory_space<hbm>>
      tpu.enqueue_dma source(%dma_start3A_164 : memref<8x128xi32, #tpu.memory_space<hbm>>) target(%dma_start3A_162 : memref<8x128xi32, #tpu.memory_space<vmem>>) target_semaphore(%dma_start3A_158 : memref<!tpu.dma_semaphore, #tpu.memory_space<semaphore_mem>>)
      %dma_start3A_165 = arith.constant 0 : i32
      %dma_start3A_166 = arith.constant 0 : i32
      %dma_start3A_167 = tpu.memref_slice %arg14[%rem3A_137, %dma_start3A_165, %dma_start3A_166] : memref<5x8x128xf32, #tpu.memory_space<vmem>> -> memref<1x8x128xf32, #tpu.memory_space<vmem>>
      %dma_start3A_168 = tpu.memref_squeeze %dma_start3A_167 : memref<1x8x128xf32, #tpu.memory_space<vmem>> -> memref<8x128xf32, #tpu.memory_space<vmem>>
      %dma_start3A_169 = arith.constant 0 : i32
      %dma_start3A_170 = tpu.memref_slice %arg7[%mul3A_132, %dma_start3A_169] : memref<50000x128xf32, #tpu.memory_space<hbm>> -> memref<8x128xf32, #tpu.memory_space<hbm>>
      %dma_start3A_171 = tpu.memref_slice %arg19[%rem3A_137] : memref<5x!tpu.dma_semaphore, #tpu.memory_space<semaphore_mem>> -> memref<1x!tpu.dma_semaphore, #tpu.memory_space<semaphore_mem>>
      %dma_start3A_172 = tpu.memref_squeeze %dma_start3A_171 : memref<1x!tpu.dma_semaphore, #tpu.memory_space<semaphore_mem>> -> memref<!tpu.dma_semaphore, #tpu.memory_space<semaphore_mem>>
      %dma_start3A_173 = arith.constant 0 : i32
      %dma_start3A_174 = arith.constant 0 : i32
      %dma_start3A_175 = tpu.memref_slice %arg14[%rem3A_137, %dma_start3A_173, %dma_start3A_174] : memref<5x8x128xf32, #tpu.memory_space<vmem>> -> memref<1x8x128xf32, #tpu.memory_space<vmem>>
      %dma_start3A_176 = tpu.memref_squeeze %dma_start3A_175 : memref<1x8x128xf32, #tpu.memory_space<vmem>> -> memref<8x128xf32, #tpu.memory_space<vmem>>
      %dma_start3A_177 = arith.constant 0 : i32
      %dma_start3A_178 = tpu.memref_slice %arg7[%mul3A_132, %dma_start3A_177] : memref<50000x128xf32, #tpu.memory_space<hbm>> -> memref<8x128xf32, #tpu.memory_space<hbm>>
      tpu.enqueue_dma source(%dma_start3A_178 : memref<8x128xf32, #tpu.memory_space<hbm>>) target(%dma_start3A_176 : memref<8x128xf32, #tpu.memory_space<vmem>>) target_semaphore(%dma_start3A_172 : memref<!tpu.dma_semaphore, #tpu.memory_space<semaphore_mem>>)
      %dma_start3A_179 = arith.constant 0 : i32
      %dma_start3A_180 = arith.constant 0 : i32
      %dma_start3A_181 = tpu.memref_slice %arg15[%rem3A_137, %dma_start3A_179, %dma_start3A_180] : memref<5x8x128xf32, #tpu.memory_space<vmem>> -> memref<1x8x128xf32, #tpu.memory_space<vmem>>
      %dma_start3A_182 = tpu.memref_squeeze %dma_start3A_181 : memref<1x8x128xf32, #tpu.memory_space<vmem>> -> memref<8x128xf32, #tpu.memory_space<vmem>>
      %dma_start3A_183 = arith.constant 0 : i32
      %dma_start3A_184 = tpu.memref_slice %arg8[%mul3A_132, %dma_start3A_183] : memref<50000x128xf32, #tpu.memory_space<hbm>> -> memref<8x128xf32, #tpu.memory_space<hbm>>
      %dma_start3A_185 = tpu.memref_slice %arg19[%rem3A_137] : memref<5x!tpu.dma_semaphore, #tpu.memory_space<semaphore_mem>> -> memref<1x!tpu.dma_semaphore, #tpu.memory_space<semaphore_mem>>
      %dma_start3A_186 = tpu.memref_squeeze %dma_start3A_185 : memref<1x!tpu.dma_semaphore, #tpu.memory_space<semaphore_mem>> -> memref<!tpu.dma_semaphore, #tpu.memory_space<semaphore_mem>>
      %dma_start3A_187 = arith.constant 0 : i32
      %dma_start3A_188 = arith.constant 0 : i32
      %dma_start3A_189 = tpu.memref_slice %arg15[%rem3A_137, %dma_start3A_187, %dma_start3A_188] : memref<5x8x128xf32, #tpu.memory_space<vmem>> -> memref<1x8x128xf32, #tpu.memory_space<vmem>>
      %dma_start3A_190 = tpu.memref_squeeze %dma_start3A_189 : memref<1x8x128xf32, #tpu.memory_space<vmem>> -> memref<8x128xf32, #tpu.memory_space<vmem>>
      %dma_start3A_191 = arith.constant 0 : i32
      %dma_start3A_192 = tpu.memref_slice %arg8[%mul3A_132, %dma_start3A_191] : memref<50000x128xf32, #tpu.memory_space<hbm>> -> memref<8x128xf32, #tpu.memory_space<hbm>>
      tpu.enqueue_dma source(%dma_start3A_192 : memref<8x128xf32, #tpu.memory_space<hbm>>) target(%dma_start3A_190 : memref<8x128xf32, #tpu.memory_space<vmem>>) target_semaphore(%dma_start3A_186 : memref<!tpu.dma_semaphore, #tpu.memory_space<semaphore_mem>>)
    } else {
    }
    %gt3A_91 = arith.constant 1 : i32
    %gt3A_92 = arith.cmpi sgt, %add3A_3, %gt3A_91 : i32
    %convert_element_type3A_93 = arith.extui %gt3A_92 : i1 to i32
    %cond3A_94 = arith.constant 0 : i32
    %cond3A_95 = arith.cmpi ne, %convert_element_type3A_93, %cond3A_94 : i32
    scf.if %cond3A_95 {
      %add3A_129 = arith.constant 1 : i32
      %add3A_130 = arith.addi %add3A_7, %add3A_129 : i32
      %mul3A_131 = arith.constant 8 : i32
      %mul3A_132 = arith.muli %add3A_130, %mul3A_131 : i32
      %rem3A = arith.constant 1 : i32
      %rem3A_133 = arith.constant 6 : i32
      %rem3A_134 = arith.remsi %rem3A, %rem3A_133 : i32
      %rem3A_135 = arith.constant 1 : i32
      %rem3A_136 = arith.constant 5 : i32
      %rem3A_137 = arith.remsi %rem3A_135, %rem3A_136 : i32
      %dma_start3A = arith.constant 0 : i32
      %dma_start3A_138 = arith.constant 0 : i32
      %dma_start3A_139 = tpu.memref_slice %arg12[%rem3A_134, %dma_start3A, %dma_start3A_138] : memref<6x8x128xi32, #tpu.memory_space<vmem>> -> memref<1x8x128xi32, #tpu.memory_space<vmem>>
      %dma_start3A_140 = tpu.memref_squeeze %dma_start3A_139 : memref<1x8x128xi32, #tpu.memory_space<vmem>> -> memref<8x128xi32, #tpu.memory_space<vmem>>
      %dma_start3A_141 = arith.constant 0 : i32
      %dma_start3A_142 = tpu.memref_slice %arg5[%mul3A_132, %dma_start3A_141] : memref<50000x128xi32, #tpu.memory_space<hbm>> -> memref<8x128xi32, #tpu.memory_space<hbm>>
      %dma_start3A_143 = tpu.memref_slice %arg18[%rem3A_134] : memref<6x!tpu.dma_semaphore, #tpu.memory_space<semaphore_mem>> -> memref<1x!tpu.dma_semaphore, #tpu.memory_space<semaphore_mem>>
      %dma_start3A_144 = tpu.memref_squeeze %dma_start3A_143 : memref<1x!tpu.dma_semaphore, #tpu.memory_space<semaphore_mem>> -> memref<!tpu.dma_semaphore, #tpu.memory_space<semaphore_mem>>
      %dma_start3A_145 = arith.constant 0 : i32
      %dma_start3A_146 = arith.constant 0 : i32
      %dma_start3A_147 = tpu.memref_slice %arg12[%rem3A_134, %dma_start3A_145, %dma_start3A_146] : memref<6x8x128xi32, #tpu.memory_space<vmem>> -> memref<1x8x128xi32, #tpu.memory_space<vmem>>
      %dma_start3A_148 = tpu.memref_squeeze %dma_start3A_147 : memref<1x8x128xi32, #tpu.memory_space<vmem>> -> memref<8x128xi32, #tpu.memory_space<vmem>>
      %dma_start3A_149 = arith.constant 0 : i32
      %dma_start3A_150 = tpu.memref_slice %arg5[%mul3A_132, %dma_start3A_149] : memref<50000x128xi32, #tpu.memory_space<hbm>> -> memref<8x128xi32, #tpu.memory_space<hbm>>
      tpu.enqueue_dma source(%dma_start3A_150 : memref<8x128xi32, #tpu.memory_space<hbm>>) target(%dma_start3A_148 : memref<8x128xi32, #tpu.memory_space<vmem>>) target_semaphore(%dma_start3A_144 : memref<!tpu.dma_semaphore, #tpu.memory_space<semaphore_mem>>)
      %dma_start3A_151 = arith.constant 0 : i32
      %dma_start3A_152 = arith.constant 0 : i32
      %dma_start3A_153 = tpu.memref_slice %arg13[%rem3A_137, %dma_start3A_151, %dma_start3A_152] : memref<5x8x128xi32, #tpu.memory_space<vmem>> -> memref<1x8x128xi32, #tpu.memory_space<vmem>>
      %dma_start3A_154 = tpu.memref_squeeze %dma_start3A_153 : memref<1x8x128xi32, #tpu.memory_space<vmem>> -> memref<8x128xi32, #tpu.memory_space<vmem>>
      %dma_start3A_155 = arith.constant 0 : i32
      %dma_start3A_156 = tpu.memref_slice %arg6[%mul3A_132, %dma_start3A_155] : memref<50000x128xi32, #tpu.memory_space<hbm>> -> memref<8x128xi32, #tpu.memory_space<hbm>>
      %dma_start3A_157 = tpu.memref_slice %arg19[%rem3A_137] : memref<5x!tpu.dma_semaphore, #tpu.memory_space<semaphore_mem>> -> memref<1x!tpu.dma_semaphore, #tpu.memory_space<semaphore_mem>>
      %dma_start3A_158 = tpu.memref_squeeze %dma_start3A_157 : memref<1x!tpu.dma_semaphore, #tpu.memory_space<semaphore_mem>> -> memref<!tpu.dma_semaphore, #tpu.memory_space<semaphore_mem>>
      %dma_start3A_159 = arith.constant 0 : i32
      %dma_start3A_160 = arith.constant 0 : i32
      %dma_start3A_161 = tpu.memref_slice %arg13[%rem3A_137, %dma_start3A_159, %dma_start3A_160] : memref<5x8x128xi32, #tpu.memory_space<vmem>> -> memref<1x8x128xi32, #tpu.memory_space<vmem>>
      %dma_start3A_162 = tpu.memref_squeeze %dma_start3A_161 : memref<1x8x128xi32, #tpu.memory_space<vmem>> -> memref<8x128xi32, #tpu.memory_space<vmem>>
      %dma_start3A_163 = arith.constant 0 : i32
      %dma_start3A_164 = tpu.memref_slice %arg6[%mul3A_132, %dma_start3A_163] : memref<50000x128xi32, #tpu.memory_space<hbm>> -> memref<8x128xi32, #tpu.memory_space<hbm>>
      tpu.enqueue_dma source(%dma_start3A_164 : memref<8x128xi32, #tpu.memory_space<hbm>>) target(%dma_start3A_162 : memref<8x128xi32, #tpu.memory_space<vmem>>) target_semaphore(%dma_start3A_158 : memref<!tpu.dma_semaphore, #tpu.memory_space<semaphore_mem>>)
      %dma_start3A_165 = arith.constant 0 : i32
      %dma_start3A_166 = arith.constant 0 : i32
      %dma_start3A_167 = tpu.memref_slice %arg14[%rem3A_137, %dma_start3A_165, %dma_start3A_166] : memref<5x8x128xf32, #tpu.memory_space<vmem>> -> memref<1x8x128xf32, #tpu.memory_space<vmem>>
      %dma_start3A_168 = tpu.memref_squeeze %dma_start3A_167 : memref<1x8x128xf32, #tpu.memory_space<vmem>> -> memref<8x128xf32, #tpu.memory_space<vmem>>
      %dma_start3A_169 = arith.constant 0 : i32
      %dma_start3A_170 = tpu.memref_slice %arg7[%mul3A_132, %dma_start3A_169] : memref<50000x128xf32, #tpu.memory_space<hbm>> -> memref<8x128xf32, #tpu.memory_space<hbm>>
      %dma_start3A_171 = tpu.memref_slice %arg19[%rem3A_137] : memref<5x!tpu.dma_semaphore, #tpu.memory_space<semaphore_mem>> -> memref<1x!tpu.dma_semaphore, #tpu.memory_space<semaphore_mem>>
      %dma_start3A_172 = tpu.memref_squeeze %dma_start3A_171 : memref<1x!tpu.dma_semaphore, #tpu.memory_space<semaphore_mem>> -> memref<!tpu.dma_semaphore, #tpu.memory_space<semaphore_mem>>
      %dma_start3A_173 = arith.constant 0 : i32
      %dma_start3A_174 = arith.constant 0 : i32
      %dma_start3A_175 = tpu.memref_slice %arg14[%rem3A_137, %dma_start3A_173, %dma_start3A_174] : memref<5x8x128xf32, #tpu.memory_space<vmem>> -> memref<1x8x128xf32, #tpu.memory_space<vmem>>
      %dma_start3A_176 = tpu.memref_squeeze %dma_start3A_175 : memref<1x8x128xf32, #tpu.memory_space<vmem>> -> memref<8x128xf32, #tpu.memory_space<vmem>>
      %dma_start3A_177 = arith.constant 0 : i32
      %dma_start3A_178 = tpu.memref_slice %arg7[%mul3A_132, %dma_start3A_177] : memref<50000x128xf32, #tpu.memory_space<hbm>> -> memref<8x128xf32, #tpu.memory_space<hbm>>
      tpu.enqueue_dma source(%dma_start3A_178 : memref<8x128xf32, #tpu.memory_space<hbm>>) target(%dma_start3A_176 : memref<8x128xf32, #tpu.memory_space<vmem>>) target_semaphore(%dma_start3A_172 : memref<!tpu.dma_semaphore, #tpu.memory_space<semaphore_mem>>)
      %dma_start3A_179 = arith.constant 0 : i32
      %dma_start3A_180 = arith.constant 0 : i32
      %dma_start3A_181 = tpu.memref_slice %arg15[%rem3A_137, %dma_start3A_179, %dma_start3A_180] : memref<5x8x128xf32, #tpu.memory_space<vmem>> -> memref<1x8x128xf32, #tpu.memory_space<vmem>>
      %dma_start3A_182 = tpu.memref_squeeze %dma_start3A_181 : memref<1x8x128xf32, #tpu.memory_space<vmem>> -> memref<8x128xf32, #tpu.memory_space<vmem>>
      %dma_start3A_183 = arith.constant 0 : i32
      %dma_start3A_184 = tpu.memref_slice %arg8[%mul3A_132, %dma_start3A_183] : memref<50000x128xf32, #tpu.memory_space<hbm>> -> memref<8x128xf32, #tpu.memory_space<hbm>>
      %dma_start3A_185 = tpu.memref_slice %arg19[%rem3A_137] : memref<5x!tpu.dma_semaphore, #tpu.memory_space<semaphore_mem>> -> memref<1x!tpu.dma_semaphore, #tpu.memory_space<semaphore_mem>>
      %dma_start3A_186 = tpu.memref_squeeze %dma_start3A_185 : memref<1x!tpu.dma_semaphore, #tpu.memory_space<semaphore_mem>> -> memref<!tpu.dma_semaphore, #tpu.memory_space<semaphore_mem>>
      %dma_start3A_187 = arith.constant 0 : i32
      %dma_start3A_188 = arith.constant 0 : i32
      %dma_start3A_189 = tpu.memref_slice %arg15[%rem3A_137, %dma_start3A_187, %dma_start3A_188] : memref<5x8x128xf32, #tpu.memory_space<vmem>> -> memref<1x8x128xf32, #tpu.memory_space<vmem>>
      %dma_start3A_190 = tpu.memref_squeeze %dma_start3A_189 : memref<1x8x128xf32, #tpu.memory_space<vmem>> -> memref<8x128xf32, #tpu.memory_space<vmem>>
      %dma_start3A_191 = arith.constant 0 : i32
      %dma_start3A_192 = tpu.memref_slice %arg8[%mul3A_132, %dma_start3A_191] : memref<50000x128xf32, #tpu.memory_space<hbm>> -> memref<8x128xf32, #tpu.memory_space<hbm>>
      tpu.enqueue_dma source(%dma_start3A_192 : memref<8x128xf32, #tpu.memory_space<hbm>>) target(%dma_start3A_190 : memref<8x128xf32, #tpu.memory_space<vmem>>) target_semaphore(%dma_start3A_186 : memref<!tpu.dma_semaphore, #tpu.memory_space<semaphore_mem>>)
    } else {
    }
    %gt3A_96 = arith.constant 2 : i32
    %gt3A_97 = arith.cmpi sgt, %add3A_3, %gt3A_96 : i32
    %convert_element_type3A_98 = arith.extui %gt3A_97 : i1 to i32
    %cond3A_99 = arith.constant 0 : i32
    %cond3A_100 = arith.cmpi ne, %convert_element_type3A_98, %cond3A_99 : i32
    scf.if %cond3A_100 {
      %add3A_129 = arith.constant 2 : i32
      %add3A_130 = arith.addi %add3A_7, %add3A_129 : i32
      %mul3A_131 = arith.constant 8 : i32
      %mul3A_132 = arith.muli %add3A_130, %mul3A_131 : i32
      %rem3A = arith.constant 2 : i32
      %rem3A_133 = arith.constant 6 : i32
      %rem3A_134 = arith.remsi %rem3A, %rem3A_133 : i32
      %rem3A_135 = arith.constant 2 : i32
      %rem3A_136 = arith.constant 5 : i32
      %rem3A_137 = arith.remsi %rem3A_135, %rem3A_136 : i32
      %dma_start3A = arith.constant 0 : i32
      %dma_start3A_138 = arith.constant 0 : i32
      %dma_start3A_139 = tpu.memref_slice %arg12[%rem3A_134, %dma_start3A, %dma_start3A_138] : memref<6x8x128xi32, #tpu.memory_space<vmem>> -> memref<1x8x128xi32, #tpu.memory_space<vmem>>
      %dma_start3A_140 = tpu.memref_squeeze %dma_start3A_139 : memref<1x8x128xi32, #tpu.memory_space<vmem>> -> memref<8x128xi32, #tpu.memory_space<vmem>>
      %dma_start3A_141 = arith.constant 0 : i32
      %dma_start3A_142 = tpu.memref_slice %arg5[%mul3A_132, %dma_start3A_141] : memref<50000x128xi32, #tpu.memory_space<hbm>> -> memref<8x128xi32, #tpu.memory_space<hbm>>
      %dma_start3A_143 = tpu.memref_slice %arg18[%rem3A_134] : memref<6x!tpu.dma_semaphore, #tpu.memory_space<semaphore_mem>> -> memref<1x!tpu.dma_semaphore, #tpu.memory_space<semaphore_mem>>
      %dma_start3A_144 = tpu.memref_squeeze %dma_start3A_143 : memref<1x!tpu.dma_semaphore, #tpu.memory_space<semaphore_mem>> -> memref<!tpu.dma_semaphore, #tpu.memory_space<semaphore_mem>>
      %dma_start3A_145 = arith.constant 0 : i32
      %dma_start3A_146 = arith.constant 0 : i32
      %dma_start3A_147 = tpu.memref_slice %arg12[%rem3A_134, %dma_start3A_145, %dma_start3A_146] : memref<6x8x128xi32, #tpu.memory_space<vmem>> -> memref<1x8x128xi32, #tpu.memory_space<vmem>>
      %dma_start3A_148 = tpu.memref_squeeze %dma_start3A_147 : memref<1x8x128xi32, #tpu.memory_space<vmem>> -> memref<8x128xi32, #tpu.memory_space<vmem>>
      %dma_start3A_149 = arith.constant 0 : i32
      %dma_start3A_150 = tpu.memref_slice %arg5[%mul3A_132, %dma_start3A_149] : memref<50000x128xi32, #tpu.memory_space<hbm>> -> memref<8x128xi32, #tpu.memory_space<hbm>>
      tpu.enqueue_dma source(%dma_start3A_150 : memref<8x128xi32, #tpu.memory_space<hbm>>) target(%dma_start3A_148 : memref<8x128xi32, #tpu.memory_space<vmem>>) target_semaphore(%dma_start3A_144 : memref<!tpu.dma_semaphore, #tpu.memory_space<semaphore_mem>>)
      %dma_start3A_151 = arith.constant 0 : i32
      %dma_start3A_152 = arith.constant 0 : i32
      %dma_start3A_153 = tpu.memref_slice %arg13[%rem3A_137, %dma_start3A_151, %dma_start3A_152] : memref<5x8x128xi32, #tpu.memory_space<vmem>> -> memref<1x8x128xi32, #tpu.memory_space<vmem>>
      %dma_start3A_154 = tpu.memref_squeeze %dma_start3A_153 : memref<1x8x128xi32, #tpu.memory_space<vmem>> -> memref<8x128xi32, #tpu.memory_space<vmem>>
      %dma_start3A_155 = arith.constant 0 : i32
      %dma_start3A_156 = tpu.memref_slice %arg6[%mul3A_132, %dma_start3A_155] : memref<50000x128xi32, #tpu.memory_space<hbm>> -> memref<8x128xi32, #tpu.memory_space<hbm>>
      %dma_start3A_157 = tpu.memref_slice %arg19[%rem3A_137] : memref<5x!tpu.dma_semaphore, #tpu.memory_space<semaphore_mem>> -> memref<1x!tpu.dma_semaphore, #tpu.memory_space<semaphore_mem>>
      %dma_start3A_158 = tpu.memref_squeeze %dma_start3A_157 : memref<1x!tpu.dma_semaphore, #tpu.memory_space<semaphore_mem>> -> memref<!tpu.dma_semaphore, #tpu.memory_space<semaphore_mem>>
      %dma_start3A_159 = arith.constant 0 : i32
      %dma_start3A_160 = arith.constant 0 : i32
      %dma_start3A_161 = tpu.memref_slice %arg13[%rem3A_137, %dma_start3A_159, %dma_start3A_160] : memref<5x8x128xi32, #tpu.memory_space<vmem>> -> memref<1x8x128xi32, #tpu.memory_space<vmem>>
      %dma_start3A_162 = tpu.memref_squeeze %dma_start3A_161 : memref<1x8x128xi32, #tpu.memory_space<vmem>> -> memref<8x128xi32, #tpu.memory_space<vmem>>
      %dma_start3A_163 = arith.constant 0 : i32
      %dma_start3A_164 = tpu.memref_slice %arg6[%mul3A_132, %dma_start3A_163] : memref<50000x128xi32, #tpu.memory_space<hbm>> -> memref<8x128xi32, #tpu.memory_space<hbm>>
      tpu.enqueue_dma source(%dma_start3A_164 : memref<8x128xi32, #tpu.memory_space<hbm>>) target(%dma_start3A_162 : memref<8x128xi32, #tpu.memory_space<vmem>>) target_semaphore(%dma_start3A_158 : memref<!tpu.dma_semaphore, #tpu.memory_space<semaphore_mem>>)
      %dma_start3A_165 = arith.constant 0 : i32
      %dma_start3A_166 = arith.constant 0 : i32
      %dma_start3A_167 = tpu.memref_slice %arg14[%rem3A_137, %dma_start3A_165, %dma_start3A_166] : memref<5x8x128xf32, #tpu.memory_space<vmem>> -> memref<1x8x128xf32, #tpu.memory_space<vmem>>
      %dma_start3A_168 = tpu.memref_squeeze %dma_start3A_167 : memref<1x8x128xf32, #tpu.memory_space<vmem>> -> memref<8x128xf32, #tpu.memory_space<vmem>>
      %dma_start3A_169 = arith.constant 0 : i32
      %dma_start3A_170 = tpu.memref_slice %arg7[%mul3A_132, %dma_start3A_169] : memref<50000x128xf32, #tpu.memory_space<hbm>> -> memref<8x128xf32, #tpu.memory_space<hbm>>
      %dma_start3A_171 = tpu.memref_slice %arg19[%rem3A_137] : memref<5x!tpu.dma_semaphore, #tpu.memory_space<semaphore_mem>> -> memref<1x!tpu.dma_semaphore, #tpu.memory_space<semaphore_mem>>
      %dma_start3A_172 = tpu.memref_squeeze %dma_start3A_171 : memref<1x!tpu.dma_semaphore, #tpu.memory_space<semaphore_mem>> -> memref<!tpu.dma_semaphore, #tpu.memory_space<semaphore_mem>>
      %dma_start3A_173 = arith.constant 0 : i32
      %dma_start3A_174 = arith.constant 0 : i32
      %dma_start3A_175 = tpu.memref_slice %arg14[%rem3A_137, %dma_start3A_173, %dma_start3A_174] : memref<5x8x128xf32, #tpu.memory_space<vmem>> -> memref<1x8x128xf32, #tpu.memory_space<vmem>>
      %dma_start3A_176 = tpu.memref_squeeze %dma_start3A_175 : memref<1x8x128xf32, #tpu.memory_space<vmem>> -> memref<8x128xf32, #tpu.memory_space<vmem>>
      %dma_start3A_177 = arith.constant 0 : i32
      %dma_start3A_178 = tpu.memref_slice %arg7[%mul3A_132, %dma_start3A_177] : memref<50000x128xf32, #tpu.memory_space<hbm>> -> memref<8x128xf32, #tpu.memory_space<hbm>>
      tpu.enqueue_dma source(%dma_start3A_178 : memref<8x128xf32, #tpu.memory_space<hbm>>) target(%dma_start3A_176 : memref<8x128xf32, #tpu.memory_space<vmem>>) target_semaphore(%dma_start3A_172 : memref<!tpu.dma_semaphore, #tpu.memory_space<semaphore_mem>>)
      %dma_start3A_179 = arith.constant 0 : i32
      %dma_start3A_180 = arith.constant 0 : i32
      %dma_start3A_181 = tpu.memref_slice %arg15[%rem3A_137, %dma_start3A_179, %dma_start3A_180] : memref<5x8x128xf32, #tpu.memory_space<vmem>> -> memref<1x8x128xf32, #tpu.memory_space<vmem>>
      %dma_start3A_182 = tpu.memref_squeeze %dma_start3A_181 : memref<1x8x128xf32, #tpu.memory_space<vmem>> -> memref<8x128xf32, #tpu.memory_space<vmem>>
      %dma_start3A_183 = arith.constant 0 : i32
      %dma_start3A_184 = tpu.memref_slice %arg8[%mul3A_132, %dma_start3A_183] : memref<50000x128xf32, #tpu.memory_space<hbm>> -> memref<8x128xf32, #tpu.memory_space<hbm>>
      %dma_start3A_185 = tpu.memref_slice %arg19[%rem3A_137] : memref<5x!tpu.dma_semaphore, #tpu.memory_space<semaphore_mem>> -> memref<1x!tpu.dma_semaphore, #tpu.memory_space<semaphore_mem>>
      %dma_start3A_186 = tpu.memref_squeeze %dma_start3A_185 : memref<1x!tpu.dma_semaphore, #tpu.memory_space<semaphore_mem>> -> memref<!tpu.dma_semaphore, #tpu.memory_space<semaphore_mem>>
      %dma_start3A_187 = arith.constant 0 : i32
      %dma_start3A_188 = arith.constant 0 : i32
      %dma_start3A_189 = tpu.memref_slice %arg15[%rem3A_137, %dma_start3A_187, %dma_start3A_188] : memref<5x8x128xf32, #tpu.memory_space<vmem>> -> memref<1x8x128xf32, #tpu.memory_space<vmem>>
      %dma_start3A_190 = tpu.memref_squeeze %dma_start3A_189 : memref<1x8x128xf32, #tpu.memory_space<vmem>> -> memref<8x128xf32, #tpu.memory_space<vmem>>
      %dma_start3A_191 = arith.constant 0 : i32
      %dma_start3A_192 = tpu.memref_slice %arg8[%mul3A_132, %dma_start3A_191] : memref<50000x128xf32, #tpu.memory_space<hbm>> -> memref<8x128xf32, #tpu.memory_space<hbm>>
      tpu.enqueue_dma source(%dma_start3A_192 : memref<8x128xf32, #tpu.memory_space<hbm>>) target(%dma_start3A_190 : memref<8x128xf32, #tpu.memory_space<vmem>>) target_semaphore(%dma_start3A_186 : memref<!tpu.dma_semaphore, #tpu.memory_space<semaphore_mem>>)
    } else {
    }
    %gt3A_101 = arith.constant 3 : i32
    %gt3A_102 = arith.cmpi sgt, %add3A_3, %gt3A_101 : i32
    %convert_element_type3A_103 = arith.extui %gt3A_102 : i1 to i32
    %cond3A_104 = arith.constant 0 : i32
    %cond3A_105 = arith.cmpi ne, %convert_element_type3A_103, %cond3A_104 : i32
    scf.if %cond3A_105 {
      %add3A_129 = arith.constant 3 : i32
      %add3A_130 = arith.addi %add3A_7, %add3A_129 : i32
      %mul3A_131 = arith.constant 8 : i32
      %mul3A_132 = arith.muli %add3A_130, %mul3A_131 : i32
      %rem3A = arith.constant 3 : i32
      %rem3A_133 = arith.constant 6 : i32
      %rem3A_134 = arith.remsi %rem3A, %rem3A_133 : i32
      %rem3A_135 = arith.constant 3 : i32
      %rem3A_136 = arith.constant 5 : i32
      %rem3A_137 = arith.remsi %rem3A_135, %rem3A_136 : i32
      %dma_start3A = arith.constant 0 : i32
      %dma_start3A_138 = arith.constant 0 : i32
      %dma_start3A_139 = tpu.memref_slice %arg12[%rem3A_134, %dma_start3A, %dma_start3A_138] : memref<6x8x128xi32, #tpu.memory_space<vmem>> -> memref<1x8x128xi32, #tpu.memory_space<vmem>>
      %dma_start3A_140 = tpu.memref_squeeze %dma_start3A_139 : memref<1x8x128xi32, #tpu.memory_space<vmem>> -> memref<8x128xi32, #tpu.memory_space<vmem>>
      %dma_start3A_141 = arith.constant 0 : i32
      %dma_start3A_142 = tpu.memref_slice %arg5[%mul3A_132, %dma_start3A_141] : memref<50000x128xi32, #tpu.memory_space<hbm>> -> memref<8x128xi32, #tpu.memory_space<hbm>>
      %dma_start3A_143 = tpu.memref_slice %arg18[%rem3A_134] : memref<6x!tpu.dma_semaphore, #tpu.memory_space<semaphore_mem>> -> memref<1x!tpu.dma_semaphore, #tpu.memory_space<semaphore_mem>>
      %dma_start3A_144 = tpu.memref_squeeze %dma_start3A_143 : memref<1x!tpu.dma_semaphore, #tpu.memory_space<semaphore_mem>> -> memref<!tpu.dma_semaphore, #tpu.memory_space<semaphore_mem>>
      %dma_start3A_145 = arith.constant 0 : i32
      %dma_start3A_146 = arith.constant 0 : i32
      %dma_start3A_147 = tpu.memref_slice %arg12[%rem3A_134, %dma_start3A_145, %dma_start3A_146] : memref<6x8x128xi32, #tpu.memory_space<vmem>> -> memref<1x8x128xi32, #tpu.memory_space<vmem>>
      %dma_start3A_148 = tpu.memref_squeeze %dma_start3A_147 : memref<1x8x128xi32, #tpu.memory_space<vmem>> -> memref<8x128xi32, #tpu.memory_space<vmem>>
      %dma_start3A_149 = arith.constant 0 : i32
      %dma_start3A_150 = tpu.memref_slice %arg5[%mul3A_132, %dma_start3A_149] : memref<50000x128xi32, #tpu.memory_space<hbm>> -> memref<8x128xi32, #tpu.memory_space<hbm>>
      tpu.enqueue_dma source(%dma_start3A_150 : memref<8x128xi32, #tpu.memory_space<hbm>>) target(%dma_start3A_148 : memref<8x128xi32, #tpu.memory_space<vmem>>) target_semaphore(%dma_start3A_144 : memref<!tpu.dma_semaphore, #tpu.memory_space<semaphore_mem>>)
      %dma_start3A_151 = arith.constant 0 : i32
      %dma_start3A_152 = arith.constant 0 : i32
      %dma_start3A_153 = tpu.memref_slice %arg13[%rem3A_137, %dma_start3A_151, %dma_start3A_152] : memref<5x8x128xi32, #tpu.memory_space<vmem>> -> memref<1x8x128xi32, #tpu.memory_space<vmem>>
      %dma_start3A_154 = tpu.memref_squeeze %dma_start3A_153 : memref<1x8x128xi32, #tpu.memory_space<vmem>> -> memref<8x128xi32, #tpu.memory_space<vmem>>
      %dma_start3A_155 = arith.constant 0 : i32
      %dma_start3A_156 = tpu.memref_slice %arg6[%mul3A_132, %dma_start3A_155] : memref<50000x128xi32, #tpu.memory_space<hbm>> -> memref<8x128xi32, #tpu.memory_space<hbm>>
      %dma_start3A_157 = tpu.memref_slice %arg19[%rem3A_137] : memref<5x!tpu.dma_semaphore, #tpu.memory_space<semaphore_mem>> -> memref<1x!tpu.dma_semaphore, #tpu.memory_space<semaphore_mem>>
      %dma_start3A_158 = tpu.memref_squeeze %dma_start3A_157 : memref<1x!tpu.dma_semaphore, #tpu.memory_space<semaphore_mem>> -> memref<!tpu.dma_semaphore, #tpu.memory_space<semaphore_mem>>
      %dma_start3A_159 = arith.constant 0 : i32
      %dma_start3A_160 = arith.constant 0 : i32
      %dma_start3A_161 = tpu.memref_slice %arg13[%rem3A_137, %dma_start3A_159, %dma_start3A_160] : memref<5x8x128xi32, #tpu.memory_space<vmem>> -> memref<1x8x128xi32, #tpu.memory_space<vmem>>
      %dma_start3A_162 = tpu.memref_squeeze %dma_start3A_161 : memref<1x8x128xi32, #tpu.memory_space<vmem>> -> memref<8x128xi32, #tpu.memory_space<vmem>>
      %dma_start3A_163 = arith.constant 0 : i32
      %dma_start3A_164 = tpu.memref_slice %arg6[%mul3A_132, %dma_start3A_163] : memref<50000x128xi32, #tpu.memory_space<hbm>> -> memref<8x128xi32, #tpu.memory_space<hbm>>
      tpu.enqueue_dma source(%dma_start3A_164 : memref<8x128xi32, #tpu.memory_space<hbm>>) target(%dma_start3A_162 : memref<8x128xi32, #tpu.memory_space<vmem>>) target_semaphore(%dma_start3A_158 : memref<!tpu.dma_semaphore, #tpu.memory_space<semaphore_mem>>)
      %dma_start3A_165 = arith.constant 0 : i32
      %dma_start3A_166 = arith.constant 0 : i32
      %dma_start3A_167 = tpu.memref_slice %arg14[%rem3A_137, %dma_start3A_165, %dma_start3A_166] : memref<5x8x128xf32, #tpu.memory_space<vmem>> -> memref<1x8x128xf32, #tpu.memory_space<vmem>>
      %dma_start3A_168 = tpu.memref_squeeze %dma_start3A_167 : memref<1x8x128xf32, #tpu.memory_space<vmem>> -> memref<8x128xf32, #tpu.memory_space<vmem>>
      %dma_start3A_169 = arith.constant 0 : i32
      %dma_start3A_170 = tpu.memref_slice %arg7[%mul3A_132, %dma_start3A_169] : memref<50000x128xf32, #tpu.memory_space<hbm>> -> memref<8x128xf32, #tpu.memory_space<hbm>>
      %dma_start3A_171 = tpu.memref_slice %arg19[%rem3A_137] : memref<5x!tpu.dma_semaphore, #tpu.memory_space<semaphore_mem>> -> memref<1x!tpu.dma_semaphore, #tpu.memory_space<semaphore_mem>>
      %dma_start3A_172 = tpu.memref_squeeze %dma_start3A_171 : memref<1x!tpu.dma_semaphore, #tpu.memory_space<semaphore_mem>> -> memref<!tpu.dma_semaphore, #tpu.memory_space<semaphore_mem>>
      %dma_start3A_173 = arith.constant 0 : i32
      %dma_start3A_174 = arith.constant 0 : i32
      %dma_start3A_175 = tpu.memref_slice %arg14[%rem3A_137, %dma_start3A_173, %dma_start3A_174] : memref<5x8x128xf32, #tpu.memory_space<vmem>> -> memref<1x8x128xf32, #tpu.memory_space<vmem>>
      %dma_start3A_176 = tpu.memref_squeeze %dma_start3A_175 : memref<1x8x128xf32, #tpu.memory_space<vmem>> -> memref<8x128xf32, #tpu.memory_space<vmem>>
      %dma_start3A_177 = arith.constant 0 : i32
      %dma_start3A_178 = tpu.memref_slice %arg7[%mul3A_132, %dma_start3A_177] : memref<50000x128xf32, #tpu.memory_space<hbm>> -> memref<8x128xf32, #tpu.memory_space<hbm>>
      tpu.enqueue_dma source(%dma_start3A_178 : memref<8x128xf32, #tpu.memory_space<hbm>>) target(%dma_start3A_176 : memref<8x128xf32, #tpu.memory_space<vmem>>) target_semaphore(%dma_start3A_172 : memref<!tpu.dma_semaphore, #tpu.memory_space<semaphore_mem>>)
      %dma_start3A_179 = arith.constant 0 : i32
      %dma_start3A_180 = arith.constant 0 : i32
      %dma_start3A_181 = tpu.memref_slice %arg15[%rem3A_137, %dma_start3A_179, %dma_start3A_180] : memref<5x8x128xf32, #tpu.memory_space<vmem>> -> memref<1x8x128xf32, #tpu.memory_space<vmem>>
      %dma_start3A_182 = tpu.memref_squeeze %dma_start3A_181 : memref<1x8x128xf32, #tpu.memory_space<vmem>> -> memref<8x128xf32, #tpu.memory_space<vmem>>
      %dma_start3A_183 = arith.constant 0 : i32
      %dma_start3A_184 = tpu.memref_slice %arg8[%mul3A_132, %dma_start3A_183] : memref<50000x128xf32, #tpu.memory_space<hbm>> -> memref<8x128xf32, #tpu.memory_space<hbm>>
      %dma_start3A_185 = tpu.memref_slice %arg19[%rem3A_137] : memref<5x!tpu.dma_semaphore, #tpu.memory_space<semaphore_mem>> -> memref<1x!tpu.dma_semaphore, #tpu.memory_space<semaphore_mem>>
      %dma_start3A_186 = tpu.memref_squeeze %dma_start3A_185 : memref<1x!tpu.dma_semaphore, #tpu.memory_space<semaphore_mem>> -> memref<!tpu.dma_semaphore, #tpu.memory_space<semaphore_mem>>
      %dma_start3A_187 = arith.constant 0 : i32
      %dma_start3A_188 = arith.constant 0 : i32
      %dma_start3A_189 = tpu.memref_slice %arg15[%rem3A_137, %dma_start3A_187, %dma_start3A_188] : memref<5x8x128xf32, #tpu.memory_space<vmem>> -> memref<1x8x128xf32, #tpu.memory_space<vmem>>
      %dma_start3A_190 = tpu.memref_squeeze %dma_start3A_189 : memref<1x8x128xf32, #tpu.memory_space<vmem>> -> memref<8x128xf32, #tpu.memory_space<vmem>>
      %dma_start3A_191 = arith.constant 0 : i32
      %dma_start3A_192 = tpu.memref_slice %arg8[%mul3A_132, %dma_start3A_191] : memref<50000x128xf32, #tpu.memory_space<hbm>> -> memref<8x128xf32, #tpu.memory_space<hbm>>
      tpu.enqueue_dma source(%dma_start3A_192 : memref<8x128xf32, #tpu.memory_space<hbm>>) target(%dma_start3A_190 : memref<8x128xf32, #tpu.memory_space<vmem>>) target_semaphore(%dma_start3A_186 : memref<!tpu.dma_semaphore, #tpu.memory_space<semaphore_mem>>)
    } else {
    }
    %while3A = arith.constant 0 : i32
    %while3A_106 = arith.constant 0 : i32
    %while3A_107 = arith.subi %add3A_3, %while3A_106 : i32
    %while3A_108 = arith.addi %while3A_106, %while3A_107 : i32
    %while3A_109 = arith.constant 1 : i32
    %while3A_110 = arith.divsi %while3A_107, %while3A_109 : i32
    %while3A_111 = arith.muli %while3A_110, %while3A_109 : i32
    %while3A_112 = arith.addi %while3A_106, %while3A_111 : i32
    %while3A_113 = arith.constant 1 : i32
    scf.for %while3A_129 = %while3A_106 to %while3A_112 step %while3A_113  : i32 {
      %rem3A = arith.constant 2 : i32
      %rem3A_130 = arith.remsi %while3A_129, %rem3A : i32
      %rem3A_131 = arith.constant 6 : i32
      %rem3A_132 = arith.remsi %while3A_129, %rem3A_131 : i32
      %rem3A_133 = arith.constant 5 : i32
      %rem3A_134 = arith.remsi %while3A_129, %rem3A_133 : i32
      %ge3A_135 = arith.constant 2 : i32
      %ge3A_136 = arith.cmpi sge, %while3A_129, %ge3A_135 : i32
      %convert_element_type3A_137 = arith.extui %ge3A_136 : i1 to i32
      %cond3A_138 = arith.constant 0 : i32
      %cond3A_139 = arith.cmpi ne, %convert_element_type3A_137, %cond3A_138 : i32
      scf.if %cond3A_139 {
        %sub3A = arith.constant 2 : i32
        %sub3A_305 = arith.subi %while3A_129, %sub3A : i32
        %rem3A_306 = arith.constant 2 : i32
        %rem3A_307 = arith.remsi %sub3A_305, %rem3A_306 : i32
        %rem3A_308 = arith.constant 6 : i32
        %rem3A_309 = arith.remsi %sub3A_305, %rem3A_308 : i32
        %dma_wait3A_310 = arith.constant 0 : i32
        %dma_wait3A_311 = arith.constant 0 : i32
        %dma_wait3A_312 = arith.constant 0 : i32
        %dma_wait3A_313 = tpu.memref_slice %arg16[%rem3A_307, %dma_wait3A_310, %dma_wait3A_312] : memref<2x8x128xf32, #tpu.memory_space<vmem>> -> memref<1x1x128xf32, #tpu.memory_space<vmem>>
        %dma_wait3A_314 = tpu.memref_squeeze %dma_wait3A_313 : memref<1x1x128xf32, #tpu.memory_space<vmem>> -> memref<128xf32, #tpu.memory_space<vmem>>
        %dma_wait3A_315 = arith.constant 0 : i32
        %dma_wait3A_316 = tpu.memref_slice %arg12[%rem3A_309, %dma_wait3A_311, %dma_wait3A_315] : memref<6x8x128xi32, #tpu.memory_space<vmem>> -> memref<1x1x128xi32, #tpu.memory_space<vmem>>
        %dma_wait3A_317 = tpu.memref_squeeze %dma_wait3A_316 : memref<1x1x128xi32, #tpu.memory_space<vmem>> -> memref<128xi32, #tpu.memory_space<vmem>>
        %dma_wait3A_318 = arith.constant 0 : i32
        %dma_wait3A_319 = tpu.memref_slice %arg17[%dma_wait3A_318] : memref<100352xf32, #tpu.memory_space<vmem_shared>> -> memref<100352xf32, #tpu.memory_space<vmem_shared>>
        %dma_wait3A_320 = tpu.memref_slice %arg20[%rem3A_307] : memref<2x!tpu.dma_semaphore, #tpu.memory_space<semaphore_mem>> -> memref<1x!tpu.dma_semaphore, #tpu.memory_space<semaphore_mem>>
        %dma_wait3A_321 = tpu.memref_squeeze %dma_wait3A_320 : memref<1x!tpu.dma_semaphore, #tpu.memory_space<semaphore_mem>> -> memref<!tpu.dma_semaphore, #tpu.memory_space<semaphore_mem>>
        tpu.wait_indirect_dma semaphore(%dma_wait3A_321 : memref<!tpu.dma_semaphore, #tpu.memory_space<semaphore_mem>>) src(%dma_wait3A_314 : memref<128xf32, #tpu.memory_space<vmem>>) dst(%dma_wait3A_319 : memref<100352xf32, #tpu.memory_space<vmem_shared>>)
        %dma_wait3A_322 = arith.constant 1 : i32
        %dma_wait3A_323 = arith.constant 1 : i32
        %dma_wait3A_324 = arith.constant 0 : i32
        %dma_wait3A_325 = tpu.memref_slice %arg16[%rem3A_307, %dma_wait3A_322, %dma_wait3A_324] : memref<2x8x128xf32, #tpu.memory_space<vmem>> -> memref<1x1x128xf32, #tpu.memory_space<vmem>>
        %dma_wait3A_326 = tpu.memref_squeeze %dma_wait3A_325 : memref<1x1x128xf32, #tpu.memory_space<vmem>> -> memref<128xf32, #tpu.memory_space<vmem>>
        %dma_wait3A_327 = arith.constant 0 : i32
        %dma_wait3A_328 = tpu.memref_slice %arg12[%rem3A_309, %dma_wait3A_323, %dma_wait3A_327] : memref<6x8x128xi32, #tpu.memory_space<vmem>> -> memref<1x1x128xi32, #tpu.memory_space<vmem>>
        %dma_wait3A_329 = tpu.memref_squeeze %dma_wait3A_328 : memref<1x1x128xi32, #tpu.memory_space<vmem>> -> memref<128xi32, #tpu.memory_space<vmem>>
        %dma_wait3A_330 = arith.constant 0 : i32
        %dma_wait3A_331 = tpu.memref_slice %arg17[%dma_wait3A_330] : memref<100352xf32, #tpu.memory_space<vmem_shared>> -> memref<100352xf32, #tpu.memory_space<vmem_shared>>
        %dma_wait3A_332 = tpu.memref_slice %arg20[%rem3A_307] : memref<2x!tpu.dma_semaphore, #tpu.memory_space<semaphore_mem>> -> memref<1x!tpu.dma_semaphore, #tpu.memory_space<semaphore_mem>>
        %dma_wait3A_333 = tpu.memref_squeeze %dma_wait3A_332 : memref<1x!tpu.dma_semaphore, #tpu.memory_space<semaphore_mem>> -> memref<!tpu.dma_semaphore, #tpu.memory_space<semaphore_mem>>
        tpu.wait_indirect_dma semaphore(%dma_wait3A_333 : memref<!tpu.dma_semaphore, #tpu.memory_space<semaphore_mem>>) src(%dma_wait3A_326 : memref<128xf32, #tpu.memory_space<vmem>>) dst(%dma_wait3A_331 : memref<100352xf32, #tpu.memory_space<vmem_shared>>)
        %dma_wait3A_334 = arith.constant 2 : i32
        %dma_wait3A_335 = arith.constant 2 : i32
        %dma_wait3A_336 = arith.constant 0 : i32
        %dma_wait3A_337 = tpu.memref_slice %arg16[%rem3A_307, %dma_wait3A_334, %dma_wait3A_336] : memref<2x8x128xf32, #tpu.memory_space<vmem>> -> memref<1x1x128xf32, #tpu.memory_space<vmem>>
        %dma_wait3A_338 = tpu.memref_squeeze %dma_wait3A_337 : memref<1x1x128xf32, #tpu.memory_space<vmem>> -> memref<128xf32, #tpu.memory_space<vmem>>
        %dma_wait3A_339 = arith.constant 0 : i32
        %dma_wait3A_340 = tpu.memref_slice %arg12[%rem3A_309, %dma_wait3A_335, %dma_wait3A_339] : memref<6x8x128xi32, #tpu.memory_space<vmem>> -> memref<1x1x128xi32, #tpu.memory_space<vmem>>
        %dma_wait3A_341 = tpu.memref_squeeze %dma_wait3A_340 : memref<1x1x128xi32, #tpu.memory_space<vmem>> -> memref<128xi32, #tpu.memory_space<vmem>>
        %dma_wait3A_342 = arith.constant 0 : i32
        %dma_wait3A_343 = tpu.memref_slice %arg17[%dma_wait3A_342] : memref<100352xf32, #tpu.memory_space<vmem_shared>> -> memref<100352xf32, #tpu.memory_space<vmem_shared>>
        %dma_wait3A_344 = tpu.memref_slice %arg20[%rem3A_307] : memref<2x!tpu.dma_semaphore, #tpu.memory_space<semaphore_mem>> -> memref<1x!tpu.dma_semaphore, #tpu.memory_space<semaphore_mem>>
        %dma_wait3A_345 = tpu.memref_squeeze %dma_wait3A_344 : memref<1x!tpu.dma_semaphore, #tpu.memory_space<semaphore_mem>> -> memref<!tpu.dma_semaphore, #tpu.memory_space<semaphore_mem>>
        tpu.wait_indirect_dma semaphore(%dma_wait3A_345 : memref<!tpu.dma_semaphore, #tpu.memory_space<semaphore_mem>>) src(%dma_wait3A_338 : memref<128xf32, #tpu.memory_space<vmem>>) dst(%dma_wait3A_343 : memref<100352xf32, #tpu.memory_space<vmem_shared>>)
        %dma_wait3A_346 = arith.constant 3 : i32
        %dma_wait3A_347 = arith.constant 3 : i32
        %dma_wait3A_348 = arith.constant 0 : i32
        %dma_wait3A_349 = tpu.memref_slice %arg16[%rem3A_307, %dma_wait3A_346, %dma_wait3A_348] : memref<2x8x128xf32, #tpu.memory_space<vmem>> -> memref<1x1x128xf32, #tpu.memory_space<vmem>>
        %dma_wait3A_350 = tpu.memref_squeeze %dma_wait3A_349 : memref<1x1x128xf32, #tpu.memory_space<vmem>> -> memref<128xf32, #tpu.memory_space<vmem>>
        %dma_wait3A_351 = arith.constant 0 : i32
        %dma_wait3A_352 = tpu.memref_slice %arg12[%rem3A_309, %dma_wait3A_347, %dma_wait3A_351] : memref<6x8x128xi32, #tpu.memory_space<vmem>> -> memref<1x1x128xi32, #tpu.memory_space<vmem>>
        %dma_wait3A_353 = tpu.memref_squeeze %dma_wait3A_352 : memref<1x1x128xi32, #tpu.memory_space<vmem>> -> memref<128xi32, #tpu.memory_space<vmem>>
        %dma_wait3A_354 = arith.constant 0 : i32
        %dma_wait3A_355 = tpu.memref_slice %arg17[%dma_wait3A_354] : memref<100352xf32, #tpu.memory_space<vmem_shared>> -> memref<100352xf32, #tpu.memory_space<vmem_shared>>
        %dma_wait3A_356 = tpu.memref_slice %arg20[%rem3A_307] : memref<2x!tpu.dma_semaphore, #tpu.memory_space<semaphore_mem>> -> memref<1x!tpu.dma_semaphore, #tpu.memory_space<semaphore_mem>>
        %dma_wait3A_357 = tpu.memref_squeeze %dma_wait3A_356 : memref<1x!tpu.dma_semaphore, #tpu.memory_space<semaphore_mem>> -> memref<!tpu.dma_semaphore, #tpu.memory_space<semaphore_mem>>
        tpu.wait_indirect_dma semaphore(%dma_wait3A_357 : memref<!tpu.dma_semaphore, #tpu.memory_space<semaphore_mem>>) src(%dma_wait3A_350 : memref<128xf32, #tpu.memory_space<vmem>>) dst(%dma_wait3A_355 : memref<100352xf32, #tpu.memory_space<vmem_shared>>)
        %dma_wait3A_358 = arith.constant 4 : i32
        %dma_wait3A_359 = arith.constant 4 : i32
        %dma_wait3A_360 = arith.constant 0 : i32
        %dma_wait3A_361 = tpu.memref_slice %arg16[%rem3A_307, %dma_wait3A_358, %dma_wait3A_360] : memref<2x8x128xf32, #tpu.memory_space<vmem>> -> memref<1x1x128xf32, #tpu.memory_space<vmem>>
        %dma_wait3A_362 = tpu.memref_squeeze %dma_wait3A_361 : memref<1x1x128xf32, #tpu.memory_space<vmem>> -> memref<128xf32, #tpu.memory_space<vmem>>
        %dma_wait3A_363 = arith.constant 0 : i32
        %dma_wait3A_364 = tpu.memref_slice %arg12[%rem3A_309, %dma_wait3A_359, %dma_wait3A_363] : memref<6x8x128xi32, #tpu.memory_space<vmem>> -> memref<1x1x128xi32, #tpu.memory_space<vmem>>
        %dma_wait3A_365 = tpu.memref_squeeze %dma_wait3A_364 : memref<1x1x128xi32, #tpu.memory_space<vmem>> -> memref<128xi32, #tpu.memory_space<vmem>>
        %dma_wait3A_366 = arith.constant 0 : i32
        %dma_wait3A_367 = tpu.memref_slice %arg17[%dma_wait3A_366] : memref<100352xf32, #tpu.memory_space<vmem_shared>> -> memref<100352xf32, #tpu.memory_space<vmem_shared>>
        %dma_wait3A_368 = tpu.memref_slice %arg20[%rem3A_307] : memref<2x!tpu.dma_semaphore, #tpu.memory_space<semaphore_mem>> -> memref<1x!tpu.dma_semaphore, #tpu.memory_space<semaphore_mem>>
        %dma_wait3A_369 = tpu.memref_squeeze %dma_wait3A_368 : memref<1x!tpu.dma_semaphore, #tpu.memory_space<semaphore_mem>> -> memref<!tpu.dma_semaphore, #tpu.memory_space<semaphore_mem>>
        tpu.wait_indirect_dma semaphore(%dma_wait3A_369 : memref<!tpu.dma_semaphore, #tpu.memory_space<semaphore_mem>>) src(%dma_wait3A_362 : memref<128xf32, #tpu.memory_space<vmem>>) dst(%dma_wait3A_367 : memref<100352xf32, #tpu.memory_space<vmem_shared>>)
        %dma_wait3A_370 = arith.constant 5 : i32
        %dma_wait3A_371 = arith.constant 5 : i32
        %dma_wait3A_372 = arith.constant 0 : i32
        %dma_wait3A_373 = tpu.memref_slice %arg16[%rem3A_307, %dma_wait3A_370, %dma_wait3A_372] : memref<2x8x128xf32, #tpu.memory_space<vmem>> -> memref<1x1x128xf32, #tpu.memory_space<vmem>>
        %dma_wait3A_374 = tpu.memref_squeeze %dma_wait3A_373 : memref<1x1x128xf32, #tpu.memory_space<vmem>> -> memref<128xf32, #tpu.memory_space<vmem>>
        %dma_wait3A_375 = arith.constant 0 : i32
        %dma_wait3A_376 = tpu.memref_slice %arg12[%rem3A_309, %dma_wait3A_371, %dma_wait3A_375] : memref<6x8x128xi32, #tpu.memory_space<vmem>> -> memref<1x1x128xi32, #tpu.memory_space<vmem>>
        %dma_wait3A_377 = tpu.memref_squeeze %dma_wait3A_376 : memref<1x1x128xi32, #tpu.memory_space<vmem>> -> memref<128xi32, #tpu.memory_space<vmem>>
        %dma_wait3A_378 = arith.constant 0 : i32
        %dma_wait3A_379 = tpu.memref_slice %arg17[%dma_wait3A_378] : memref<100352xf32, #tpu.memory_space<vmem_shared>> -> memref<100352xf32, #tpu.memory_space<vmem_shared>>
        %dma_wait3A_380 = tpu.memref_slice %arg20[%rem3A_307] : memref<2x!tpu.dma_semaphore, #tpu.memory_space<semaphore_mem>> -> memref<1x!tpu.dma_semaphore, #tpu.memory_space<semaphore_mem>>
        %dma_wait3A_381 = tpu.memref_squeeze %dma_wait3A_380 : memref<1x!tpu.dma_semaphore, #tpu.memory_space<semaphore_mem>> -> memref<!tpu.dma_semaphore, #tpu.memory_space<semaphore_mem>>
        tpu.wait_indirect_dma semaphore(%dma_wait3A_381 : memref<!tpu.dma_semaphore, #tpu.memory_space<semaphore_mem>>) src(%dma_wait3A_374 : memref<128xf32, #tpu.memory_space<vmem>>) dst(%dma_wait3A_379 : memref<100352xf32, #tpu.memory_space<vmem_shared>>)
        %dma_wait3A_382 = arith.constant 6 : i32
        %dma_wait3A_383 = arith.constant 6 : i32
        %dma_wait3A_384 = arith.constant 0 : i32
        %dma_wait3A_385 = tpu.memref_slice %arg16[%rem3A_307, %dma_wait3A_382, %dma_wait3A_384] : memref<2x8x128xf32, #tpu.memory_space<vmem>> -> memref<1x1x128xf32, #tpu.memory_space<vmem>>
        %dma_wait3A_386 = tpu.memref_squeeze %dma_wait3A_385 : memref<1x1x128xf32, #tpu.memory_space<vmem>> -> memref<128xf32, #tpu.memory_space<vmem>>
        %dma_wait3A_387 = arith.constant 0 : i32
        %dma_wait3A_388 = tpu.memref_slice %arg12[%rem3A_309, %dma_wait3A_383, %dma_wait3A_387] : memref<6x8x128xi32, #tpu.memory_space<vmem>> -> memref<1x1x128xi32, #tpu.memory_space<vmem>>
        %dma_wait3A_389 = tpu.memref_squeeze %dma_wait3A_388 : memref<1x1x128xi32, #tpu.memory_space<vmem>> -> memref<128xi32, #tpu.memory_space<vmem>>
        %dma_wait3A_390 = arith.constant 0 : i32
        %dma_wait3A_391 = tpu.memref_slice %arg17[%dma_wait3A_390] : memref<100352xf32, #tpu.memory_space<vmem_shared>> -> memref<100352xf32, #tpu.memory_space<vmem_shared>>
        %dma_wait3A_392 = tpu.memref_slice %arg20[%rem3A_307] : memref<2x!tpu.dma_semaphore, #tpu.memory_space<semaphore_mem>> -> memref<1x!tpu.dma_semaphore, #tpu.memory_space<semaphore_mem>>
        %dma_wait3A_393 = tpu.memref_squeeze %dma_wait3A_392 : memref<1x!tpu.dma_semaphore, #tpu.memory_space<semaphore_mem>> -> memref<!tpu.dma_semaphore, #tpu.memory_space<semaphore_mem>>
        tpu.wait_indirect_dma semaphore(%dma_wait3A_393 : memref<!tpu.dma_semaphore, #tpu.memory_space<semaphore_mem>>) src(%dma_wait3A_386 : memref<128xf32, #tpu.memory_space<vmem>>) dst(%dma_wait3A_391 : memref<100352xf32, #tpu.memory_space<vmem_shared>>)
        %dma_wait3A_394 = arith.constant 7 : i32
        %dma_wait3A_395 = arith.constant 7 : i32
        %dma_wait3A_396 = arith.constant 0 : i32
        %dma_wait3A_397 = tpu.memref_slice %arg16[%rem3A_307, %dma_wait3A_394, %dma_wait3A_396] : memref<2x8x128xf32, #tpu.memory_space<vmem>> -> memref<1x1x128xf32, #tpu.memory_space<vmem>>
        %dma_wait3A_398 = tpu.memref_squeeze %dma_wait3A_397 : memref<1x1x128xf32, #tpu.memory_space<vmem>> -> memref<128xf32, #tpu.memory_space<vmem>>
        %dma_wait3A_399 = arith.constant 0 : i32
        %dma_wait3A_400 = tpu.memref_slice %arg12[%rem3A_309, %dma_wait3A_395, %dma_wait3A_399] : memref<6x8x128xi32, #tpu.memory_space<vmem>> -> memref<1x1x128xi32, #tpu.memory_space<vmem>>
        %dma_wait3A_401 = tpu.memref_squeeze %dma_wait3A_400 : memref<1x1x128xi32, #tpu.memory_space<vmem>> -> memref<128xi32, #tpu.memory_space<vmem>>
        %dma_wait3A_402 = arith.constant 0 : i32
        %dma_wait3A_403 = tpu.memref_slice %arg17[%dma_wait3A_402] : memref<100352xf32, #tpu.memory_space<vmem_shared>> -> memref<100352xf32, #tpu.memory_space<vmem_shared>>
        %dma_wait3A_404 = tpu.memref_slice %arg20[%rem3A_307] : memref<2x!tpu.dma_semaphore, #tpu.memory_space<semaphore_mem>> -> memref<1x!tpu.dma_semaphore, #tpu.memory_space<semaphore_mem>>
        %dma_wait3A_405 = tpu.memref_squeeze %dma_wait3A_404 : memref<1x!tpu.dma_semaphore, #tpu.memory_space<semaphore_mem>> -> memref<!tpu.dma_semaphore, #tpu.memory_space<semaphore_mem>>
        tpu.wait_indirect_dma semaphore(%dma_wait3A_405 : memref<!tpu.dma_semaphore, #tpu.memory_space<semaphore_mem>>) src(%dma_wait3A_398 : memref<128xf32, #tpu.memory_space<vmem>>) dst(%dma_wait3A_403 : memref<100352xf32, #tpu.memory_space<vmem_shared>>)
      } else {
      }
      %add3A_140 = arith.constant 4 : i32
      %add3A_141 = arith.addi %while3A_129, %add3A_140 : i32
      %lt3A_142 = arith.cmpi slt, %add3A_141, %add3A_3 : i32
      %convert_element_type3A_143 = arith.extui %lt3A_142 : i1 to i32
      %cond3A_144 = arith.constant 0 : i32
      %cond3A_145 = arith.cmpi ne, %convert_element_type3A_143, %cond3A_144 : i32
      scf.if %cond3A_145 {
        %add3A_305 = arith.constant 4 : i32
        %add3A_306 = arith.addi %while3A_129, %add3A_305 : i32
        %add3A_307 = arith.addi %add3A_7, %add3A_306 : i32
        %mul3A_308 = arith.constant 8 : i32
        %mul3A_309 = arith.muli %add3A_307, %mul3A_308 : i32
        %rem3A_310 = arith.constant 6 : i32
        %rem3A_311 = arith.remsi %add3A_306, %rem3A_310 : i32
        %rem3A_312 = arith.constant 5 : i32
        %rem3A_313 = arith.remsi %add3A_306, %rem3A_312 : i32
        %dma_start3A_314 = arith.constant 0 : i32
        %dma_start3A_315 = arith.constant 0 : i32
        %dma_start3A_316 = tpu.memref_slice %arg12[%rem3A_311, %dma_start3A_314, %dma_start3A_315] : memref<6x8x128xi32, #tpu.memory_space<vmem>> -> memref<1x8x128xi32, #tpu.memory_space<vmem>>
        %dma_start3A_317 = tpu.memref_squeeze %dma_start3A_316 : memref<1x8x128xi32, #tpu.memory_space<vmem>> -> memref<8x128xi32, #tpu.memory_space<vmem>>
        %dma_start3A_318 = arith.constant 0 : i32
        %dma_start3A_319 = tpu.memref_slice %arg5[%mul3A_309, %dma_start3A_318] : memref<50000x128xi32, #tpu.memory_space<hbm>> -> memref<8x128xi32, #tpu.memory_space<hbm>>
        %dma_start3A_320 = tpu.memref_slice %arg18[%rem3A_311] : memref<6x!tpu.dma_semaphore, #tpu.memory_space<semaphore_mem>> -> memref<1x!tpu.dma_semaphore, #tpu.memory_space<semaphore_mem>>
        %dma_start3A_321 = tpu.memref_squeeze %dma_start3A_320 : memref<1x!tpu.dma_semaphore, #tpu.memory_space<semaphore_mem>> -> memref<!tpu.dma_semaphore, #tpu.memory_space<semaphore_mem>>
        %dma_start3A_322 = arith.constant 0 : i32
        %dma_start3A_323 = arith.constant 0 : i32
        %dma_start3A_324 = tpu.memref_slice %arg12[%rem3A_311, %dma_start3A_322, %dma_start3A_323] : memref<6x8x128xi32, #tpu.memory_space<vmem>> -> memref<1x8x128xi32, #tpu.memory_space<vmem>>
        %dma_start3A_325 = tpu.memref_squeeze %dma_start3A_324 : memref<1x8x128xi32, #tpu.memory_space<vmem>> -> memref<8x128xi32, #tpu.memory_space<vmem>>
        %dma_start3A_326 = arith.constant 0 : i32
        %dma_start3A_327 = tpu.memref_slice %arg5[%mul3A_309, %dma_start3A_326] : memref<50000x128xi32, #tpu.memory_space<hbm>> -> memref<8x128xi32, #tpu.memory_space<hbm>>
        tpu.enqueue_dma source(%dma_start3A_327 : memref<8x128xi32, #tpu.memory_space<hbm>>) target(%dma_start3A_325 : memref<8x128xi32, #tpu.memory_space<vmem>>) target_semaphore(%dma_start3A_321 : memref<!tpu.dma_semaphore, #tpu.memory_space<semaphore_mem>>)
        %dma_start3A_328 = arith.constant 0 : i32
        %dma_start3A_329 = arith.constant 0 : i32
        %dma_start3A_330 = tpu.memref_slice %arg13[%rem3A_313, %dma_start3A_328, %dma_start3A_329] : memref<5x8x128xi32, #tpu.memory_space<vmem>> -> memref<1x8x128xi32, #tpu.memory_space<vmem>>
        %dma_start3A_331 = tpu.memref_squeeze %dma_start3A_330 : memref<1x8x128xi32, #tpu.memory_space<vmem>> -> memref<8x128xi32, #tpu.memory_space<vmem>>
        %dma_start3A_332 = arith.constant 0 : i32
        %dma_start3A_333 = tpu.memref_slice %arg6[%mul3A_309, %dma_start3A_332] : memref<50000x128xi32, #tpu.memory_space<hbm>> -> memref<8x128xi32, #tpu.memory_space<hbm>>
        %dma_start3A_334 = tpu.memref_slice %arg19[%rem3A_313] : memref<5x!tpu.dma_semaphore, #tpu.memory_space<semaphore_mem>> -> memref<1x!tpu.dma_semaphore, #tpu.memory_space<semaphore_mem>>
        %dma_start3A_335 = tpu.memref_squeeze %dma_start3A_334 : memref<1x!tpu.dma_semaphore, #tpu.memory_space<semaphore_mem>> -> memref<!tpu.dma_semaphore, #tpu.memory_space<semaphore_mem>>
        %dma_start3A_336 = arith.constant 0 : i32
        %dma_start3A_337 = arith.constant 0 : i32
        %dma_start3A_338 = tpu.memref_slice %arg13[%rem3A_313, %dma_start3A_336, %dma_start3A_337] : memref<5x8x128xi32, #tpu.memory_space<vmem>> -> memref<1x8x128xi32, #tpu.memory_space<vmem>>
        %dma_start3A_339 = tpu.memref_squeeze %dma_start3A_338 : memref<1x8x128xi32, #tpu.memory_space<vmem>> -> memref<8x128xi32, #tpu.memory_space<vmem>>
        %dma_start3A_340 = arith.constant 0 : i32
        %dma_start3A_341 = tpu.memref_slice %arg6[%mul3A_309, %dma_start3A_340] : memref<50000x128xi32, #tpu.memory_space<hbm>> -> memref<8x128xi32, #tpu.memory_space<hbm>>
        tpu.enqueue_dma source(%dma_start3A_341 : memref<8x128xi32, #tpu.memory_space<hbm>>) target(%dma_start3A_339 : memref<8x128xi32, #tpu.memory_space<vmem>>) target_semaphore(%dma_start3A_335 : memref<!tpu.dma_semaphore, #tpu.memory_space<semaphore_mem>>)
        %dma_start3A_342 = arith.constant 0 : i32
        %dma_start3A_343 = arith.constant 0 : i32
        %dma_start3A_344 = tpu.memref_slice %arg14[%rem3A_313, %dma_start3A_342, %dma_start3A_343] : memref<5x8x128xf32, #tpu.memory_space<vmem>> -> memref<1x8x128xf32, #tpu.memory_space<vmem>>
        %dma_start3A_345 = tpu.memref_squeeze %dma_start3A_344 : memref<1x8x128xf32, #tpu.memory_space<vmem>> -> memref<8x128xf32, #tpu.memory_space<vmem>>
        %dma_start3A_346 = arith.constant 0 : i32
        %dma_start3A_347 = tpu.memref_slice %arg7[%mul3A_309, %dma_start3A_346] : memref<50000x128xf32, #tpu.memory_space<hbm>> -> memref<8x128xf32, #tpu.memory_space<hbm>>
        %dma_start3A_348 = tpu.memref_slice %arg19[%rem3A_313] : memref<5x!tpu.dma_semaphore, #tpu.memory_space<semaphore_mem>> -> memref<1x!tpu.dma_semaphore, #tpu.memory_space<semaphore_mem>>
        %dma_start3A_349 = tpu.memref_squeeze %dma_start3A_348 : memref<1x!tpu.dma_semaphore, #tpu.memory_space<semaphore_mem>> -> memref<!tpu.dma_semaphore, #tpu.memory_space<semaphore_mem>>
        %dma_start3A_350 = arith.constant 0 : i32
        %dma_start3A_351 = arith.constant 0 : i32
        %dma_start3A_352 = tpu.memref_slice %arg14[%rem3A_313, %dma_start3A_350, %dma_start3A_351] : memref<5x8x128xf32, #tpu.memory_space<vmem>> -> memref<1x8x128xf32, #tpu.memory_space<vmem>>
        %dma_start3A_353 = tpu.memref_squeeze %dma_start3A_352 : memref<1x8x128xf32, #tpu.memory_space<vmem>> -> memref<8x128xf32, #tpu.memory_space<vmem>>
        %dma_start3A_354 = arith.constant 0 : i32
        %dma_start3A_355 = tpu.memref_slice %arg7[%mul3A_309, %dma_start3A_354] : memref<50000x128xf32, #tpu.memory_space<hbm>> -> memref<8x128xf32, #tpu.memory_space<hbm>>
        tpu.enqueue_dma source(%dma_start3A_355 : memref<8x128xf32, #tpu.memory_space<hbm>>) target(%dma_start3A_353 : memref<8x128xf32, #tpu.memory_space<vmem>>) target_semaphore(%dma_start3A_349 : memref<!tpu.dma_semaphore, #tpu.memory_space<semaphore_mem>>)
        %dma_start3A_356 = arith.constant 0 : i32
        %dma_start3A_357 = arith.constant 0 : i32
        %dma_start3A_358 = tpu.memref_slice %arg15[%rem3A_313, %dma_start3A_356, %dma_start3A_357] : memref<5x8x128xf32, #tpu.memory_space<vmem>> -> memref<1x8x128xf32, #tpu.memory_space<vmem>>
        %dma_start3A_359 = tpu.memref_squeeze %dma_start3A_358 : memref<1x8x128xf32, #tpu.memory_space<vmem>> -> memref<8x128xf32, #tpu.memory_space<vmem>>
        %dma_start3A_360 = arith.constant 0 : i32
        %dma_start3A_361 = tpu.memref_slice %arg8[%mul3A_309, %dma_start3A_360] : memref<50000x128xf32, #tpu.memory_space<hbm>> -> memref<8x128xf32, #tpu.memory_space<hbm>>
        %dma_start3A_362 = tpu.memref_slice %arg19[%rem3A_313] : memref<5x!tpu.dma_semaphore, #tpu.memory_space<semaphore_mem>> -> memref<1x!tpu.dma_semaphore, #tpu.memory_space<semaphore_mem>>
        %dma_start3A_363 = tpu.memref_squeeze %dma_start3A_362 : memref<1x!tpu.dma_semaphore, #tpu.memory_space<semaphore_mem>> -> memref<!tpu.dma_semaphore, #tpu.memory_space<semaphore_mem>>
        %dma_start3A_364 = arith.constant 0 : i32
        %dma_start3A_365 = arith.constant 0 : i32
        %dma_start3A_366 = tpu.memref_slice %arg15[%rem3A_313, %dma_start3A_364, %dma_start3A_365] : memref<5x8x128xf32, #tpu.memory_space<vmem>> -> memref<1x8x128xf32, #tpu.memory_space<vmem>>
        %dma_start3A_367 = tpu.memref_squeeze %dma_start3A_366 : memref<1x8x128xf32, #tpu.memory_space<vmem>> -> memref<8x128xf32, #tpu.memory_space<vmem>>
        %dma_start3A_368 = arith.constant 0 : i32
        %dma_start3A_369 = tpu.memref_slice %arg8[%mul3A_309, %dma_start3A_368] : memref<50000x128xf32, #tpu.memory_space<hbm>> -> memref<8x128xf32, #tpu.memory_space<hbm>>
        tpu.enqueue_dma source(%dma_start3A_369 : memref<8x128xf32, #tpu.memory_space<hbm>>) target(%dma_start3A_367 : memref<8x128xf32, #tpu.memory_space<vmem>>) target_semaphore(%dma_start3A_363 : memref<!tpu.dma_semaphore, #tpu.memory_space<semaphore_mem>>)
      } else {
      }
      %add3A_146 = arith.addi %add3A_7, %while3A_129 : i32
      %mul3A_147 = arith.constant 8 : i32
      %mul3A_148 = arith.muli %add3A_146, %mul3A_147 : i32
      %rem3A_149 = arith.constant 6 : i32
      %rem3A_150 = arith.remsi %while3A_129, %rem3A_149 : i32
      %rem3A_151 = arith.constant 5 : i32
      %rem3A_152 = arith.remsi %while3A_129, %rem3A_151 : i32
      %dma_wait3A = arith.constant 0 : i32
      %dma_wait3A_153 = arith.constant 0 : i32
      %dma_wait3A_154 = tpu.memref_slice %arg12[%rem3A_150, %dma_wait3A, %dma_wait3A_153] : memref<6x8x128xi32, #tpu.memory_space<vmem>> -> memref<1x8x128xi32, #tpu.memory_space<vmem>>
      %dma_wait3A_155 = tpu.memref_squeeze %dma_wait3A_154 : memref<1x8x128xi32, #tpu.memory_space<vmem>> -> memref<8x128xi32, #tpu.memory_space<vmem>>
      %dma_wait3A_156 = arith.constant 0 : i32
      %dma_wait3A_157 = tpu.memref_slice %arg5[%mul3A_148, %dma_wait3A_156] : memref<50000x128xi32, #tpu.memory_space<hbm>> -> memref<8x128xi32, #tpu.memory_space<hbm>>
      %dma_wait3A_158 = tpu.memref_slice %arg18[%rem3A_150] : memref<6x!tpu.dma_semaphore, #tpu.memory_space<semaphore_mem>> -> memref<1x!tpu.dma_semaphore, #tpu.memory_space<semaphore_mem>>
      %dma_wait3A_159 = tpu.memref_squeeze %dma_wait3A_158 : memref<1x!tpu.dma_semaphore, #tpu.memory_space<semaphore_mem>> -> memref<!tpu.dma_semaphore, #tpu.memory_space<semaphore_mem>>
      %dma_wait3A_160 = arith.constant 0 : i32
      %dma_wait3A_161 = arith.constant 0 : i32
      %dma_wait3A_162 = tpu.memref_slice %arg12[%rem3A_150, %dma_wait3A_160, %dma_wait3A_161] : memref<6x8x128xi32, #tpu.memory_space<vmem>> -> memref<1x8x128xi32, #tpu.memory_space<vmem>>
      %dma_wait3A_163 = tpu.memref_squeeze %dma_wait3A_162 : memref<1x8x128xi32, #tpu.memory_space<vmem>> -> memref<8x128xi32, #tpu.memory_space<vmem>>
      %dma_wait3A_164 = arith.constant 0 : i32
      %dma_wait3A_165 = tpu.memref_slice %arg5[%mul3A_148, %dma_wait3A_164] : memref<50000x128xi32, #tpu.memory_space<hbm>> -> memref<8x128xi32, #tpu.memory_space<hbm>>
      tpu.wait_dma2 semaphore(%dma_wait3A_159 : memref<!tpu.dma_semaphore, #tpu.memory_space<semaphore_mem>>) src(%dma_wait3A_165 : memref<8x128xi32, #tpu.memory_space<hbm>>) dst(%dma_wait3A_163 : memref<8x128xi32, #tpu.memory_space<vmem>>)
      %dma_wait3A_166 = arith.constant 0 : i32
      %dma_wait3A_167 = arith.constant 0 : i32
      %dma_wait3A_168 = tpu.memref_slice %arg13[%rem3A_152, %dma_wait3A_166, %dma_wait3A_167] : memref<5x8x128xi32, #tpu.memory_space<vmem>> -> memref<1x8x128xi32, #tpu.memory_space<vmem>>
      %dma_wait3A_169 = tpu.memref_squeeze %dma_wait3A_168 : memref<1x8x128xi32, #tpu.memory_space<vmem>> -> memref<8x128xi32, #tpu.memory_space<vmem>>
      %dma_wait3A_170 = arith.constant 0 : i32
      %dma_wait3A_171 = tpu.memref_slice %arg6[%mul3A_148, %dma_wait3A_170] : memref<50000x128xi32, #tpu.memory_space<hbm>> -> memref<8x128xi32, #tpu.memory_space<hbm>>
      %dma_wait3A_172 = tpu.memref_slice %arg19[%rem3A_152] : memref<5x!tpu.dma_semaphore, #tpu.memory_space<semaphore_mem>> -> memref<1x!tpu.dma_semaphore, #tpu.memory_space<semaphore_mem>>
      %dma_wait3A_173 = tpu.memref_squeeze %dma_wait3A_172 : memref<1x!tpu.dma_semaphore, #tpu.memory_space<semaphore_mem>> -> memref<!tpu.dma_semaphore, #tpu.memory_space<semaphore_mem>>
      %dma_wait3A_174 = arith.constant 0 : i32
      %dma_wait3A_175 = arith.constant 0 : i32
      %dma_wait3A_176 = tpu.memref_slice %arg13[%rem3A_152, %dma_wait3A_174, %dma_wait3A_175] : memref<5x8x128xi32, #tpu.memory_space<vmem>> -> memref<1x8x128xi32, #tpu.memory_space<vmem>>
      %dma_wait3A_177 = tpu.memref_squeeze %dma_wait3A_176 : memref<1x8x128xi32, #tpu.memory_space<vmem>> -> memref<8x128xi32, #tpu.memory_space<vmem>>
      %dma_wait3A_178 = arith.constant 0 : i32
      %dma_wait3A_179 = tpu.memref_slice %arg6[%mul3A_148, %dma_wait3A_178] : memref<50000x128xi32, #tpu.memory_space<hbm>> -> memref<8x128xi32, #tpu.memory_space<hbm>>
      tpu.wait_dma2 semaphore(%dma_wait3A_173 : memref<!tpu.dma_semaphore, #tpu.memory_space<semaphore_mem>>) src(%dma_wait3A_179 : memref<8x128xi32, #tpu.memory_space<hbm>>) dst(%dma_wait3A_177 : memref<8x128xi32, #tpu.memory_space<vmem>>)
      %dma_wait3A_180 = arith.constant 0 : i32
      %dma_wait3A_181 = arith.constant 0 : i32
      %dma_wait3A_182 = tpu.memref_slice %arg14[%rem3A_152, %dma_wait3A_180, %dma_wait3A_181] : memref<5x8x128xf32, #tpu.memory_space<vmem>> -> memref<1x8x128xf32, #tpu.memory_space<vmem>>
      %dma_wait3A_183 = tpu.memref_squeeze %dma_wait3A_182 : memref<1x8x128xf32, #tpu.memory_space<vmem>> -> memref<8x128xf32, #tpu.memory_space<vmem>>
      %dma_wait3A_184 = arith.constant 0 : i32
      %dma_wait3A_185 = tpu.memref_slice %arg7[%mul3A_148, %dma_wait3A_184] : memref<50000x128xf32, #tpu.memory_space<hbm>> -> memref<8x128xf32, #tpu.memory_space<hbm>>
      %dma_wait3A_186 = tpu.memref_slice %arg19[%rem3A_152] : memref<5x!tpu.dma_semaphore, #tpu.memory_space<semaphore_mem>> -> memref<1x!tpu.dma_semaphore, #tpu.memory_space<semaphore_mem>>
      %dma_wait3A_187 = tpu.memref_squeeze %dma_wait3A_186 : memref<1x!tpu.dma_semaphore, #tpu.memory_space<semaphore_mem>> -> memref<!tpu.dma_semaphore, #tpu.memory_space<semaphore_mem>>
      %dma_wait3A_188 = arith.constant 0 : i32
      %dma_wait3A_189 = arith.constant 0 : i32
      %dma_wait3A_190 = tpu.memref_slice %arg14[%rem3A_152, %dma_wait3A_188, %dma_wait3A_189] : memref<5x8x128xf32, #tpu.memory_space<vmem>> -> memref<1x8x128xf32, #tpu.memory_space<vmem>>
      %dma_wait3A_191 = tpu.memref_squeeze %dma_wait3A_190 : memref<1x8x128xf32, #tpu.memory_space<vmem>> -> memref<8x128xf32, #tpu.memory_space<vmem>>
      %dma_wait3A_192 = arith.constant 0 : i32
      %dma_wait3A_193 = tpu.memref_slice %arg7[%mul3A_148, %dma_wait3A_192] : memref<50000x128xf32, #tpu.memory_space<hbm>> -> memref<8x128xf32, #tpu.memory_space<hbm>>
      tpu.wait_dma2 semaphore(%dma_wait3A_187 : memref<!tpu.dma_semaphore, #tpu.memory_space<semaphore_mem>>) src(%dma_wait3A_193 : memref<8x128xf32, #tpu.memory_space<hbm>>) dst(%dma_wait3A_191 : memref<8x128xf32, #tpu.memory_space<vmem>>)
      %dma_wait3A_194 = arith.constant 0 : i32
      %dma_wait3A_195 = arith.constant 0 : i32
      %dma_wait3A_196 = tpu.memref_slice %arg15[%rem3A_152, %dma_wait3A_194, %dma_wait3A_195] : memref<5x8x128xf32, #tpu.memory_space<vmem>> -> memref<1x8x128xf32, #tpu.memory_space<vmem>>
      %dma_wait3A_197 = tpu.memref_squeeze %dma_wait3A_196 : memref<1x8x128xf32, #tpu.memory_space<vmem>> -> memref<8x128xf32, #tpu.memory_space<vmem>>
      %dma_wait3A_198 = arith.constant 0 : i32
      %dma_wait3A_199 = tpu.memref_slice %arg8[%mul3A_148, %dma_wait3A_198] : memref<50000x128xf32, #tpu.memory_space<hbm>> -> memref<8x128xf32, #tpu.memory_space<hbm>>
      %dma_wait3A_200 = tpu.memref_slice %arg19[%rem3A_152] : memref<5x!tpu.dma_semaphore, #tpu.memory_space<semaphore_mem>> -> memref<1x!tpu.dma_semaphore, #tpu.memory_space<semaphore_mem>>
      %dma_wait3A_201 = tpu.memref_squeeze %dma_wait3A_200 : memref<1x!tpu.dma_semaphore, #tpu.memory_space<semaphore_mem>> -> memref<!tpu.dma_semaphore, #tpu.memory_space<semaphore_mem>>
      %dma_wait3A_202 = arith.constant 0 : i32
      %dma_wait3A_203 = arith.constant 0 : i32
      %dma_wait3A_204 = tpu.memref_slice %arg15[%rem3A_152, %dma_wait3A_202, %dma_wait3A_203] : memref<5x8x128xf32, #tpu.memory_space<vmem>> -> memref<1x8x128xf32, #tpu.memory_space<vmem>>
      %dma_wait3A_205 = tpu.memref_squeeze %dma_wait3A_204 : memref<1x8x128xf32, #tpu.memory_space<vmem>> -> memref<8x128xf32, #tpu.memory_space<vmem>>
      %dma_wait3A_206 = arith.constant 0 : i32
      %dma_wait3A_207 = tpu.memref_slice %arg8[%mul3A_148, %dma_wait3A_206] : memref<50000x128xf32, #tpu.memory_space<hbm>> -> memref<8x128xf32, #tpu.memory_space<hbm>>
      tpu.wait_dma2 semaphore(%dma_wait3A_201 : memref<!tpu.dma_semaphore, #tpu.memory_space<semaphore_mem>>) src(%dma_wait3A_207 : memref<8x128xf32, #tpu.memory_space<hbm>>) dst(%dma_wait3A_205 : memref<8x128xf32, #tpu.memory_space<vmem>>)
      %parallel_loop3A = arith.constant 0 : i32
      %parallel_loop3A_208 = arith.constant 64 : i32
      %parallel_loop3A_209 = arith.constant 1 : i32
      scf.for %parallel_loop3A_305 = %parallel_loop3A to %parallel_loop3A_208 step %parallel_loop3A_209  : i32 {
        %parallel_loop3A_306 = arith.constant 3 : i32
        %parallel_loop3A_307 = arith.shrui %parallel_loop3A_305, %parallel_loop3A_306 : i32
        %parallel_loop3A_308 = arith.constant 7 : i32
        %parallel_loop3A_309 = arith.andi %parallel_loop3A_305, %parallel_loop3A_308 : i32
        %parallel_loop3A_310 = arith.constant 16 : i32
        %parallel_loop3A_311 = arith.muli %parallel_loop3A_309, %parallel_loop3A_310 : i32
        %parallel_loop3A_312 = arith.index_cast %rem3A_132 : i32 to index
        %parallel_loop3A_313 = arith.index_cast %parallel_loop3A_307 : i32 to index
        %parallel_loop3A_314 = arith.index_cast %parallel_loop3A_311 : i32 to index
        %parallel_loop3A_315 = tpu.vector_load %arg12[%parallel_loop3A_312, %parallel_loop3A_313, %parallel_loop3A_314] {strides = array<i32>} : memref<6x8x128xi32, #tpu.memory_space<vmem>>, vector<16xi32>,
        %parallel_loop3A_316 = arith.index_cast %rem3A_134 : i32 to index
        %parallel_loop3A_317 = arith.index_cast %parallel_loop3A_307 : i32 to index
        %parallel_loop3A_318 = arith.index_cast %parallel_loop3A_311 : i32 to index
        %parallel_loop3A_319 = tpu.vector_load %arg13[%parallel_loop3A_316, %parallel_loop3A_317, %parallel_loop3A_318] {strides = array<i32>} : memref<5x8x128xi32, #tpu.memory_space<vmem>>, vector<16xi32>,
        %parallel_loop3A_320 = tpu.vector_load_idx %arg10[%parallel_loop3A_315] : memref<100000xi32, #tpu.memory_space<vmem>>[vector<16xi32>], vector<16xi32>,
        %parallel_loop3A_321 = tpu.vector_load_idx %arg10[%parallel_loop3A_319] : memref<100000xi32, #tpu.memory_space<vmem>>[vector<16xi32>], vector<16xi32>,
        %parallel_loop3A_322 = arith.constant 16 : i32
        %parallel_loop3A_323 = vector.broadcast %parallel_loop3A_322 : i32 to vector<16xi32>
        %parallel_loop3A_324 = arith.shrui %parallel_loop3A_320, %parallel_loop3A_323 : vector<16xi32>
        %parallel_loop3A_325 = arith.constant 13 : i32
        %parallel_loop3A_326 = vector.broadcast %parallel_loop3A_325 : i32 to vector<16xi32>
        %parallel_loop3A_327 = arith.shli %parallel_loop3A_324, %parallel_loop3A_326 : vector<16xi32>
        %parallel_loop3A_328 = arith.constant 939524096 : i32
        %parallel_loop3A_329 = vector.broadcast %parallel_loop3A_328 : i32 to vector<16xi32>
        %parallel_loop3A_330 = arith.addi %parallel_loop3A_327, %parallel_loop3A_329 : vector<16xi32>
        %parallel_loop3A_331 = tpu.bitcast %parallel_loop3A_330 : vector<16xi32> -> vector<16xf32>
        %parallel_loop3A_332 = arith.constant 16 : i32
        %parallel_loop3A_333 = vector.broadcast %parallel_loop3A_332 : i32 to vector<16xi32>
        %parallel_loop3A_334 = arith.shrui %parallel_loop3A_321, %parallel_loop3A_333 : vector<16xi32>
        %parallel_loop3A_335 = arith.constant 13 : i32
        %parallel_loop3A_336 = vector.broadcast %parallel_loop3A_335 : i32 to vector<16xi32>
        %parallel_loop3A_337 = arith.shli %parallel_loop3A_334, %parallel_loop3A_336 : vector<16xi32>
        %parallel_loop3A_338 = arith.constant 939524096 : i32
        %parallel_loop3A_339 = vector.broadcast %parallel_loop3A_338 : i32 to vector<16xi32>
        %parallel_loop3A_340 = arith.addi %parallel_loop3A_337, %parallel_loop3A_339 : vector<16xi32>
        %parallel_loop3A_341 = tpu.bitcast %parallel_loop3A_340 : vector<16xi32> -> vector<16xf32>
        %parallel_loop3A_342 = arith.constant 65535 : i32
        %parallel_loop3A_343 = vector.broadcast %parallel_loop3A_342 : i32 to vector<16xi32>
        %parallel_loop3A_344 = arith.andi %parallel_loop3A_320, %parallel_loop3A_343 : vector<16xi32>
        %parallel_loop3A_345 = arith.constant 13 : i32
        %parallel_loop3A_346 = vector.broadcast %parallel_loop3A_345 : i32 to vector<16xi32>
        %parallel_loop3A_347 = arith.shli %parallel_loop3A_344, %parallel_loop3A_346 : vector<16xi32>
        %parallel_loop3A_348 = arith.constant 939524096 : i32
        %parallel_loop3A_349 = vector.broadcast %parallel_loop3A_348 : i32 to vector<16xi32>
        %parallel_loop3A_350 = arith.addi %parallel_loop3A_347, %parallel_loop3A_349 : vector<16xi32>
        %parallel_loop3A_351 = tpu.bitcast %parallel_loop3A_350 : vector<16xi32> -> vector<16xf32>
        %parallel_loop3A_352 = arith.constant 65535 : i32
        %parallel_loop3A_353 = vector.broadcast %parallel_loop3A_352 : i32 to vector<16xi32>
        %parallel_loop3A_354 = arith.andi %parallel_loop3A_321, %parallel_loop3A_353 : vector<16xi32>
        %parallel_loop3A_355 = arith.constant 13 : i32
        %parallel_loop3A_356 = vector.broadcast %parallel_loop3A_355 : i32 to vector<16xi32>
        %parallel_loop3A_357 = arith.shli %parallel_loop3A_354, %parallel_loop3A_356 : vector<16xi32>
        %parallel_loop3A_358 = arith.constant 939524096 : i32
        %parallel_loop3A_359 = vector.broadcast %parallel_loop3A_358 : i32 to vector<16xi32>
        %parallel_loop3A_360 = arith.addi %parallel_loop3A_357, %parallel_loop3A_359 : vector<16xi32>
        %parallel_loop3A_361 = tpu.bitcast %parallel_loop3A_360 : vector<16xi32> -> vector<16xf32>
        %parallel_loop3A_362 = arith.index_cast %rem3A_134 : i32 to index
        %parallel_loop3A_363 = arith.index_cast %parallel_loop3A_307 : i32 to index
        %parallel_loop3A_364 = arith.index_cast %parallel_loop3A_311 : i32 to index
        %parallel_loop3A_365 = tpu.vector_load %arg14[%parallel_loop3A_362, %parallel_loop3A_363, %parallel_loop3A_364] {strides = array<i32>} : memref<5x8x128xf32, #tpu.memory_space<vmem>>, vector<16xf32>,
        %parallel_loop3A_366 = arith.index_cast %rem3A_134 : i32 to index
        %parallel_loop3A_367 = arith.index_cast %parallel_loop3A_307 : i32 to index
        %parallel_loop3A_368 = arith.index_cast %parallel_loop3A_311 : i32 to index
        %parallel_loop3A_369 = tpu.vector_load %arg15[%parallel_loop3A_366, %parallel_loop3A_367, %parallel_loop3A_368] {strides = array<i32>} : memref<5x8x128xf32, #tpu.memory_space<vmem>>, vector<16xf32>,
        %parallel_loop3A_370 = arith.addf %parallel_loop3A_331, %parallel_loop3A_341 : vector<16xf32>
        %parallel_loop3A_371 = arith.mulf %parallel_loop3A_370, %parallel_loop3A_365 : vector<16xf32>
        %parallel_loop3A_372 = arith.mulf %get3A_58, %parallel_loop3A_371 : vector<16xf32>
        %parallel_loop3A_373 = math.exp %parallel_loop3A_372 : vector<16xf32>
        %parallel_loop3A_374 = arith.mulf %get3A_74, %parallel_loop3A_373 : vector<16xf32>
        %parallel_loop3A_375 = arith.mulf %get3A_62, %parallel_loop3A_371 : vector<16xf32>
        %parallel_loop3A_376 = math.exp %parallel_loop3A_375 : vector<16xf32>
        %parallel_loop3A_377 = arith.mulf %get3A_78, %parallel_loop3A_376 : vector<16xf32>
        %parallel_loop3A_378 = arith.addf %parallel_loop3A_374, %parallel_loop3A_377 : vector<16xf32>
        %parallel_loop3A_379 = arith.mulf %get3A_66, %parallel_loop3A_371 : vector<16xf32>
        %parallel_loop3A_380 = math.exp %parallel_loop3A_379 : vector<16xf32>
        %parallel_loop3A_381 = arith.mulf %get3A_82, %parallel_loop3A_380 : vector<16xf32>
        %parallel_loop3A_382 = arith.addf %parallel_loop3A_378, %parallel_loop3A_381 : vector<16xf32>
        %parallel_loop3A_383 = arith.mulf %get3A_70, %parallel_loop3A_371 : vector<16xf32>
        %parallel_loop3A_384 = math.exp %parallel_loop3A_383 : vector<16xf32>
        %parallel_loop3A_385 = arith.mulf %get3A_86, %parallel_loop3A_384 : vector<16xf32>
        %parallel_loop3A_386 = arith.addf %parallel_loop3A_382, %parallel_loop3A_385 : vector<16xf32>
        %parallel_loop3A_387 = arith.mulf %parallel_loop3A_351, %parallel_loop3A_361 : vector<16xf32>
        %parallel_loop3A_388 = arith.mulf %parallel_loop3A_386, %parallel_loop3A_387 : vector<16xf32>
        %parallel_loop3A_389 = arith.divf %parallel_loop3A_369, %parallel_loop3A_365 : vector<16xf32>
        %parallel_loop3A_390 = arith.mulf %parallel_loop3A_388, %parallel_loop3A_389 : vector<16xf32>
        %parallel_loop3A_391 = arith.index_cast %rem3A_130 : i32 to index
        %parallel_loop3A_392 = arith.index_cast %parallel_loop3A_307 : i32 to index
        %parallel_loop3A_393 = arith.index_cast %parallel_loop3A_311 : i32 to index
        %parallel_loop3A_394 = tpu.vector_load %arg16[%parallel_loop3A_391, %parallel_loop3A_392, %parallel_loop3A_393] {strides = array<i32>} : memref<2x8x128xf32, #tpu.memory_space<vmem>>, vector<16xf32>,
        tpu.vector_store %arg16[%parallel_loop3A_391, %parallel_loop3A_392, %parallel_loop3A_393], %parallel_loop3A_390 {strides = array<i32>} : memref<2x8x128xf32, #tpu.memory_space<vmem>>, vector<16xf32>,
      } {sc.loop_unroll_factor = 2 : i64, sc.parallel_access}
      %dma_start3A = arith.constant 0 : i32
      %dma_start3A_210 = arith.constant 0 : i32
      %dma_start3A_211 = arith.constant 0 : i32
      %dma_start3A_212 = tpu.memref_slice %arg16[%rem3A_130, %dma_start3A, %dma_start3A_211] : memref<2x8x128xf32, #tpu.memory_space<vmem>> -> memref<1x1x128xf32, #tpu.memory_space<vmem>>
      %dma_start3A_213 = tpu.memref_squeeze %dma_start3A_212 : memref<1x1x128xf32, #tpu.memory_space<vmem>> -> memref<128xf32, #tpu.memory_space<vmem>>
      %dma_start3A_214 = arith.constant 0 : i32
      %dma_start3A_215 = tpu.memref_slice %arg12[%rem3A_132, %dma_start3A_210, %dma_start3A_214] : memref<6x8x128xi32, #tpu.memory_space<vmem>> -> memref<1x1x128xi32, #tpu.memory_space<vmem>>
      %dma_start3A_216 = tpu.memref_squeeze %dma_start3A_215 : memref<1x1x128xi32, #tpu.memory_space<vmem>> -> memref<128xi32, #tpu.memory_space<vmem>>
      %dma_start3A_217 = arith.constant 0 : i32
      %dma_start3A_218 = tpu.memref_slice %arg17[%dma_start3A_217] : memref<100352xf32, #tpu.memory_space<vmem_shared>> -> memref<100352xf32, #tpu.memory_space<vmem_shared>>
      %dma_start3A_219 = tpu.memref_slice %arg20[%rem3A_130] : memref<2x!tpu.dma_semaphore, #tpu.memory_space<semaphore_mem>> -> memref<1x!tpu.dma_semaphore, #tpu.memory_space<semaphore_mem>>
      %dma_start3A_220 = tpu.memref_squeeze %dma_start3A_219 : memref<1x!tpu.dma_semaphore, #tpu.memory_space<semaphore_mem>> -> memref<!tpu.dma_semaphore, #tpu.memory_space<semaphore_mem>>
      tpu.enqueue_indirect_dma source(%dma_start3A_213 : memref<128xf32, #tpu.memory_space<vmem>>) target(%dma_start3A_218 : memref<100352xf32, #tpu.memory_space<vmem_shared>>) offsets(%dma_start3A_216 : memref<128xi32, #tpu.memory_space<vmem>>) semaphore(%dma_start3A_220 : memref<!tpu.dma_semaphore, #tpu.memory_space<semaphore_mem>>) {add = true}
      %dma_start3A_221 = arith.constant 1 : i32
      %dma_start3A_222 = arith.constant 1 : i32
      %dma_start3A_223 = arith.constant 0 : i32
      %dma_start3A_224 = tpu.memref_slice %arg16[%rem3A_130, %dma_start3A_221, %dma_start3A_223] : memref<2x8x128xf32, #tpu.memory_space<vmem>> -> memref<1x1x128xf32, #tpu.memory_space<vmem>>
      %dma_start3A_225 = tpu.memref_squeeze %dma_start3A_224 : memref<1x1x128xf32, #tpu.memory_space<vmem>> -> memref<128xf32, #tpu.memory_space<vmem>>
      %dma_start3A_226 = arith.constant 0 : i32
      %dma_start3A_227 = tpu.memref_slice %arg12[%rem3A_132, %dma_start3A_222, %dma_start3A_226] : memref<6x8x128xi32, #tpu.memory_space<vmem>> -> memref<1x1x128xi32, #tpu.memory_space<vmem>>
      %dma_start3A_228 = tpu.memref_squeeze %dma_start3A_227 : memref<1x1x128xi32, #tpu.memory_space<vmem>> -> memref<128xi32, #tpu.memory_space<vmem>>
      %dma_start3A_229 = arith.constant 0 : i32
      %dma_start3A_230 = tpu.memref_slice %arg17[%dma_start3A_229] : memref<100352xf32, #tpu.memory_space<vmem_shared>> -> memref<100352xf32, #tpu.memory_space<vmem_shared>>
      %dma_start3A_231 = tpu.memref_slice %arg20[%rem3A_130] : memref<2x!tpu.dma_semaphore, #tpu.memory_space<semaphore_mem>> -> memref<1x!tpu.dma_semaphore, #tpu.memory_space<semaphore_mem>>
      %dma_start3A_232 = tpu.memref_squeeze %dma_start3A_231 : memref<1x!tpu.dma_semaphore, #tpu.memory_space<semaphore_mem>> -> memref<!tpu.dma_semaphore, #tpu.memory_space<semaphore_mem>>
      tpu.enqueue_indirect_dma source(%dma_start3A_225 : memref<128xf32, #tpu.memory_space<vmem>>) target(%dma_start3A_230 : memref<100352xf32, #tpu.memory_space<vmem_shared>>) offsets(%dma_start3A_228 : memref<128xi32, #tpu.memory_space<vmem>>) semaphore(%dma_start3A_232 : memref<!tpu.dma_semaphore, #tpu.memory_space<semaphore_mem>>) {add = true}
      %dma_start3A_233 = arith.constant 2 : i32
      %dma_start3A_234 = arith.constant 2 : i32
      %dma_start3A_235 = arith.constant 0 : i32
      %dma_start3A_236 = tpu.memref_slice %arg16[%rem3A_130, %dma_start3A_233, %dma_start3A_235] : memref<2x8x128xf32, #tpu.memory_space<vmem>> -> memref<1x1x128xf32, #tpu.memory_space<vmem>>
      %dma_start3A_237 = tpu.memref_squeeze %dma_start3A_236 : memref<1x1x128xf32, #tpu.memory_space<vmem>> -> memref<128xf32, #tpu.memory_space<vmem>>
      %dma_start3A_238 = arith.constant 0 : i32
      %dma_start3A_239 = tpu.memref_slice %arg12[%rem3A_132, %dma_start3A_234, %dma_start3A_238] : memref<6x8x128xi32, #tpu.memory_space<vmem>> -> memref<1x1x128xi32, #tpu.memory_space<vmem>>
      %dma_start3A_240 = tpu.memref_squeeze %dma_start3A_239 : memref<1x1x128xi32, #tpu.memory_space<vmem>> -> memref<128xi32, #tpu.memory_space<vmem>>
      %dma_start3A_241 = arith.constant 0 : i32
      %dma_start3A_242 = tpu.memref_slice %arg17[%dma_start3A_241] : memref<100352xf32, #tpu.memory_space<vmem_shared>> -> memref<100352xf32, #tpu.memory_space<vmem_shared>>
      %dma_start3A_243 = tpu.memref_slice %arg20[%rem3A_130] : memref<2x!tpu.dma_semaphore, #tpu.memory_space<semaphore_mem>> -> memref<1x!tpu.dma_semaphore, #tpu.memory_space<semaphore_mem>>
      %dma_start3A_244 = tpu.memref_squeeze %dma_start3A_243 : memref<1x!tpu.dma_semaphore, #tpu.memory_space<semaphore_mem>> -> memref<!tpu.dma_semaphore, #tpu.memory_space<semaphore_mem>>
      tpu.enqueue_indirect_dma source(%dma_start3A_237 : memref<128xf32, #tpu.memory_space<vmem>>) target(%dma_start3A_242 : memref<100352xf32, #tpu.memory_space<vmem_shared>>) offsets(%dma_start3A_240 : memref<128xi32, #tpu.memory_space<vmem>>) semaphore(%dma_start3A_244 : memref<!tpu.dma_semaphore, #tpu.memory_space<semaphore_mem>>) {add = true}
      %dma_start3A_245 = arith.constant 3 : i32
      %dma_start3A_246 = arith.constant 3 : i32
      %dma_start3A_247 = arith.constant 0 : i32
      %dma_start3A_248 = tpu.memref_slice %arg16[%rem3A_130, %dma_start3A_245, %dma_start3A_247] : memref<2x8x128xf32, #tpu.memory_space<vmem>> -> memref<1x1x128xf32, #tpu.memory_space<vmem>>
      %dma_start3A_249 = tpu.memref_squeeze %dma_start3A_248 : memref<1x1x128xf32, #tpu.memory_space<vmem>> -> memref<128xf32, #tpu.memory_space<vmem>>
      %dma_start3A_250 = arith.constant 0 : i32
      %dma_start3A_251 = tpu.memref_slice %arg12[%rem3A_132, %dma_start3A_246, %dma_start3A_250] : memref<6x8x128xi32, #tpu.memory_space<vmem>> -> memref<1x1x128xi32, #tpu.memory_space<vmem>>
      %dma_start3A_252 = tpu.memref_squeeze %dma_start3A_251 : memref<1x1x128xi32, #tpu.memory_space<vmem>> -> memref<128xi32, #tpu.memory_space<vmem>>
      %dma_start3A_253 = arith.constant 0 : i32
      %dma_start3A_254 = tpu.memref_slice %arg17[%dma_start3A_253] : memref<100352xf32, #tpu.memory_space<vmem_shared>> -> memref<100352xf32, #tpu.memory_space<vmem_shared>>
      %dma_start3A_255 = tpu.memref_slice %arg20[%rem3A_130] : memref<2x!tpu.dma_semaphore, #tpu.memory_space<semaphore_mem>> -> memref<1x!tpu.dma_semaphore, #tpu.memory_space<semaphore_mem>>
      %dma_start3A_256 = tpu.memref_squeeze %dma_start3A_255 : memref<1x!tpu.dma_semaphore, #tpu.memory_space<semaphore_mem>> -> memref<!tpu.dma_semaphore, #tpu.memory_space<semaphore_mem>>
      tpu.enqueue_indirect_dma source(%dma_start3A_249 : memref<128xf32, #tpu.memory_space<vmem>>) target(%dma_start3A_254 : memref<100352xf32, #tpu.memory_space<vmem_shared>>) offsets(%dma_start3A_252 : memref<128xi32, #tpu.memory_space<vmem>>) semaphore(%dma_start3A_256 : memref<!tpu.dma_semaphore, #tpu.memory_space<semaphore_mem>>) {add = true}
      %dma_start3A_257 = arith.constant 4 : i32
      %dma_start3A_258 = arith.constant 4 : i32
      %dma_start3A_259 = arith.constant 0 : i32
      %dma_start3A_260 = tpu.memref_slice %arg16[%rem3A_130, %dma_start3A_257, %dma_start3A_259] : memref<2x8x128xf32, #tpu.memory_space<vmem>> -> memref<1x1x128xf32, #tpu.memory_space<vmem>>
      %dma_start3A_261 = tpu.memref_squeeze %dma_start3A_260 : memref<1x1x128xf32, #tpu.memory_space<vmem>> -> memref<128xf32, #tpu.memory_space<vmem>>
      %dma_start3A_262 = arith.constant 0 : i32
      %dma_start3A_263 = tpu.memref_slice %arg12[%rem3A_132, %dma_start3A_258, %dma_start3A_262] : memref<6x8x128xi32, #tpu.memory_space<vmem>> -> memref<1x1x128xi32, #tpu.memory_space<vmem>>
      %dma_start3A_264 = tpu.memref_squeeze %dma_start3A_263 : memref<1x1x128xi32, #tpu.memory_space<vmem>> -> memref<128xi32, #tpu.memory_space<vmem>>
      %dma_start3A_265 = arith.constant 0 : i32
      %dma_start3A_266 = tpu.memref_slice %arg17[%dma_start3A_265] : memref<100352xf32, #tpu.memory_space<vmem_shared>> -> memref<100352xf32, #tpu.memory_space<vmem_shared>>
      %dma_start3A_267 = tpu.memref_slice %arg20[%rem3A_130] : memref<2x!tpu.dma_semaphore, #tpu.memory_space<semaphore_mem>> -> memref<1x!tpu.dma_semaphore, #tpu.memory_space<semaphore_mem>>
      %dma_start3A_268 = tpu.memref_squeeze %dma_start3A_267 : memref<1x!tpu.dma_semaphore, #tpu.memory_space<semaphore_mem>> -> memref<!tpu.dma_semaphore, #tpu.memory_space<semaphore_mem>>
      tpu.enqueue_indirect_dma source(%dma_start3A_261 : memref<128xf32, #tpu.memory_space<vmem>>) target(%dma_start3A_266 : memref<100352xf32, #tpu.memory_space<vmem_shared>>) offsets(%dma_start3A_264 : memref<128xi32, #tpu.memory_space<vmem>>) semaphore(%dma_start3A_268 : memref<!tpu.dma_semaphore, #tpu.memory_space<semaphore_mem>>) {add = true}
      %dma_start3A_269 = arith.constant 5 : i32
      %dma_start3A_270 = arith.constant 5 : i32
      %dma_start3A_271 = arith.constant 0 : i32
      %dma_start3A_272 = tpu.memref_slice %arg16[%rem3A_130, %dma_start3A_269, %dma_start3A_271] : memref<2x8x128xf32, #tpu.memory_space<vmem>> -> memref<1x1x128xf32, #tpu.memory_space<vmem>>
      %dma_start3A_273 = tpu.memref_squeeze %dma_start3A_272 : memref<1x1x128xf32, #tpu.memory_space<vmem>> -> memref<128xf32, #tpu.memory_space<vmem>>
      %dma_start3A_274 = arith.constant 0 : i32
      %dma_start3A_275 = tpu.memref_slice %arg12[%rem3A_132, %dma_start3A_270, %dma_start3A_274] : memref<6x8x128xi32, #tpu.memory_space<vmem>> -> memref<1x1x128xi32, #tpu.memory_space<vmem>>
      %dma_start3A_276 = tpu.memref_squeeze %dma_start3A_275 : memref<1x1x128xi32, #tpu.memory_space<vmem>> -> memref<128xi32, #tpu.memory_space<vmem>>
      %dma_start3A_277 = arith.constant 0 : i32
      %dma_start3A_278 = tpu.memref_slice %arg17[%dma_start3A_277] : memref<100352xf32, #tpu.memory_space<vmem_shared>> -> memref<100352xf32, #tpu.memory_space<vmem_shared>>
      %dma_start3A_279 = tpu.memref_slice %arg20[%rem3A_130] : memref<2x!tpu.dma_semaphore, #tpu.memory_space<semaphore_mem>> -> memref<1x!tpu.dma_semaphore, #tpu.memory_space<semaphore_mem>>
      %dma_start3A_280 = tpu.memref_squeeze %dma_start3A_279 : memref<1x!tpu.dma_semaphore, #tpu.memory_space<semaphore_mem>> -> memref<!tpu.dma_semaphore, #tpu.memory_space<semaphore_mem>>
      tpu.enqueue_indirect_dma source(%dma_start3A_273 : memref<128xf32, #tpu.memory_space<vmem>>) target(%dma_start3A_278 : memref<100352xf32, #tpu.memory_space<vmem_shared>>) offsets(%dma_start3A_276 : memref<128xi32, #tpu.memory_space<vmem>>) semaphore(%dma_start3A_280 : memref<!tpu.dma_semaphore, #tpu.memory_space<semaphore_mem>>) {add = true}
      %dma_start3A_281 = arith.constant 6 : i32
      %dma_start3A_282 = arith.constant 6 : i32
      %dma_start3A_283 = arith.constant 0 : i32
      %dma_start3A_284 = tpu.memref_slice %arg16[%rem3A_130, %dma_start3A_281, %dma_start3A_283] : memref<2x8x128xf32, #tpu.memory_space<vmem>> -> memref<1x1x128xf32, #tpu.memory_space<vmem>>
      %dma_start3A_285 = tpu.memref_squeeze %dma_start3A_284 : memref<1x1x128xf32, #tpu.memory_space<vmem>> -> memref<128xf32, #tpu.memory_space<vmem>>
      %dma_start3A_286 = arith.constant 0 : i32
      %dma_start3A_287 = tpu.memref_slice %arg12[%rem3A_132, %dma_start3A_282, %dma_start3A_286] : memref<6x8x128xi32, #tpu.memory_space<vmem>> -> memref<1x1x128xi32, #tpu.memory_space<vmem>>
      %dma_start3A_288 = tpu.memref_squeeze %dma_start3A_287 : memref<1x1x128xi32, #tpu.memory_space<vmem>> -> memref<128xi32, #tpu.memory_space<vmem>>
      %dma_start3A_289 = arith.constant 0 : i32
      %dma_start3A_290 = tpu.memref_slice %arg17[%dma_start3A_289] : memref<100352xf32, #tpu.memory_space<vmem_shared>> -> memref<100352xf32, #tpu.memory_space<vmem_shared>>
      %dma_start3A_291 = tpu.memref_slice %arg20[%rem3A_130] : memref<2x!tpu.dma_semaphore, #tpu.memory_space<semaphore_mem>> -> memref<1x!tpu.dma_semaphore, #tpu.memory_space<semaphore_mem>>
      %dma_start3A_292 = tpu.memref_squeeze %dma_start3A_291 : memref<1x!tpu.dma_semaphore, #tpu.memory_space<semaphore_mem>> -> memref<!tpu.dma_semaphore, #tpu.memory_space<semaphore_mem>>
      tpu.enqueue_indirect_dma source(%dma_start3A_285 : memref<128xf32, #tpu.memory_space<vmem>>) target(%dma_start3A_290 : memref<100352xf32, #tpu.memory_space<vmem_shared>>) offsets(%dma_start3A_288 : memref<128xi32, #tpu.memory_space<vmem>>) semaphore(%dma_start3A_292 : memref<!tpu.dma_semaphore, #tpu.memory_space<semaphore_mem>>) {add = true}
      %dma_start3A_293 = arith.constant 7 : i32
      %dma_start3A_294 = arith.constant 7 : i32
      %dma_start3A_295 = arith.constant 0 : i32
      %dma_start3A_296 = tpu.memref_slice %arg16[%rem3A_130, %dma_start3A_293, %dma_start3A_295] : memref<2x8x128xf32, #tpu.memory_space<vmem>> -> memref<1x1x128xf32, #tpu.memory_space<vmem>>
      %dma_start3A_297 = tpu.memref_squeeze %dma_start3A_296 : memref<1x1x128xf32, #tpu.memory_space<vmem>> -> memref<128xf32, #tpu.memory_space<vmem>>
      %dma_start3A_298 = arith.constant 0 : i32
      %dma_start3A_299 = tpu.memref_slice %arg12[%rem3A_132, %dma_start3A_294, %dma_start3A_298] : memref<6x8x128xi32, #tpu.memory_space<vmem>> -> memref<1x1x128xi32, #tpu.memory_space<vmem>>
      %dma_start3A_300 = tpu.memref_squeeze %dma_start3A_299 : memref<1x1x128xi32, #tpu.memory_space<vmem>> -> memref<128xi32, #tpu.memory_space<vmem>>
      %dma_start3A_301 = arith.constant 0 : i32
      %dma_start3A_302 = tpu.memref_slice %arg17[%dma_start3A_301] : memref<100352xf32, #tpu.memory_space<vmem_shared>> -> memref<100352xf32, #tpu.memory_space<vmem_shared>>
      %dma_start3A_303 = tpu.memref_slice %arg20[%rem3A_130] : memref<2x!tpu.dma_semaphore, #tpu.memory_space<semaphore_mem>> -> memref<1x!tpu.dma_semaphore, #tpu.memory_space<semaphore_mem>>
      %dma_start3A_304 = tpu.memref_squeeze %dma_start3A_303 : memref<1x!tpu.dma_semaphore, #tpu.memory_space<semaphore_mem>> -> memref<!tpu.dma_semaphore, #tpu.memory_space<semaphore_mem>>
      tpu.enqueue_indirect_dma source(%dma_start3A_297 : memref<128xf32, #tpu.memory_space<vmem>>) target(%dma_start3A_302 : memref<100352xf32, #tpu.memory_space<vmem_shared>>) offsets(%dma_start3A_300 : memref<128xi32, #tpu.memory_space<vmem>>) semaphore(%dma_start3A_304 : memref<!tpu.dma_semaphore, #tpu.memory_space<semaphore_mem>>) {add = true}
    }
    %while3A_114 = arith.constant 1 : i32
    scf.for %while3A_129 = %while3A_112 to %while3A_108 step %while3A_114  : i32 {
      %rem3A = arith.constant 2 : i32
      %rem3A_130 = arith.remsi %while3A_129, %rem3A : i32
      %rem3A_131 = arith.constant 6 : i32
      %rem3A_132 = arith.remsi %while3A_129, %rem3A_131 : i32
      %rem3A_133 = arith.constant 5 : i32
      %rem3A_134 = arith.remsi %while3A_129, %rem3A_133 : i32
      %ge3A_135 = arith.constant 2 : i32
      %ge3A_136 = arith.cmpi sge, %while3A_129, %ge3A_135 : i32
      %convert_element_type3A_137 = arith.extui %ge3A_136 : i1 to i32
      %cond3A_138 = arith.constant 0 : i32
      %cond3A_139 = arith.cmpi ne, %convert_element_type3A_137, %cond3A_138 : i32
      scf.if %cond3A_139 {
        %sub3A = arith.constant 2 : i32
        %sub3A_305 = arith.subi %while3A_129, %sub3A : i32
        %rem3A_306 = arith.constant 2 : i32
        %rem3A_307 = arith.remsi %sub3A_305, %rem3A_306 : i32
        %rem3A_308 = arith.constant 6 : i32
        %rem3A_309 = arith.remsi %sub3A_305, %rem3A_308 : i32
        %dma_wait3A_310 = arith.constant 0 : i32
        %dma_wait3A_311 = arith.constant 0 : i32
        %dma_wait3A_312 = arith.constant 0 : i32
        %dma_wait3A_313 = tpu.memref_slice %arg16[%rem3A_307, %dma_wait3A_310, %dma_wait3A_312] : memref<2x8x128xf32, #tpu.memory_space<vmem>> -> memref<1x1x128xf32, #tpu.memory_space<vmem>>
        %dma_wait3A_314 = tpu.memref_squeeze %dma_wait3A_313 : memref<1x1x128xf32, #tpu.memory_space<vmem>> -> memref<128xf32, #tpu.memory_space<vmem>>
        %dma_wait3A_315 = arith.constant 0 : i32
        %dma_wait3A_316 = tpu.memref_slice %arg12[%rem3A_309, %dma_wait3A_311, %dma_wait3A_315] : memref<6x8x128xi32, #tpu.memory_space<vmem>> -> memref<1x1x128xi32, #tpu.memory_space<vmem>>
        %dma_wait3A_317 = tpu.memref_squeeze %dma_wait3A_316 : memref<1x1x128xi32, #tpu.memory_space<vmem>> -> memref<128xi32, #tpu.memory_space<vmem>>
        %dma_wait3A_318 = arith.constant 0 : i32
        %dma_wait3A_319 = tpu.memref_slice %arg17[%dma_wait3A_318] : memref<100352xf32, #tpu.memory_space<vmem_shared>> -> memref<100352xf32, #tpu.memory_space<vmem_shared>>
        %dma_wait3A_320 = tpu.memref_slice %arg20[%rem3A_307] : memref<2x!tpu.dma_semaphore, #tpu.memory_space<semaphore_mem>> -> memref<1x!tpu.dma_semaphore, #tpu.memory_space<semaphore_mem>>
        %dma_wait3A_321 = tpu.memref_squeeze %dma_wait3A_320 : memref<1x!tpu.dma_semaphore, #tpu.memory_space<semaphore_mem>> -> memref<!tpu.dma_semaphore, #tpu.memory_space<semaphore_mem>>
        tpu.wait_indirect_dma semaphore(%dma_wait3A_321 : memref<!tpu.dma_semaphore, #tpu.memory_space<semaphore_mem>>) src(%dma_wait3A_314 : memref<128xf32, #tpu.memory_space<vmem>>) dst(%dma_wait3A_319 : memref<100352xf32, #tpu.memory_space<vmem_shared>>)
        %dma_wait3A_322 = arith.constant 1 : i32
        %dma_wait3A_323 = arith.constant 1 : i32
        %dma_wait3A_324 = arith.constant 0 : i32
        %dma_wait3A_325 = tpu.memref_slice %arg16[%rem3A_307, %dma_wait3A_322, %dma_wait3A_324] : memref<2x8x128xf32, #tpu.memory_space<vmem>> -> memref<1x1x128xf32, #tpu.memory_space<vmem>>
        %dma_wait3A_326 = tpu.memref_squeeze %dma_wait3A_325 : memref<1x1x128xf32, #tpu.memory_space<vmem>> -> memref<128xf32, #tpu.memory_space<vmem>>
        %dma_wait3A_327 = arith.constant 0 : i32
        %dma_wait3A_328 = tpu.memref_slice %arg12[%rem3A_309, %dma_wait3A_323, %dma_wait3A_327] : memref<6x8x128xi32, #tpu.memory_space<vmem>> -> memref<1x1x128xi32, #tpu.memory_space<vmem>>
        %dma_wait3A_329 = tpu.memref_squeeze %dma_wait3A_328 : memref<1x1x128xi32, #tpu.memory_space<vmem>> -> memref<128xi32, #tpu.memory_space<vmem>>
        %dma_wait3A_330 = arith.constant 0 : i32
        %dma_wait3A_331 = tpu.memref_slice %arg17[%dma_wait3A_330] : memref<100352xf32, #tpu.memory_space<vmem_shared>> -> memref<100352xf32, #tpu.memory_space<vmem_shared>>
        %dma_wait3A_332 = tpu.memref_slice %arg20[%rem3A_307] : memref<2x!tpu.dma_semaphore, #tpu.memory_space<semaphore_mem>> -> memref<1x!tpu.dma_semaphore, #tpu.memory_space<semaphore_mem>>
        %dma_wait3A_333 = tpu.memref_squeeze %dma_wait3A_332 : memref<1x!tpu.dma_semaphore, #tpu.memory_space<semaphore_mem>> -> memref<!tpu.dma_semaphore, #tpu.memory_space<semaphore_mem>>
        tpu.wait_indirect_dma semaphore(%dma_wait3A_333 : memref<!tpu.dma_semaphore, #tpu.memory_space<semaphore_mem>>) src(%dma_wait3A_326 : memref<128xf32, #tpu.memory_space<vmem>>) dst(%dma_wait3A_331 : memref<100352xf32, #tpu.memory_space<vmem_shared>>)
        %dma_wait3A_334 = arith.constant 2 : i32
        %dma_wait3A_335 = arith.constant 2 : i32
        %dma_wait3A_336 = arith.constant 0 : i32
        %dma_wait3A_337 = tpu.memref_slice %arg16[%rem3A_307, %dma_wait3A_334, %dma_wait3A_336] : memref<2x8x128xf32, #tpu.memory_space<vmem>> -> memref<1x1x128xf32, #tpu.memory_space<vmem>>
        %dma_wait3A_338 = tpu.memref_squeeze %dma_wait3A_337 : memref<1x1x128xf32, #tpu.memory_space<vmem>> -> memref<128xf32, #tpu.memory_space<vmem>>
        %dma_wait3A_339 = arith.constant 0 : i32
        %dma_wait3A_340 = tpu.memref_slice %arg12[%rem3A_309, %dma_wait3A_335, %dma_wait3A_339] : memref<6x8x128xi32, #tpu.memory_space<vmem>> -> memref<1x1x128xi32, #tpu.memory_space<vmem>>
        %dma_wait3A_341 = tpu.memref_squeeze %dma_wait3A_340 : memref<1x1x128xi32, #tpu.memory_space<vmem>> -> memref<128xi32, #tpu.memory_space<vmem>>
        %dma_wait3A_342 = arith.constant 0 : i32
        %dma_wait3A_343 = tpu.memref_slice %arg17[%dma_wait3A_342] : memref<100352xf32, #tpu.memory_space<vmem_shared>> -> memref<100352xf32, #tpu.memory_space<vmem_shared>>
        %dma_wait3A_344 = tpu.memref_slice %arg20[%rem3A_307] : memref<2x!tpu.dma_semaphore, #tpu.memory_space<semaphore_mem>> -> memref<1x!tpu.dma_semaphore, #tpu.memory_space<semaphore_mem>>
        %dma_wait3A_345 = tpu.memref_squeeze %dma_wait3A_344 : memref<1x!tpu.dma_semaphore, #tpu.memory_space<semaphore_mem>> -> memref<!tpu.dma_semaphore, #tpu.memory_space<semaphore_mem>>
        tpu.wait_indirect_dma semaphore(%dma_wait3A_345 : memref<!tpu.dma_semaphore, #tpu.memory_space<semaphore_mem>>) src(%dma_wait3A_338 : memref<128xf32, #tpu.memory_space<vmem>>) dst(%dma_wait3A_343 : memref<100352xf32, #tpu.memory_space<vmem_shared>>)
        %dma_wait3A_346 = arith.constant 3 : i32
        %dma_wait3A_347 = arith.constant 3 : i32
        %dma_wait3A_348 = arith.constant 0 : i32
        %dma_wait3A_349 = tpu.memref_slice %arg16[%rem3A_307, %dma_wait3A_346, %dma_wait3A_348] : memref<2x8x128xf32, #tpu.memory_space<vmem>> -> memref<1x1x128xf32, #tpu.memory_space<vmem>>
        %dma_wait3A_350 = tpu.memref_squeeze %dma_wait3A_349 : memref<1x1x128xf32, #tpu.memory_space<vmem>> -> memref<128xf32, #tpu.memory_space<vmem>>
        %dma_wait3A_351 = arith.constant 0 : i32
        %dma_wait3A_352 = tpu.memref_slice %arg12[%rem3A_309, %dma_wait3A_347, %dma_wait3A_351] : memref<6x8x128xi32, #tpu.memory_space<vmem>> -> memref<1x1x128xi32, #tpu.memory_space<vmem>>
        %dma_wait3A_353 = tpu.memref_squeeze %dma_wait3A_352 : memref<1x1x128xi32, #tpu.memory_space<vmem>> -> memref<128xi32, #tpu.memory_space<vmem>>
        %dma_wait3A_354 = arith.constant 0 : i32
        %dma_wait3A_355 = tpu.memref_slice %arg17[%dma_wait3A_354] : memref<100352xf32, #tpu.memory_space<vmem_shared>> -> memref<100352xf32, #tpu.memory_space<vmem_shared>>
        %dma_wait3A_356 = tpu.memref_slice %arg20[%rem3A_307] : memref<2x!tpu.dma_semaphore, #tpu.memory_space<semaphore_mem>> -> memref<1x!tpu.dma_semaphore, #tpu.memory_space<semaphore_mem>>
        %dma_wait3A_357 = tpu.memref_squeeze %dma_wait3A_356 : memref<1x!tpu.dma_semaphore, #tpu.memory_space<semaphore_mem>> -> memref<!tpu.dma_semaphore, #tpu.memory_space<semaphore_mem>>
        tpu.wait_indirect_dma semaphore(%dma_wait3A_357 : memref<!tpu.dma_semaphore, #tpu.memory_space<semaphore_mem>>) src(%dma_wait3A_350 : memref<128xf32, #tpu.memory_space<vmem>>) dst(%dma_wait3A_355 : memref<100352xf32, #tpu.memory_space<vmem_shared>>)
        %dma_wait3A_358 = arith.constant 4 : i32
        %dma_wait3A_359 = arith.constant 4 : i32
        %dma_wait3A_360 = arith.constant 0 : i32
        %dma_wait3A_361 = tpu.memref_slice %arg16[%rem3A_307, %dma_wait3A_358, %dma_wait3A_360] : memref<2x8x128xf32, #tpu.memory_space<vmem>> -> memref<1x1x128xf32, #tpu.memory_space<vmem>>
        %dma_wait3A_362 = tpu.memref_squeeze %dma_wait3A_361 : memref<1x1x128xf32, #tpu.memory_space<vmem>> -> memref<128xf32, #tpu.memory_space<vmem>>
        %dma_wait3A_363 = arith.constant 0 : i32
        %dma_wait3A_364 = tpu.memref_slice %arg12[%rem3A_309, %dma_wait3A_359, %dma_wait3A_363] : memref<6x8x128xi32, #tpu.memory_space<vmem>> -> memref<1x1x128xi32, #tpu.memory_space<vmem>>
        %dma_wait3A_365 = tpu.memref_squeeze %dma_wait3A_364 : memref<1x1x128xi32, #tpu.memory_space<vmem>> -> memref<128xi32, #tpu.memory_space<vmem>>
        %dma_wait3A_366 = arith.constant 0 : i32
        %dma_wait3A_367 = tpu.memref_slice %arg17[%dma_wait3A_366] : memref<100352xf32, #tpu.memory_space<vmem_shared>> -> memref<100352xf32, #tpu.memory_space<vmem_shared>>
        %dma_wait3A_368 = tpu.memref_slice %arg20[%rem3A_307] : memref<2x!tpu.dma_semaphore, #tpu.memory_space<semaphore_mem>> -> memref<1x!tpu.dma_semaphore, #tpu.memory_space<semaphore_mem>>
        %dma_wait3A_369 = tpu.memref_squeeze %dma_wait3A_368 : memref<1x!tpu.dma_semaphore, #tpu.memory_space<semaphore_mem>> -> memref<!tpu.dma_semaphore, #tpu.memory_space<semaphore_mem>>
        tpu.wait_indirect_dma semaphore(%dma_wait3A_369 : memref<!tpu.dma_semaphore, #tpu.memory_space<semaphore_mem>>) src(%dma_wait3A_362 : memref<128xf32, #tpu.memory_space<vmem>>) dst(%dma_wait3A_367 : memref<100352xf32, #tpu.memory_space<vmem_shared>>)
        %dma_wait3A_370 = arith.constant 5 : i32
        %dma_wait3A_371 = arith.constant 5 : i32
        %dma_wait3A_372 = arith.constant 0 : i32
        %dma_wait3A_373 = tpu.memref_slice %arg16[%rem3A_307, %dma_wait3A_370, %dma_wait3A_372] : memref<2x8x128xf32, #tpu.memory_space<vmem>> -> memref<1x1x128xf32, #tpu.memory_space<vmem>>
        %dma_wait3A_374 = tpu.memref_squeeze %dma_wait3A_373 : memref<1x1x128xf32, #tpu.memory_space<vmem>> -> memref<128xf32, #tpu.memory_space<vmem>>
        %dma_wait3A_375 = arith.constant 0 : i32
        %dma_wait3A_376 = tpu.memref_slice %arg12[%rem3A_309, %dma_wait3A_371, %dma_wait3A_375] : memref<6x8x128xi32, #tpu.memory_space<vmem>> -> memref<1x1x128xi32, #tpu.memory_space<vmem>>
        %dma_wait3A_377 = tpu.memref_squeeze %dma_wait3A_376 : memref<1x1x128xi32, #tpu.memory_space<vmem>> -> memref<128xi32, #tpu.memory_space<vmem>>
        %dma_wait3A_378 = arith.constant 0 : i32
        %dma_wait3A_379 = tpu.memref_slice %arg17[%dma_wait3A_378] : memref<100352xf32, #tpu.memory_space<vmem_shared>> -> memref<100352xf32, #tpu.memory_space<vmem_shared>>
        %dma_wait3A_380 = tpu.memref_slice %arg20[%rem3A_307] : memref<2x!tpu.dma_semaphore, #tpu.memory_space<semaphore_mem>> -> memref<1x!tpu.dma_semaphore, #tpu.memory_space<semaphore_mem>>
        %dma_wait3A_381 = tpu.memref_squeeze %dma_wait3A_380 : memref<1x!tpu.dma_semaphore, #tpu.memory_space<semaphore_mem>> -> memref<!tpu.dma_semaphore, #tpu.memory_space<semaphore_mem>>
        tpu.wait_indirect_dma semaphore(%dma_wait3A_381 : memref<!tpu.dma_semaphore, #tpu.memory_space<semaphore_mem>>) src(%dma_wait3A_374 : memref<128xf32, #tpu.memory_space<vmem>>) dst(%dma_wait3A_379 : memref<100352xf32, #tpu.memory_space<vmem_shared>>)
        %dma_wait3A_382 = arith.constant 6 : i32
        %dma_wait3A_383 = arith.constant 6 : i32
        %dma_wait3A_384 = arith.constant 0 : i32
        %dma_wait3A_385 = tpu.memref_slice %arg16[%rem3A_307, %dma_wait3A_382, %dma_wait3A_384] : memref<2x8x128xf32, #tpu.memory_space<vmem>> -> memref<1x1x128xf32, #tpu.memory_space<vmem>>
        %dma_wait3A_386 = tpu.memref_squeeze %dma_wait3A_385 : memref<1x1x128xf32, #tpu.memory_space<vmem>> -> memref<128xf32, #tpu.memory_space<vmem>>
        %dma_wait3A_387 = arith.constant 0 : i32
        %dma_wait3A_388 = tpu.memref_slice %arg12[%rem3A_309, %dma_wait3A_383, %dma_wait3A_387] : memref<6x8x128xi32, #tpu.memory_space<vmem>> -> memref<1x1x128xi32, #tpu.memory_space<vmem>>
        %dma_wait3A_389 = tpu.memref_squeeze %dma_wait3A_388 : memref<1x1x128xi32, #tpu.memory_space<vmem>> -> memref<128xi32, #tpu.memory_space<vmem>>
        %dma_wait3A_390 = arith.constant 0 : i32
        %dma_wait3A_391 = tpu.memref_slice %arg17[%dma_wait3A_390] : memref<100352xf32, #tpu.memory_space<vmem_shared>> -> memref<100352xf32, #tpu.memory_space<vmem_shared>>
        %dma_wait3A_392 = tpu.memref_slice %arg20[%rem3A_307] : memref<2x!tpu.dma_semaphore, #tpu.memory_space<semaphore_mem>> -> memref<1x!tpu.dma_semaphore, #tpu.memory_space<semaphore_mem>>
        %dma_wait3A_393 = tpu.memref_squeeze %dma_wait3A_392 : memref<1x!tpu.dma_semaphore, #tpu.memory_space<semaphore_mem>> -> memref<!tpu.dma_semaphore, #tpu.memory_space<semaphore_mem>>
        tpu.wait_indirect_dma semaphore(%dma_wait3A_393 : memref<!tpu.dma_semaphore, #tpu.memory_space<semaphore_mem>>) src(%dma_wait3A_386 : memref<128xf32, #tpu.memory_space<vmem>>) dst(%dma_wait3A_391 : memref<100352xf32, #tpu.memory_space<vmem_shared>>)
        %dma_wait3A_394 = arith.constant 7 : i32
        %dma_wait3A_395 = arith.constant 7 : i32
        %dma_wait3A_396 = arith.constant 0 : i32
        %dma_wait3A_397 = tpu.memref_slice %arg16[%rem3A_307, %dma_wait3A_394, %dma_wait3A_396] : memref<2x8x128xf32, #tpu.memory_space<vmem>> -> memref<1x1x128xf32, #tpu.memory_space<vmem>>
        %dma_wait3A_398 = tpu.memref_squeeze %dma_wait3A_397 : memref<1x1x128xf32, #tpu.memory_space<vmem>> -> memref<128xf32, #tpu.memory_space<vmem>>
        %dma_wait3A_399 = arith.constant 0 : i32
        %dma_wait3A_400 = tpu.memref_slice %arg12[%rem3A_309, %dma_wait3A_395, %dma_wait3A_399] : memref<6x8x128xi32, #tpu.memory_space<vmem>> -> memref<1x1x128xi32, #tpu.memory_space<vmem>>
        %dma_wait3A_401 = tpu.memref_squeeze %dma_wait3A_400 : memref<1x1x128xi32, #tpu.memory_space<vmem>> -> memref<128xi32, #tpu.memory_space<vmem>>
        %dma_wait3A_402 = arith.constant 0 : i32
        %dma_wait3A_403 = tpu.memref_slice %arg17[%dma_wait3A_402] : memref<100352xf32, #tpu.memory_space<vmem_shared>> -> memref<100352xf32, #tpu.memory_space<vmem_shared>>
        %dma_wait3A_404 = tpu.memref_slice %arg20[%rem3A_307] : memref<2x!tpu.dma_semaphore, #tpu.memory_space<semaphore_mem>> -> memref<1x!tpu.dma_semaphore, #tpu.memory_space<semaphore_mem>>
        %dma_wait3A_405 = tpu.memref_squeeze %dma_wait3A_404 : memref<1x!tpu.dma_semaphore, #tpu.memory_space<semaphore_mem>> -> memref<!tpu.dma_semaphore, #tpu.memory_space<semaphore_mem>>
        tpu.wait_indirect_dma semaphore(%dma_wait3A_405 : memref<!tpu.dma_semaphore, #tpu.memory_space<semaphore_mem>>) src(%dma_wait3A_398 : memref<128xf32, #tpu.memory_space<vmem>>) dst(%dma_wait3A_403 : memref<100352xf32, #tpu.memory_space<vmem_shared>>)
      } else {
      }
      %add3A_140 = arith.constant 4 : i32
      %add3A_141 = arith.addi %while3A_129, %add3A_140 : i32
      %lt3A_142 = arith.cmpi slt, %add3A_141, %add3A_3 : i32
      %convert_element_type3A_143 = arith.extui %lt3A_142 : i1 to i32
      %cond3A_144 = arith.constant 0 : i32
      %cond3A_145 = arith.cmpi ne, %convert_element_type3A_143, %cond3A_144 : i32
      scf.if %cond3A_145 {
        %add3A_305 = arith.constant 4 : i32
        %add3A_306 = arith.addi %while3A_129, %add3A_305 : i32
        %add3A_307 = arith.addi %add3A_7, %add3A_306 : i32
        %mul3A_308 = arith.constant 8 : i32
        %mul3A_309 = arith.muli %add3A_307, %mul3A_308 : i32
        %rem3A_310 = arith.constant 6 : i32
        %rem3A_311 = arith.remsi %add3A_306, %rem3A_310 : i32
        %rem3A_312 = arith.constant 5 : i32
        %rem3A_313 = arith.remsi %add3A_306, %rem3A_312 : i32
        %dma_start3A_314 = arith.constant 0 : i32
        %dma_start3A_315 = arith.constant 0 : i32
        %dma_start3A_316 = tpu.memref_slice %arg12[%rem3A_311, %dma_start3A_314, %dma_start3A_315] : memref<6x8x128xi32, #tpu.memory_space<vmem>> -> memref<1x8x128xi32, #tpu.memory_space<vmem>>
        %dma_start3A_317 = tpu.memref_squeeze %dma_start3A_316 : memref<1x8x128xi32, #tpu.memory_space<vmem>> -> memref<8x128xi32, #tpu.memory_space<vmem>>
        %dma_start3A_318 = arith.constant 0 : i32
        %dma_start3A_319 = tpu.memref_slice %arg5[%mul3A_309, %dma_start3A_318] : memref<50000x128xi32, #tpu.memory_space<hbm>> -> memref<8x128xi32, #tpu.memory_space<hbm>>
        %dma_start3A_320 = tpu.memref_slice %arg18[%rem3A_311] : memref<6x!tpu.dma_semaphore, #tpu.memory_space<semaphore_mem>> -> memref<1x!tpu.dma_semaphore, #tpu.memory_space<semaphore_mem>>
        %dma_start3A_321 = tpu.memref_squeeze %dma_start3A_320 : memref<1x!tpu.dma_semaphore, #tpu.memory_space<semaphore_mem>> -> memref<!tpu.dma_semaphore, #tpu.memory_space<semaphore_mem>>
        %dma_start3A_322 = arith.constant 0 : i32
        %dma_start3A_323 = arith.constant 0 : i32
        %dma_start3A_324 = tpu.memref_slice %arg12[%rem3A_311, %dma_start3A_322, %dma_start3A_323] : memref<6x8x128xi32, #tpu.memory_space<vmem>> -> memref<1x8x128xi32, #tpu.memory_space<vmem>>
        %dma_start3A_325 = tpu.memref_squeeze %dma_start3A_324 : memref<1x8x128xi32, #tpu.memory_space<vmem>> -> memref<8x128xi32, #tpu.memory_space<vmem>>
        %dma_start3A_326 = arith.constant 0 : i32
        %dma_start3A_327 = tpu.memref_slice %arg5[%mul3A_309, %dma_start3A_326] : memref<50000x128xi32, #tpu.memory_space<hbm>> -> memref<8x128xi32, #tpu.memory_space<hbm>>
        tpu.enqueue_dma source(%dma_start3A_327 : memref<8x128xi32, #tpu.memory_space<hbm>>) target(%dma_start3A_325 : memref<8x128xi32, #tpu.memory_space<vmem>>) target_semaphore(%dma_start3A_321 : memref<!tpu.dma_semaphore, #tpu.memory_space<semaphore_mem>>)
        %dma_start3A_328 = arith.constant 0 : i32
        %dma_start3A_329 = arith.constant 0 : i32
        %dma_start3A_330 = tpu.memref_slice %arg13[%rem3A_313, %dma_start3A_328, %dma_start3A_329] : memref<5x8x128xi32, #tpu.memory_space<vmem>> -> memref<1x8x128xi32, #tpu.memory_space<vmem>>
        %dma_start3A_331 = tpu.memref_squeeze %dma_start3A_330 : memref<1x8x128xi32, #tpu.memory_space<vmem>> -> memref<8x128xi32, #tpu.memory_space<vmem>>
        %dma_start3A_332 = arith.constant 0 : i32
        %dma_start3A_333 = tpu.memref_slice %arg6[%mul3A_309, %dma_start3A_332] : memref<50000x128xi32, #tpu.memory_space<hbm>> -> memref<8x128xi32, #tpu.memory_space<hbm>>
        %dma_start3A_334 = tpu.memref_slice %arg19[%rem3A_313] : memref<5x!tpu.dma_semaphore, #tpu.memory_space<semaphore_mem>> -> memref<1x!tpu.dma_semaphore, #tpu.memory_space<semaphore_mem>>
        %dma_start3A_335 = tpu.memref_squeeze %dma_start3A_334 : memref<1x!tpu.dma_semaphore, #tpu.memory_space<semaphore_mem>> -> memref<!tpu.dma_semaphore, #tpu.memory_space<semaphore_mem>>
        %dma_start3A_336 = arith.constant 0 : i32
        %dma_start3A_337 = arith.constant 0 : i32
        %dma_start3A_338 = tpu.memref_slice %arg13[%rem3A_313, %dma_start3A_336, %dma_start3A_337] : memref<5x8x128xi32, #tpu.memory_space<vmem>> -> memref<1x8x128xi32, #tpu.memory_space<vmem>>
        %dma_start3A_339 = tpu.memref_squeeze %dma_start3A_338 : memref<1x8x128xi32, #tpu.memory_space<vmem>> -> memref<8x128xi32, #tpu.memory_space<vmem>>
        %dma_start3A_340 = arith.constant 0 : i32
        %dma_start3A_341 = tpu.memref_slice %arg6[%mul3A_309, %dma_start3A_340] : memref<50000x128xi32, #tpu.memory_space<hbm>> -> memref<8x128xi32, #tpu.memory_space<hbm>>
        tpu.enqueue_dma source(%dma_start3A_341 : memref<8x128xi32, #tpu.memory_space<hbm>>) target(%dma_start3A_339 : memref<8x128xi32, #tpu.memory_space<vmem>>) target_semaphore(%dma_start3A_335 : memref<!tpu.dma_semaphore, #tpu.memory_space<semaphore_mem>>)
        %dma_start3A_342 = arith.constant 0 : i32
        %dma_start3A_343 = arith.constant 0 : i32
        %dma_start3A_344 = tpu.memref_slice %arg14[%rem3A_313, %dma_start3A_342, %dma_start3A_343] : memref<5x8x128xf32, #tpu.memory_space<vmem>> -> memref<1x8x128xf32, #tpu.memory_space<vmem>>
        %dma_start3A_345 = tpu.memref_squeeze %dma_start3A_344 : memref<1x8x128xf32, #tpu.memory_space<vmem>> -> memref<8x128xf32, #tpu.memory_space<vmem>>
        %dma_start3A_346 = arith.constant 0 : i32
        %dma_start3A_347 = tpu.memref_slice %arg7[%mul3A_309, %dma_start3A_346] : memref<50000x128xf32, #tpu.memory_space<hbm>> -> memref<8x128xf32, #tpu.memory_space<hbm>>
        %dma_start3A_348 = tpu.memref_slice %arg19[%rem3A_313] : memref<5x!tpu.dma_semaphore, #tpu.memory_space<semaphore_mem>> -> memref<1x!tpu.dma_semaphore, #tpu.memory_space<semaphore_mem>>
        %dma_start3A_349 = tpu.memref_squeeze %dma_start3A_348 : memref<1x!tpu.dma_semaphore, #tpu.memory_space<semaphore_mem>> -> memref<!tpu.dma_semaphore, #tpu.memory_space<semaphore_mem>>
        %dma_start3A_350 = arith.constant 0 : i32
        %dma_start3A_351 = arith.constant 0 : i32
        %dma_start3A_352 = tpu.memref_slice %arg14[%rem3A_313, %dma_start3A_350, %dma_start3A_351] : memref<5x8x128xf32, #tpu.memory_space<vmem>> -> memref<1x8x128xf32, #tpu.memory_space<vmem>>
        %dma_start3A_353 = tpu.memref_squeeze %dma_start3A_352 : memref<1x8x128xf32, #tpu.memory_space<vmem>> -> memref<8x128xf32, #tpu.memory_space<vmem>>
        %dma_start3A_354 = arith.constant 0 : i32
        %dma_start3A_355 = tpu.memref_slice %arg7[%mul3A_309, %dma_start3A_354] : memref<50000x128xf32, #tpu.memory_space<hbm>> -> memref<8x128xf32, #tpu.memory_space<hbm>>
        tpu.enqueue_dma source(%dma_start3A_355 : memref<8x128xf32, #tpu.memory_space<hbm>>) target(%dma_start3A_353 : memref<8x128xf32, #tpu.memory_space<vmem>>) target_semaphore(%dma_start3A_349 : memref<!tpu.dma_semaphore, #tpu.memory_space<semaphore_mem>>)
        %dma_start3A_356 = arith.constant 0 : i32
        %dma_start3A_357 = arith.constant 0 : i32
        %dma_start3A_358 = tpu.memref_slice %arg15[%rem3A_313, %dma_start3A_356, %dma_start3A_357] : memref<5x8x128xf32, #tpu.memory_space<vmem>> -> memref<1x8x128xf32, #tpu.memory_space<vmem>>
        %dma_start3A_359 = tpu.memref_squeeze %dma_start3A_358 : memref<1x8x128xf32, #tpu.memory_space<vmem>> -> memref<8x128xf32, #tpu.memory_space<vmem>>
        %dma_start3A_360 = arith.constant 0 : i32
        %dma_start3A_361 = tpu.memref_slice %arg8[%mul3A_309, %dma_start3A_360] : memref<50000x128xf32, #tpu.memory_space<hbm>> -> memref<8x128xf32, #tpu.memory_space<hbm>>
        %dma_start3A_362 = tpu.memref_slice %arg19[%rem3A_313] : memref<5x!tpu.dma_semaphore, #tpu.memory_space<semaphore_mem>> -> memref<1x!tpu.dma_semaphore, #tpu.memory_space<semaphore_mem>>
        %dma_start3A_363 = tpu.memref_squeeze %dma_start3A_362 : memref<1x!tpu.dma_semaphore, #tpu.memory_space<semaphore_mem>> -> memref<!tpu.dma_semaphore, #tpu.memory_space<semaphore_mem>>
        %dma_start3A_364 = arith.constant 0 : i32
        %dma_start3A_365 = arith.constant 0 : i32
        %dma_start3A_366 = tpu.memref_slice %arg15[%rem3A_313, %dma_start3A_364, %dma_start3A_365] : memref<5x8x128xf32, #tpu.memory_space<vmem>> -> memref<1x8x128xf32, #tpu.memory_space<vmem>>
        %dma_start3A_367 = tpu.memref_squeeze %dma_start3A_366 : memref<1x8x128xf32, #tpu.memory_space<vmem>> -> memref<8x128xf32, #tpu.memory_space<vmem>>
        %dma_start3A_368 = arith.constant 0 : i32
        %dma_start3A_369 = tpu.memref_slice %arg8[%mul3A_309, %dma_start3A_368] : memref<50000x128xf32, #tpu.memory_space<hbm>> -> memref<8x128xf32, #tpu.memory_space<hbm>>
        tpu.enqueue_dma source(%dma_start3A_369 : memref<8x128xf32, #tpu.memory_space<hbm>>) target(%dma_start3A_367 : memref<8x128xf32, #tpu.memory_space<vmem>>) target_semaphore(%dma_start3A_363 : memref<!tpu.dma_semaphore, #tpu.memory_space<semaphore_mem>>)
      } else {
      }
      %add3A_146 = arith.addi %add3A_7, %while3A_129 : i32
      %mul3A_147 = arith.constant 8 : i32
      %mul3A_148 = arith.muli %add3A_146, %mul3A_147 : i32
      %rem3A_149 = arith.constant 6 : i32
      %rem3A_150 = arith.remsi %while3A_129, %rem3A_149 : i32
      %rem3A_151 = arith.constant 5 : i32
      %rem3A_152 = arith.remsi %while3A_129, %rem3A_151 : i32
      %dma_wait3A = arith.constant 0 : i32
      %dma_wait3A_153 = arith.constant 0 : i32
      %dma_wait3A_154 = tpu.memref_slice %arg12[%rem3A_150, %dma_wait3A, %dma_wait3A_153] : memref<6x8x128xi32, #tpu.memory_space<vmem>> -> memref<1x8x128xi32, #tpu.memory_space<vmem>>
      %dma_wait3A_155 = tpu.memref_squeeze %dma_wait3A_154 : memref<1x8x128xi32, #tpu.memory_space<vmem>> -> memref<8x128xi32, #tpu.memory_space<vmem>>
      %dma_wait3A_156 = arith.constant 0 : i32
      %dma_wait3A_157 = tpu.memref_slice %arg5[%mul3A_148, %dma_wait3A_156] : memref<50000x128xi32, #tpu.memory_space<hbm>> -> memref<8x128xi32, #tpu.memory_space<hbm>>
      %dma_wait3A_158 = tpu.memref_slice %arg18[%rem3A_150] : memref<6x!tpu.dma_semaphore, #tpu.memory_space<semaphore_mem>> -> memref<1x!tpu.dma_semaphore, #tpu.memory_space<semaphore_mem>>
      %dma_wait3A_159 = tpu.memref_squeeze %dma_wait3A_158 : memref<1x!tpu.dma_semaphore, #tpu.memory_space<semaphore_mem>> -> memref<!tpu.dma_semaphore, #tpu.memory_space<semaphore_mem>>
      %dma_wait3A_160 = arith.constant 0 : i32
      %dma_wait3A_161 = arith.constant 0 : i32
      %dma_wait3A_162 = tpu.memref_slice %arg12[%rem3A_150, %dma_wait3A_160, %dma_wait3A_161] : memref<6x8x128xi32, #tpu.memory_space<vmem>> -> memref<1x8x128xi32, #tpu.memory_space<vmem>>
      %dma_wait3A_163 = tpu.memref_squeeze %dma_wait3A_162 : memref<1x8x128xi32, #tpu.memory_space<vmem>> -> memref<8x128xi32, #tpu.memory_space<vmem>>
      %dma_wait3A_164 = arith.constant 0 : i32
      %dma_wait3A_165 = tpu.memref_slice %arg5[%mul3A_148, %dma_wait3A_164] : memref<50000x128xi32, #tpu.memory_space<hbm>> -> memref<8x128xi32, #tpu.memory_space<hbm>>
      tpu.wait_dma2 semaphore(%dma_wait3A_159 : memref<!tpu.dma_semaphore, #tpu.memory_space<semaphore_mem>>) src(%dma_wait3A_165 : memref<8x128xi32, #tpu.memory_space<hbm>>) dst(%dma_wait3A_163 : memref<8x128xi32, #tpu.memory_space<vmem>>)
      %dma_wait3A_166 = arith.constant 0 : i32
      %dma_wait3A_167 = arith.constant 0 : i32
      %dma_wait3A_168 = tpu.memref_slice %arg13[%rem3A_152, %dma_wait3A_166, %dma_wait3A_167] : memref<5x8x128xi32, #tpu.memory_space<vmem>> -> memref<1x8x128xi32, #tpu.memory_space<vmem>>
      %dma_wait3A_169 = tpu.memref_squeeze %dma_wait3A_168 : memref<1x8x128xi32, #tpu.memory_space<vmem>> -> memref<8x128xi32, #tpu.memory_space<vmem>>
      %dma_wait3A_170 = arith.constant 0 : i32
      %dma_wait3A_171 = tpu.memref_slice %arg6[%mul3A_148, %dma_wait3A_170] : memref<50000x128xi32, #tpu.memory_space<hbm>> -> memref<8x128xi32, #tpu.memory_space<hbm>>
      %dma_wait3A_172 = tpu.memref_slice %arg19[%rem3A_152] : memref<5x!tpu.dma_semaphore, #tpu.memory_space<semaphore_mem>> -> memref<1x!tpu.dma_semaphore, #tpu.memory_space<semaphore_mem>>
      %dma_wait3A_173 = tpu.memref_squeeze %dma_wait3A_172 : memref<1x!tpu.dma_semaphore, #tpu.memory_space<semaphore_mem>> -> memref<!tpu.dma_semaphore, #tpu.memory_space<semaphore_mem>>
      %dma_wait3A_174 = arith.constant 0 : i32
      %dma_wait3A_175 = arith.constant 0 : i32
      %dma_wait3A_176 = tpu.memref_slice %arg13[%rem3A_152, %dma_wait3A_174, %dma_wait3A_175] : memref<5x8x128xi32, #tpu.memory_space<vmem>> -> memref<1x8x128xi32, #tpu.memory_space<vmem>>
      %dma_wait3A_177 = tpu.memref_squeeze %dma_wait3A_176 : memref<1x8x128xi32, #tpu.memory_space<vmem>> -> memref<8x128xi32, #tpu.memory_space<vmem>>
      %dma_wait3A_178 = arith.constant 0 : i32
      %dma_wait3A_179 = tpu.memref_slice %arg6[%mul3A_148, %dma_wait3A_178] : memref<50000x128xi32, #tpu.memory_space<hbm>> -> memref<8x128xi32, #tpu.memory_space<hbm>>
      tpu.wait_dma2 semaphore(%dma_wait3A_173 : memref<!tpu.dma_semaphore, #tpu.memory_space<semaphore_mem>>) src(%dma_wait3A_179 : memref<8x128xi32, #tpu.memory_space<hbm>>) dst(%dma_wait3A_177 : memref<8x128xi32, #tpu.memory_space<vmem>>)
      %dma_wait3A_180 = arith.constant 0 : i32
      %dma_wait3A_181 = arith.constant 0 : i32
      %dma_wait3A_182 = tpu.memref_slice %arg14[%rem3A_152, %dma_wait3A_180, %dma_wait3A_181] : memref<5x8x128xf32, #tpu.memory_space<vmem>> -> memref<1x8x128xf32, #tpu.memory_space<vmem>>
      %dma_wait3A_183 = tpu.memref_squeeze %dma_wait3A_182 : memref<1x8x128xf32, #tpu.memory_space<vmem>> -> memref<8x128xf32, #tpu.memory_space<vmem>>
      %dma_wait3A_184 = arith.constant 0 : i32
      %dma_wait3A_185 = tpu.memref_slice %arg7[%mul3A_148, %dma_wait3A_184] : memref<50000x128xf32, #tpu.memory_space<hbm>> -> memref<8x128xf32, #tpu.memory_space<hbm>>
      %dma_wait3A_186 = tpu.memref_slice %arg19[%rem3A_152] : memref<5x!tpu.dma_semaphore, #tpu.memory_space<semaphore_mem>> -> memref<1x!tpu.dma_semaphore, #tpu.memory_space<semaphore_mem>>
      %dma_wait3A_187 = tpu.memref_squeeze %dma_wait3A_186 : memref<1x!tpu.dma_semaphore, #tpu.memory_space<semaphore_mem>> -> memref<!tpu.dma_semaphore, #tpu.memory_space<semaphore_mem>>
      %dma_wait3A_188 = arith.constant 0 : i32
      %dma_wait3A_189 = arith.constant 0 : i32
      %dma_wait3A_190 = tpu.memref_slice %arg14[%rem3A_152, %dma_wait3A_188, %dma_wait3A_189] : memref<5x8x128xf32, #tpu.memory_space<vmem>> -> memref<1x8x128xf32, #tpu.memory_space<vmem>>
      %dma_wait3A_191 = tpu.memref_squeeze %dma_wait3A_190 : memref<1x8x128xf32, #tpu.memory_space<vmem>> -> memref<8x128xf32, #tpu.memory_space<vmem>>
      %dma_wait3A_192 = arith.constant 0 : i32
      %dma_wait3A_193 = tpu.memref_slice %arg7[%mul3A_148, %dma_wait3A_192] : memref<50000x128xf32, #tpu.memory_space<hbm>> -> memref<8x128xf32, #tpu.memory_space<hbm>>
      tpu.wait_dma2 semaphore(%dma_wait3A_187 : memref<!tpu.dma_semaphore, #tpu.memory_space<semaphore_mem>>) src(%dma_wait3A_193 : memref<8x128xf32, #tpu.memory_space<hbm>>) dst(%dma_wait3A_191 : memref<8x128xf32, #tpu.memory_space<vmem>>)
      %dma_wait3A_194 = arith.constant 0 : i32
      %dma_wait3A_195 = arith.constant 0 : i32
      %dma_wait3A_196 = tpu.memref_slice %arg15[%rem3A_152, %dma_wait3A_194, %dma_wait3A_195] : memref<5x8x128xf32, #tpu.memory_space<vmem>> -> memref<1x8x128xf32, #tpu.memory_space<vmem>>
      %dma_wait3A_197 = tpu.memref_squeeze %dma_wait3A_196 : memref<1x8x128xf32, #tpu.memory_space<vmem>> -> memref<8x128xf32, #tpu.memory_space<vmem>>
      %dma_wait3A_198 = arith.constant 0 : i32
      %dma_wait3A_199 = tpu.memref_slice %arg8[%mul3A_148, %dma_wait3A_198] : memref<50000x128xf32, #tpu.memory_space<hbm>> -> memref<8x128xf32, #tpu.memory_space<hbm>>
      %dma_wait3A_200 = tpu.memref_slice %arg19[%rem3A_152] : memref<5x!tpu.dma_semaphore, #tpu.memory_space<semaphore_mem>> -> memref<1x!tpu.dma_semaphore, #tpu.memory_space<semaphore_mem>>
      %dma_wait3A_201 = tpu.memref_squeeze %dma_wait3A_200 : memref<1x!tpu.dma_semaphore, #tpu.memory_space<semaphore_mem>> -> memref<!tpu.dma_semaphore, #tpu.memory_space<semaphore_mem>>
      %dma_wait3A_202 = arith.constant 0 : i32
      %dma_wait3A_203 = arith.constant 0 : i32
      %dma_wait3A_204 = tpu.memref_slice %arg15[%rem3A_152, %dma_wait3A_202, %dma_wait3A_203] : memref<5x8x128xf32, #tpu.memory_space<vmem>> -> memref<1x8x128xf32, #tpu.memory_space<vmem>>
      %dma_wait3A_205 = tpu.memref_squeeze %dma_wait3A_204 : memref<1x8x128xf32, #tpu.memory_space<vmem>> -> memref<8x128xf32, #tpu.memory_space<vmem>>
      %dma_wait3A_206 = arith.constant 0 : i32
      %dma_wait3A_207 = tpu.memref_slice %arg8[%mul3A_148, %dma_wait3A_206] : memref<50000x128xf32, #tpu.memory_space<hbm>> -> memref<8x128xf32, #tpu.memory_space<hbm>>
      tpu.wait_dma2 semaphore(%dma_wait3A_201 : memref<!tpu.dma_semaphore, #tpu.memory_space<semaphore_mem>>) src(%dma_wait3A_207 : memref<8x128xf32, #tpu.memory_space<hbm>>) dst(%dma_wait3A_205 : memref<8x128xf32, #tpu.memory_space<vmem>>)
      %parallel_loop3A = arith.constant 0 : i32
      %parallel_loop3A_208 = arith.constant 64 : i32
      %parallel_loop3A_209 = arith.constant 1 : i32
      scf.for %parallel_loop3A_305 = %parallel_loop3A to %parallel_loop3A_208 step %parallel_loop3A_209  : i32 {
        %parallel_loop3A_306 = arith.constant 3 : i32
        %parallel_loop3A_307 = arith.shrui %parallel_loop3A_305, %parallel_loop3A_306 : i32
        %parallel_loop3A_308 = arith.constant 7 : i32
        %parallel_loop3A_309 = arith.andi %parallel_loop3A_305, %parallel_loop3A_308 : i32
        %parallel_loop3A_310 = arith.constant 16 : i32
        %parallel_loop3A_311 = arith.muli %parallel_loop3A_309, %parallel_loop3A_310 : i32
        %parallel_loop3A_312 = arith.index_cast %rem3A_132 : i32 to index
        %parallel_loop3A_313 = arith.index_cast %parallel_loop3A_307 : i32 to index
        %parallel_loop3A_314 = arith.index_cast %parallel_loop3A_311 : i32 to index
        %parallel_loop3A_315 = tpu.vector_load %arg12[%parallel_loop3A_312, %parallel_loop3A_313, %parallel_loop3A_314] {strides = array<i32>} : memref<6x8x128xi32, #tpu.memory_space<vmem>>, vector<16xi32>,
        %parallel_loop3A_316 = arith.index_cast %rem3A_134 : i32 to index
        %parallel_loop3A_317 = arith.index_cast %parallel_loop3A_307 : i32 to index
        %parallel_loop3A_318 = arith.index_cast %parallel_loop3A_311 : i32 to index
        %parallel_loop3A_319 = tpu.vector_load %arg13[%parallel_loop3A_316, %parallel_loop3A_317, %parallel_loop3A_318] {strides = array<i32>} : memref<5x8x128xi32, #tpu.memory_space<vmem>>, vector<16xi32>,
        %parallel_loop3A_320 = tpu.vector_load_idx %arg10[%parallel_loop3A_315] : memref<100000xi32, #tpu.memory_space<vmem>>[vector<16xi32>], vector<16xi32>,
        %parallel_loop3A_321 = tpu.vector_load_idx %arg10[%parallel_loop3A_319] : memref<100000xi32, #tpu.memory_space<vmem>>[vector<16xi32>], vector<16xi32>,
        %parallel_loop3A_322 = arith.constant 16 : i32
        %parallel_loop3A_323 = vector.broadcast %parallel_loop3A_322 : i32 to vector<16xi32>
        %parallel_loop3A_324 = arith.shrui %parallel_loop3A_320, %parallel_loop3A_323 : vector<16xi32>
        %parallel_loop3A_325 = arith.constant 13 : i32
        %parallel_loop3A_326 = vector.broadcast %parallel_loop3A_325 : i32 to vector<16xi32>
        %parallel_loop3A_327 = arith.shli %parallel_loop3A_324, %parallel_loop3A_326 : vector<16xi32>
        %parallel_loop3A_328 = arith.constant 939524096 : i32
        %parallel_loop3A_329 = vector.broadcast %parallel_loop3A_328 : i32 to vector<16xi32>
        %parallel_loop3A_330 = arith.addi %parallel_loop3A_327, %parallel_loop3A_329 : vector<16xi32>
        %parallel_loop3A_331 = tpu.bitcast %parallel_loop3A_330 : vector<16xi32> -> vector<16xf32>
        %parallel_loop3A_332 = arith.constant 16 : i32
        %parallel_loop3A_333 = vector.broadcast %parallel_loop3A_332 : i32 to vector<16xi32>
        %parallel_loop3A_334 = arith.shrui %parallel_loop3A_321, %parallel_loop3A_333 : vector<16xi32>
        %parallel_loop3A_335 = arith.constant 13 : i32
        %parallel_loop3A_336 = vector.broadcast %parallel_loop3A_335 : i32 to vector<16xi32>
        %parallel_loop3A_337 = arith.shli %parallel_loop3A_334, %parallel_loop3A_336 : vector<16xi32>
        %parallel_loop3A_338 = arith.constant 939524096 : i32
        %parallel_loop3A_339 = vector.broadcast %parallel_loop3A_338 : i32 to vector<16xi32>
        %parallel_loop3A_340 = arith.addi %parallel_loop3A_337, %parallel_loop3A_339 : vector<16xi32>
        %parallel_loop3A_341 = tpu.bitcast %parallel_loop3A_340 : vector<16xi32> -> vector<16xf32>
        %parallel_loop3A_342 = arith.constant 65535 : i32
        %parallel_loop3A_343 = vector.broadcast %parallel_loop3A_342 : i32 to vector<16xi32>
        %parallel_loop3A_344 = arith.andi %parallel_loop3A_320, %parallel_loop3A_343 : vector<16xi32>
        %parallel_loop3A_345 = arith.constant 13 : i32
        %parallel_loop3A_346 = vector.broadcast %parallel_loop3A_345 : i32 to vector<16xi32>
        %parallel_loop3A_347 = arith.shli %parallel_loop3A_344, %parallel_loop3A_346 : vector<16xi32>
        %parallel_loop3A_348 = arith.constant 939524096 : i32
        %parallel_loop3A_349 = vector.broadcast %parallel_loop3A_348 : i32 to vector<16xi32>
        %parallel_loop3A_350 = arith.addi %parallel_loop3A_347, %parallel_loop3A_349 : vector<16xi32>
        %parallel_loop3A_351 = tpu.bitcast %parallel_loop3A_350 : vector<16xi32> -> vector<16xf32>
        %parallel_loop3A_352 = arith.constant 65535 : i32
        %parallel_loop3A_353 = vector.broadcast %parallel_loop3A_352 : i32 to vector<16xi32>
        %parallel_loop3A_354 = arith.andi %parallel_loop3A_321, %parallel_loop3A_353 : vector<16xi32>
        %parallel_loop3A_355 = arith.constant 13 : i32
        %parallel_loop3A_356 = vector.broadcast %parallel_loop3A_355 : i32 to vector<16xi32>
        %parallel_loop3A_357 = arith.shli %parallel_loop3A_354, %parallel_loop3A_356 : vector<16xi32>
        %parallel_loop3A_358 = arith.constant 939524096 : i32
        %parallel_loop3A_359 = vector.broadcast %parallel_loop3A_358 : i32 to vector<16xi32>
        %parallel_loop3A_360 = arith.addi %parallel_loop3A_357, %parallel_loop3A_359 : vector<16xi32>
        %parallel_loop3A_361 = tpu.bitcast %parallel_loop3A_360 : vector<16xi32> -> vector<16xf32>
        %parallel_loop3A_362 = arith.index_cast %rem3A_134 : i32 to index
        %parallel_loop3A_363 = arith.index_cast %parallel_loop3A_307 : i32 to index
        %parallel_loop3A_364 = arith.index_cast %parallel_loop3A_311 : i32 to index
        %parallel_loop3A_365 = tpu.vector_load %arg14[%parallel_loop3A_362, %parallel_loop3A_363, %parallel_loop3A_364] {strides = array<i32>} : memref<5x8x128xf32, #tpu.memory_space<vmem>>, vector<16xf32>,
        %parallel_loop3A_366 = arith.index_cast %rem3A_134 : i32 to index
        %parallel_loop3A_367 = arith.index_cast %parallel_loop3A_307 : i32 to index
        %parallel_loop3A_368 = arith.index_cast %parallel_loop3A_311 : i32 to index
        %parallel_loop3A_369 = tpu.vector_load %arg15[%parallel_loop3A_366, %parallel_loop3A_367, %parallel_loop3A_368] {strides = array<i32>} : memref<5x8x128xf32, #tpu.memory_space<vmem>>, vector<16xf32>,
        %parallel_loop3A_370 = arith.addf %parallel_loop3A_331, %parallel_loop3A_341 : vector<16xf32>
        %parallel_loop3A_371 = arith.mulf %parallel_loop3A_370, %parallel_loop3A_365 : vector<16xf32>
        %parallel_loop3A_372 = arith.mulf %get3A_58, %parallel_loop3A_371 : vector<16xf32>
        %parallel_loop3A_373 = math.exp %parallel_loop3A_372 : vector<16xf32>
        %parallel_loop3A_374 = arith.mulf %get3A_74, %parallel_loop3A_373 : vector<16xf32>
        %parallel_loop3A_375 = arith.mulf %get3A_62, %parallel_loop3A_371 : vector<16xf32>
        %parallel_loop3A_376 = math.exp %parallel_loop3A_375 : vector<16xf32>
        %parallel_loop3A_377 = arith.mulf %get3A_78, %parallel_loop3A_376 : vector<16xf32>
        %parallel_loop3A_378 = arith.addf %parallel_loop3A_374, %parallel_loop3A_377 : vector<16xf32>
        %parallel_loop3A_379 = arith.mulf %get3A_66, %parallel_loop3A_371 : vector<16xf32>
        %parallel_loop3A_380 = math.exp %parallel_loop3A_379 : vector<16xf32>
        %parallel_loop3A_381 = arith.mulf %get3A_82, %parallel_loop3A_380 : vector<16xf32>
        %parallel_loop3A_382 = arith.addf %parallel_loop3A_378, %parallel_loop3A_381 : vector<16xf32>
        %parallel_loop3A_383 = arith.mulf %get3A_70, %parallel_loop3A_371 : vector<16xf32>
        %parallel_loop3A_384 = math.exp %parallel_loop3A_383 : vector<16xf32>
        %parallel_loop3A_385 = arith.mulf %get3A_86, %parallel_loop3A_384 : vector<16xf32>
        %parallel_loop3A_386 = arith.addf %parallel_loop3A_382, %parallel_loop3A_385 : vector<16xf32>
        %parallel_loop3A_387 = arith.mulf %parallel_loop3A_351, %parallel_loop3A_361 : vector<16xf32>
        %parallel_loop3A_388 = arith.mulf %parallel_loop3A_386, %parallel_loop3A_387 : vector<16xf32>
        %parallel_loop3A_389 = arith.divf %parallel_loop3A_369, %parallel_loop3A_365 : vector<16xf32>
        %parallel_loop3A_390 = arith.mulf %parallel_loop3A_388, %parallel_loop3A_389 : vector<16xf32>
        %parallel_loop3A_391 = arith.index_cast %rem3A_130 : i32 to index
        %parallel_loop3A_392 = arith.index_cast %parallel_loop3A_307 : i32 to index
        %parallel_loop3A_393 = arith.index_cast %parallel_loop3A_311 : i32 to index
        %parallel_loop3A_394 = tpu.vector_load %arg16[%parallel_loop3A_391, %parallel_loop3A_392, %parallel_loop3A_393] {strides = array<i32>} : memref<2x8x128xf32, #tpu.memory_space<vmem>>, vector<16xf32>,
        tpu.vector_store %arg16[%parallel_loop3A_391, %parallel_loop3A_392, %parallel_loop3A_393], %parallel_loop3A_390 {strides = array<i32>} : memref<2x8x128xf32, #tpu.memory_space<vmem>>, vector<16xf32>,
      } {sc.loop_unroll_factor = 2 : i64, sc.parallel_access}
      %dma_start3A = arith.constant 0 : i32
      %dma_start3A_210 = arith.constant 0 : i32
      %dma_start3A_211 = arith.constant 0 : i32
      %dma_start3A_212 = tpu.memref_slice %arg16[%rem3A_130, %dma_start3A, %dma_start3A_211] : memref<2x8x128xf32, #tpu.memory_space<vmem>> -> memref<1x1x128xf32, #tpu.memory_space<vmem>>
      %dma_start3A_213 = tpu.memref_squeeze %dma_start3A_212 : memref<1x1x128xf32, #tpu.memory_space<vmem>> -> memref<128xf32, #tpu.memory_space<vmem>>
      %dma_start3A_214 = arith.constant 0 : i32
      %dma_start3A_215 = tpu.memref_slice %arg12[%rem3A_132, %dma_start3A_210, %dma_start3A_214] : memref<6x8x128xi32, #tpu.memory_space<vmem>> -> memref<1x1x128xi32, #tpu.memory_space<vmem>>
      %dma_start3A_216 = tpu.memref_squeeze %dma_start3A_215 : memref<1x1x128xi32, #tpu.memory_space<vmem>> -> memref<128xi32, #tpu.memory_space<vmem>>
      %dma_start3A_217 = arith.constant 0 : i32
      %dma_start3A_218 = tpu.memref_slice %arg17[%dma_start3A_217] : memref<100352xf32, #tpu.memory_space<vmem_shared>> -> memref<100352xf32, #tpu.memory_space<vmem_shared>>
      %dma_start3A_219 = tpu.memref_slice %arg20[%rem3A_130] : memref<2x!tpu.dma_semaphore, #tpu.memory_space<semaphore_mem>> -> memref<1x!tpu.dma_semaphore, #tpu.memory_space<semaphore_mem>>
      %dma_start3A_220 = tpu.memref_squeeze %dma_start3A_219 : memref<1x!tpu.dma_semaphore, #tpu.memory_space<semaphore_mem>> -> memref<!tpu.dma_semaphore, #tpu.memory_space<semaphore_mem>>
      tpu.enqueue_indirect_dma source(%dma_start3A_213 : memref<128xf32, #tpu.memory_space<vmem>>) target(%dma_start3A_218 : memref<100352xf32, #tpu.memory_space<vmem_shared>>) offsets(%dma_start3A_216 : memref<128xi32, #tpu.memory_space<vmem>>) semaphore(%dma_start3A_220 : memref<!tpu.dma_semaphore, #tpu.memory_space<semaphore_mem>>) {add = true}
      %dma_start3A_221 = arith.constant 1 : i32
      %dma_start3A_222 = arith.constant 1 : i32
      %dma_start3A_223 = arith.constant 0 : i32
      %dma_start3A_224 = tpu.memref_slice %arg16[%rem3A_130, %dma_start3A_221, %dma_start3A_223] : memref<2x8x128xf32, #tpu.memory_space<vmem>> -> memref<1x1x128xf32, #tpu.memory_space<vmem>>
      %dma_start3A_225 = tpu.memref_squeeze %dma_start3A_224 : memref<1x1x128xf32, #tpu.memory_space<vmem>> -> memref<128xf32, #tpu.memory_space<vmem>>
      %dma_start3A_226 = arith.constant 0 : i32
      %dma_start3A_227 = tpu.memref_slice %arg12[%rem3A_132, %dma_start3A_222, %dma_start3A_226] : memref<6x8x128xi32, #tpu.memory_space<vmem>> -> memref<1x1x128xi32, #tpu.memory_space<vmem>>
      %dma_start3A_228 = tpu.memref_squeeze %dma_start3A_227 : memref<1x1x128xi32, #tpu.memory_space<vmem>> -> memref<128xi32, #tpu.memory_space<vmem>>
      %dma_start3A_229 = arith.constant 0 : i32
      %dma_start3A_230 = tpu.memref_slice %arg17[%dma_start3A_229] : memref<100352xf32, #tpu.memory_space<vmem_shared>> -> memref<100352xf32, #tpu.memory_space<vmem_shared>>
      %dma_start3A_231 = tpu.memref_slice %arg20[%rem3A_130] : memref<2x!tpu.dma_semaphore, #tpu.memory_space<semaphore_mem>> -> memref<1x!tpu.dma_semaphore, #tpu.memory_space<semaphore_mem>>
      %dma_start3A_232 = tpu.memref_squeeze %dma_start3A_231 : memref<1x!tpu.dma_semaphore, #tpu.memory_space<semaphore_mem>> -> memref<!tpu.dma_semaphore, #tpu.memory_space<semaphore_mem>>
      tpu.enqueue_indirect_dma source(%dma_start3A_225 : memref<128xf32, #tpu.memory_space<vmem>>) target(%dma_start3A_230 : memref<100352xf32, #tpu.memory_space<vmem_shared>>) offsets(%dma_start3A_228 : memref<128xi32, #tpu.memory_space<vmem>>) semaphore(%dma_start3A_232 : memref<!tpu.dma_semaphore, #tpu.memory_space<semaphore_mem>>) {add = true}
      %dma_start3A_233 = arith.constant 2 : i32
      %dma_start3A_234 = arith.constant 2 : i32
      %dma_start3A_235 = arith.constant 0 : i32
      %dma_start3A_236 = tpu.memref_slice %arg16[%rem3A_130, %dma_start3A_233, %dma_start3A_235] : memref<2x8x128xf32, #tpu.memory_space<vmem>> -> memref<1x1x128xf32, #tpu.memory_space<vmem>>
      %dma_start3A_237 = tpu.memref_squeeze %dma_start3A_236 : memref<1x1x128xf32, #tpu.memory_space<vmem>> -> memref<128xf32, #tpu.memory_space<vmem>>
      %dma_start3A_238 = arith.constant 0 : i32
      %dma_start3A_239 = tpu.memref_slice %arg12[%rem3A_132, %dma_start3A_234, %dma_start3A_238] : memref<6x8x128xi32, #tpu.memory_space<vmem>> -> memref<1x1x128xi32, #tpu.memory_space<vmem>>
      %dma_start3A_240 = tpu.memref_squeeze %dma_start3A_239 : memref<1x1x128xi32, #tpu.memory_space<vmem>> -> memref<128xi32, #tpu.memory_space<vmem>>
      %dma_start3A_241 = arith.constant 0 : i32
      %dma_start3A_242 = tpu.memref_slice %arg17[%dma_start3A_241] : memref<100352xf32, #tpu.memory_space<vmem_shared>> -> memref<100352xf32, #tpu.memory_space<vmem_shared>>
      %dma_start3A_243 = tpu.memref_slice %arg20[%rem3A_130] : memref<2x!tpu.dma_semaphore, #tpu.memory_space<semaphore_mem>> -> memref<1x!tpu.dma_semaphore, #tpu.memory_space<semaphore_mem>>
      %dma_start3A_244 = tpu.memref_squeeze %dma_start3A_243 : memref<1x!tpu.dma_semaphore, #tpu.memory_space<semaphore_mem>> -> memref<!tpu.dma_semaphore, #tpu.memory_space<semaphore_mem>>
      tpu.enqueue_indirect_dma source(%dma_start3A_237 : memref<128xf32, #tpu.memory_space<vmem>>) target(%dma_start3A_242 : memref<100352xf32, #tpu.memory_space<vmem_shared>>) offsets(%dma_start3A_240 : memref<128xi32, #tpu.memory_space<vmem>>) semaphore(%dma_start3A_244 : memref<!tpu.dma_semaphore, #tpu.memory_space<semaphore_mem>>) {add = true}
      %dma_start3A_245 = arith.constant 3 : i32
      %dma_start3A_246 = arith.constant 3 : i32
      %dma_start3A_247 = arith.constant 0 : i32
      %dma_start3A_248 = tpu.memref_slice %arg16[%rem3A_130, %dma_start3A_245, %dma_start3A_247] : memref<2x8x128xf32, #tpu.memory_space<vmem>> -> memref<1x1x128xf32, #tpu.memory_space<vmem>>
      %dma_start3A_249 = tpu.memref_squeeze %dma_start3A_248 : memref<1x1x128xf32, #tpu.memory_space<vmem>> -> memref<128xf32, #tpu.memory_space<vmem>>
      %dma_start3A_250 = arith.constant 0 : i32
      %dma_start3A_251 = tpu.memref_slice %arg12[%rem3A_132, %dma_start3A_246, %dma_start3A_250] : memref<6x8x128xi32, #tpu.memory_space<vmem>> -> memref<1x1x128xi32, #tpu.memory_space<vmem>>
      %dma_start3A_252 = tpu.memref_squeeze %dma_start3A_251 : memref<1x1x128xi32, #tpu.memory_space<vmem>> -> memref<128xi32, #tpu.memory_space<vmem>>
      %dma_start3A_253 = arith.constant 0 : i32
      %dma_start3A_254 = tpu.memref_slice %arg17[%dma_start3A_253] : memref<100352xf32, #tpu.memory_space<vmem_shared>> -> memref<100352xf32, #tpu.memory_space<vmem_shared>>
      %dma_start3A_255 = tpu.memref_slice %arg20[%rem3A_130] : memref<2x!tpu.dma_semaphore, #tpu.memory_space<semaphore_mem>> -> memref<1x!tpu.dma_semaphore, #tpu.memory_space<semaphore_mem>>
      %dma_start3A_256 = tpu.memref_squeeze %dma_start3A_255 : memref<1x!tpu.dma_semaphore, #tpu.memory_space<semaphore_mem>> -> memref<!tpu.dma_semaphore, #tpu.memory_space<semaphore_mem>>
      tpu.enqueue_indirect_dma source(%dma_start3A_249 : memref<128xf32, #tpu.memory_space<vmem>>) target(%dma_start3A_254 : memref<100352xf32, #tpu.memory_space<vmem_shared>>) offsets(%dma_start3A_252 : memref<128xi32, #tpu.memory_space<vmem>>) semaphore(%dma_start3A_256 : memref<!tpu.dma_semaphore, #tpu.memory_space<semaphore_mem>>) {add = true}
      %dma_start3A_257 = arith.constant 4 : i32
      %dma_start3A_258 = arith.constant 4 : i32
      %dma_start3A_259 = arith.constant 0 : i32
      %dma_start3A_260 = tpu.memref_slice %arg16[%rem3A_130, %dma_start3A_257, %dma_start3A_259] : memref<2x8x128xf32, #tpu.memory_space<vmem>> -> memref<1x1x128xf32, #tpu.memory_space<vmem>>
      %dma_start3A_261 = tpu.memref_squeeze %dma_start3A_260 : memref<1x1x128xf32, #tpu.memory_space<vmem>> -> memref<128xf32, #tpu.memory_space<vmem>>
      %dma_start3A_262 = arith.constant 0 : i32
      %dma_start3A_263 = tpu.memref_slice %arg12[%rem3A_132, %dma_start3A_258, %dma_start3A_262] : memref<6x8x128xi32, #tpu.memory_space<vmem>> -> memref<1x1x128xi32, #tpu.memory_space<vmem>>
      %dma_start3A_264 = tpu.memref_squeeze %dma_start3A_263 : memref<1x1x128xi32, #tpu.memory_space<vmem>> -> memref<128xi32, #tpu.memory_space<vmem>>
      %dma_start3A_265 = arith.constant 0 : i32
      %dma_start3A_266 = tpu.memref_slice %arg17[%dma_start3A_265] : memref<100352xf32, #tpu.memory_space<vmem_shared>> -> memref<100352xf32, #tpu.memory_space<vmem_shared>>
      %dma_start3A_267 = tpu.memref_slice %arg20[%rem3A_130] : memref<2x!tpu.dma_semaphore, #tpu.memory_space<semaphore_mem>> -> memref<1x!tpu.dma_semaphore, #tpu.memory_space<semaphore_mem>>
      %dma_start3A_268 = tpu.memref_squeeze %dma_start3A_267 : memref<1x!tpu.dma_semaphore, #tpu.memory_space<semaphore_mem>> -> memref<!tpu.dma_semaphore, #tpu.memory_space<semaphore_mem>>
      tpu.enqueue_indirect_dma source(%dma_start3A_261 : memref<128xf32, #tpu.memory_space<vmem>>) target(%dma_start3A_266 : memref<100352xf32, #tpu.memory_space<vmem_shared>>) offsets(%dma_start3A_264 : memref<128xi32, #tpu.memory_space<vmem>>) semaphore(%dma_start3A_268 : memref<!tpu.dma_semaphore, #tpu.memory_space<semaphore_mem>>) {add = true}
      %dma_start3A_269 = arith.constant 5 : i32
      %dma_start3A_270 = arith.constant 5 : i32
      %dma_start3A_271 = arith.constant 0 : i32
      %dma_start3A_272 = tpu.memref_slice %arg16[%rem3A_130, %dma_start3A_269, %dma_start3A_271] : memref<2x8x128xf32, #tpu.memory_space<vmem>> -> memref<1x1x128xf32, #tpu.memory_space<vmem>>
      %dma_start3A_273 = tpu.memref_squeeze %dma_start3A_272 : memref<1x1x128xf32, #tpu.memory_space<vmem>> -> memref<128xf32, #tpu.memory_space<vmem>>
      %dma_start3A_274 = arith.constant 0 : i32
      %dma_start3A_275 = tpu.memref_slice %arg12[%rem3A_132, %dma_start3A_270, %dma_start3A_274] : memref<6x8x128xi32, #tpu.memory_space<vmem>> -> memref<1x1x128xi32, #tpu.memory_space<vmem>>
      %dma_start3A_276 = tpu.memref_squeeze %dma_start3A_275 : memref<1x1x128xi32, #tpu.memory_space<vmem>> -> memref<128xi32, #tpu.memory_space<vmem>>
      %dma_start3A_277 = arith.constant 0 : i32
      %dma_start3A_278 = tpu.memref_slice %arg17[%dma_start3A_277] : memref<100352xf32, #tpu.memory_space<vmem_shared>> -> memref<100352xf32, #tpu.memory_space<vmem_shared>>
      %dma_start3A_279 = tpu.memref_slice %arg20[%rem3A_130] : memref<2x!tpu.dma_semaphore, #tpu.memory_space<semaphore_mem>> -> memref<1x!tpu.dma_semaphore, #tpu.memory_space<semaphore_mem>>
      %dma_start3A_280 = tpu.memref_squeeze %dma_start3A_279 : memref<1x!tpu.dma_semaphore, #tpu.memory_space<semaphore_mem>> -> memref<!tpu.dma_semaphore, #tpu.memory_space<semaphore_mem>>
      tpu.enqueue_indirect_dma source(%dma_start3A_273 : memref<128xf32, #tpu.memory_space<vmem>>) target(%dma_start3A_278 : memref<100352xf32, #tpu.memory_space<vmem_shared>>) offsets(%dma_start3A_276 : memref<128xi32, #tpu.memory_space<vmem>>) semaphore(%dma_start3A_280 : memref<!tpu.dma_semaphore, #tpu.memory_space<semaphore_mem>>) {add = true}
      %dma_start3A_281 = arith.constant 6 : i32
      %dma_start3A_282 = arith.constant 6 : i32
      %dma_start3A_283 = arith.constant 0 : i32
      %dma_start3A_284 = tpu.memref_slice %arg16[%rem3A_130, %dma_start3A_281, %dma_start3A_283] : memref<2x8x128xf32, #tpu.memory_space<vmem>> -> memref<1x1x128xf32, #tpu.memory_space<vmem>>
      %dma_start3A_285 = tpu.memref_squeeze %dma_start3A_284 : memref<1x1x128xf32, #tpu.memory_space<vmem>> -> memref<128xf32, #tpu.memory_space<vmem>>
      %dma_start3A_286 = arith.constant 0 : i32
      %dma_start3A_287 = tpu.memref_slice %arg12[%rem3A_132, %dma_start3A_282, %dma_start3A_286] : memref<6x8x128xi32, #tpu.memory_space<vmem>> -> memref<1x1x128xi32, #tpu.memory_space<vmem>>
      %dma_start3A_288 = tpu.memref_squeeze %dma_start3A_287 : memref<1x1x128xi32, #tpu.memory_space<vmem>> -> memref<128xi32, #tpu.memory_space<vmem>>
      %dma_start3A_289 = arith.constant 0 : i32
      %dma_start3A_290 = tpu.memref_slice %arg17[%dma_start3A_289] : memref<100352xf32, #tpu.memory_space<vmem_shared>> -> memref<100352xf32, #tpu.memory_space<vmem_shared>>
      %dma_start3A_291 = tpu.memref_slice %arg20[%rem3A_130] : memref<2x!tpu.dma_semaphore, #tpu.memory_space<semaphore_mem>> -> memref<1x!tpu.dma_semaphore, #tpu.memory_space<semaphore_mem>>
      %dma_start3A_292 = tpu.memref_squeeze %dma_start3A_291 : memref<1x!tpu.dma_semaphore, #tpu.memory_space<semaphore_mem>> -> memref<!tpu.dma_semaphore, #tpu.memory_space<semaphore_mem>>
      tpu.enqueue_indirect_dma source(%dma_start3A_285 : memref<128xf32, #tpu.memory_space<vmem>>) target(%dma_start3A_290 : memref<100352xf32, #tpu.memory_space<vmem_shared>>) offsets(%dma_start3A_288 : memref<128xi32, #tpu.memory_space<vmem>>) semaphore(%dma_start3A_292 : memref<!tpu.dma_semaphore, #tpu.memory_space<semaphore_mem>>) {add = true}
      %dma_start3A_293 = arith.constant 7 : i32
      %dma_start3A_294 = arith.constant 7 : i32
      %dma_start3A_295 = arith.constant 0 : i32
      %dma_start3A_296 = tpu.memref_slice %arg16[%rem3A_130, %dma_start3A_293, %dma_start3A_295] : memref<2x8x128xf32, #tpu.memory_space<vmem>> -> memref<1x1x128xf32, #tpu.memory_space<vmem>>
      %dma_start3A_297 = tpu.memref_squeeze %dma_start3A_296 : memref<1x1x128xf32, #tpu.memory_space<vmem>> -> memref<128xf32, #tpu.memory_space<vmem>>
      %dma_start3A_298 = arith.constant 0 : i32
      %dma_start3A_299 = tpu.memref_slice %arg12[%rem3A_132, %dma_start3A_294, %dma_start3A_298] : memref<6x8x128xi32, #tpu.memory_space<vmem>> -> memref<1x1x128xi32, #tpu.memory_space<vmem>>
      %dma_start3A_300 = tpu.memref_squeeze %dma_start3A_299 : memref<1x1x128xi32, #tpu.memory_space<vmem>> -> memref<128xi32, #tpu.memory_space<vmem>>
      %dma_start3A_301 = arith.constant 0 : i32
      %dma_start3A_302 = tpu.memref_slice %arg17[%dma_start3A_301] : memref<100352xf32, #tpu.memory_space<vmem_shared>> -> memref<100352xf32, #tpu.memory_space<vmem_shared>>
      %dma_start3A_303 = tpu.memref_slice %arg20[%rem3A_130] : memref<2x!tpu.dma_semaphore, #tpu.memory_space<semaphore_mem>> -> memref<1x!tpu.dma_semaphore, #tpu.memory_space<semaphore_mem>>
      %dma_start3A_304 = tpu.memref_squeeze %dma_start3A_303 : memref<1x!tpu.dma_semaphore, #tpu.memory_space<semaphore_mem>> -> memref<!tpu.dma_semaphore, #tpu.memory_space<semaphore_mem>>
      tpu.enqueue_indirect_dma source(%dma_start3A_297 : memref<128xf32, #tpu.memory_space<vmem>>) target(%dma_start3A_302 : memref<100352xf32, #tpu.memory_space<vmem_shared>>) offsets(%dma_start3A_300 : memref<128xi32, #tpu.memory_space<vmem>>) semaphore(%dma_start3A_304 : memref<!tpu.dma_semaphore, #tpu.memory_space<semaphore_mem>>) {add = true}
    }
    %ge3A = arith.constant 2 : i32
    %ge3A_115 = arith.cmpi sge, %add3A_3, %ge3A : i32
    %convert_element_type3A_116 = arith.extui %ge3A_115 : i1 to i32
    %cond3A_117 = arith.constant 0 : i32
    %cond3A_118 = arith.cmpi ne, %convert_element_type3A_116, %cond3A_117 : i32
    scf.if %cond3A_118 {
      %sub3A = arith.constant 2 : i32
      %sub3A_129 = arith.subi %add3A_3, %sub3A : i32
      %rem3A = arith.constant 2 : i32
      %rem3A_130 = arith.remsi %sub3A_129, %rem3A : i32
      %rem3A_131 = arith.constant 6 : i32
      %rem3A_132 = arith.remsi %sub3A_129, %rem3A_131 : i32
      %dma_wait3A = arith.constant 0 : i32
      %dma_wait3A_133 = arith.constant 0 : i32
      %dma_wait3A_134 = arith.constant 0 : i32
      %dma_wait3A_135 = tpu.memref_slice %arg16[%rem3A_130, %dma_wait3A, %dma_wait3A_134] : memref<2x8x128xf32, #tpu.memory_space<vmem>> -> memref<1x1x128xf32, #tpu.memory_space<vmem>>
      %dma_wait3A_136 = tpu.memref_squeeze %dma_wait3A_135 : memref<1x1x128xf32, #tpu.memory_space<vmem>> -> memref<128xf32, #tpu.memory_space<vmem>>
      %dma_wait3A_137 = arith.constant 0 : i32
      %dma_wait3A_138 = tpu.memref_slice %arg12[%rem3A_132, %dma_wait3A_133, %dma_wait3A_137] : memref<6x8x128xi32, #tpu.memory_space<vmem>> -> memref<1x1x128xi32, #tpu.memory_space<vmem>>
      %dma_wait3A_139 = tpu.memref_squeeze %dma_wait3A_138 : memref<1x1x128xi32, #tpu.memory_space<vmem>> -> memref<128xi32, #tpu.memory_space<vmem>>
      %dma_wait3A_140 = arith.constant 0 : i32
      %dma_wait3A_141 = tpu.memref_slice %arg17[%dma_wait3A_140] : memref<100352xf32, #tpu.memory_space<vmem_shared>> -> memref<100352xf32, #tpu.memory_space<vmem_shared>>
      %dma_wait3A_142 = tpu.memref_slice %arg20[%rem3A_130] : memref<2x!tpu.dma_semaphore, #tpu.memory_space<semaphore_mem>> -> memref<1x!tpu.dma_semaphore, #tpu.memory_space<semaphore_mem>>
      %dma_wait3A_143 = tpu.memref_squeeze %dma_wait3A_142 : memref<1x!tpu.dma_semaphore, #tpu.memory_space<semaphore_mem>> -> memref<!tpu.dma_semaphore, #tpu.memory_space<semaphore_mem>>
      tpu.wait_indirect_dma semaphore(%dma_wait3A_143 : memref<!tpu.dma_semaphore, #tpu.memory_space<semaphore_mem>>) src(%dma_wait3A_136 : memref<128xf32, #tpu.memory_space<vmem>>) dst(%dma_wait3A_141 : memref<100352xf32, #tpu.memory_space<vmem_shared>>)
      %dma_wait3A_144 = arith.constant 1 : i32
      %dma_wait3A_145 = arith.constant 1 : i32
      %dma_wait3A_146 = arith.constant 0 : i32
      %dma_wait3A_147 = tpu.memref_slice %arg16[%rem3A_130, %dma_wait3A_144, %dma_wait3A_146] : memref<2x8x128xf32, #tpu.memory_space<vmem>> -> memref<1x1x128xf32, #tpu.memory_space<vmem>>
      %dma_wait3A_148 = tpu.memref_squeeze %dma_wait3A_147 : memref<1x1x128xf32, #tpu.memory_space<vmem>> -> memref<128xf32, #tpu.memory_space<vmem>>
      %dma_wait3A_149 = arith.constant 0 : i32
      %dma_wait3A_150 = tpu.memref_slice %arg12[%rem3A_132, %dma_wait3A_145, %dma_wait3A_149] : memref<6x8x128xi32, #tpu.memory_space<vmem>> -> memref<1x1x128xi32, #tpu.memory_space<vmem>>
      %dma_wait3A_151 = tpu.memref_squeeze %dma_wait3A_150 : memref<1x1x128xi32, #tpu.memory_space<vmem>> -> memref<128xi32, #tpu.memory_space<vmem>>
      %dma_wait3A_152 = arith.constant 0 : i32
      %dma_wait3A_153 = tpu.memref_slice %arg17[%dma_wait3A_152] : memref<100352xf32, #tpu.memory_space<vmem_shared>> -> memref<100352xf32, #tpu.memory_space<vmem_shared>>
      %dma_wait3A_154 = tpu.memref_slice %arg20[%rem3A_130] : memref<2x!tpu.dma_semaphore, #tpu.memory_space<semaphore_mem>> -> memref<1x!tpu.dma_semaphore, #tpu.memory_space<semaphore_mem>>
      %dma_wait3A_155 = tpu.memref_squeeze %dma_wait3A_154 : memref<1x!tpu.dma_semaphore, #tpu.memory_space<semaphore_mem>> -> memref<!tpu.dma_semaphore, #tpu.memory_space<semaphore_mem>>
      tpu.wait_indirect_dma semaphore(%dma_wait3A_155 : memref<!tpu.dma_semaphore, #tpu.memory_space<semaphore_mem>>) src(%dma_wait3A_148 : memref<128xf32, #tpu.memory_space<vmem>>) dst(%dma_wait3A_153 : memref<100352xf32, #tpu.memory_space<vmem_shared>>)
      %dma_wait3A_156 = arith.constant 2 : i32
      %dma_wait3A_157 = arith.constant 2 : i32
      %dma_wait3A_158 = arith.constant 0 : i32
      %dma_wait3A_159 = tpu.memref_slice %arg16[%rem3A_130, %dma_wait3A_156, %dma_wait3A_158] : memref<2x8x128xf32, #tpu.memory_space<vmem>> -> memref<1x1x128xf32, #tpu.memory_space<vmem>>
      %dma_wait3A_160 = tpu.memref_squeeze %dma_wait3A_159 : memref<1x1x128xf32, #tpu.memory_space<vmem>> -> memref<128xf32, #tpu.memory_space<vmem>>
      %dma_wait3A_161 = arith.constant 0 : i32
      %dma_wait3A_162 = tpu.memref_slice %arg12[%rem3A_132, %dma_wait3A_157, %dma_wait3A_161] : memref<6x8x128xi32, #tpu.memory_space<vmem>> -> memref<1x1x128xi32, #tpu.memory_space<vmem>>
      %dma_wait3A_163 = tpu.memref_squeeze %dma_wait3A_162 : memref<1x1x128xi32, #tpu.memory_space<vmem>> -> memref<128xi32, #tpu.memory_space<vmem>>
      %dma_wait3A_164 = arith.constant 0 : i32
      %dma_wait3A_165 = tpu.memref_slice %arg17[%dma_wait3A_164] : memref<100352xf32, #tpu.memory_space<vmem_shared>> -> memref<100352xf32, #tpu.memory_space<vmem_shared>>
      %dma_wait3A_166 = tpu.memref_slice %arg20[%rem3A_130] : memref<2x!tpu.dma_semaphore, #tpu.memory_space<semaphore_mem>> -> memref<1x!tpu.dma_semaphore, #tpu.memory_space<semaphore_mem>>
      %dma_wait3A_167 = tpu.memref_squeeze %dma_wait3A_166 : memref<1x!tpu.dma_semaphore, #tpu.memory_space<semaphore_mem>> -> memref<!tpu.dma_semaphore, #tpu.memory_space<semaphore_mem>>
      tpu.wait_indirect_dma semaphore(%dma_wait3A_167 : memref<!tpu.dma_semaphore, #tpu.memory_space<semaphore_mem>>) src(%dma_wait3A_160 : memref<128xf32, #tpu.memory_space<vmem>>) dst(%dma_wait3A_165 : memref<100352xf32, #tpu.memory_space<vmem_shared>>)
      %dma_wait3A_168 = arith.constant 3 : i32
      %dma_wait3A_169 = arith.constant 3 : i32
      %dma_wait3A_170 = arith.constant 0 : i32
      %dma_wait3A_171 = tpu.memref_slice %arg16[%rem3A_130, %dma_wait3A_168, %dma_wait3A_170] : memref<2x8x128xf32, #tpu.memory_space<vmem>> -> memref<1x1x128xf32, #tpu.memory_space<vmem>>
      %dma_wait3A_172 = tpu.memref_squeeze %dma_wait3A_171 : memref<1x1x128xf32, #tpu.memory_space<vmem>> -> memref<128xf32, #tpu.memory_space<vmem>>
      %dma_wait3A_173 = arith.constant 0 : i32
      %dma_wait3A_174 = tpu.memref_slice %arg12[%rem3A_132, %dma_wait3A_169, %dma_wait3A_173] : memref<6x8x128xi32, #tpu.memory_space<vmem>> -> memref<1x1x128xi32, #tpu.memory_space<vmem>>
      %dma_wait3A_175 = tpu.memref_squeeze %dma_wait3A_174 : memref<1x1x128xi32, #tpu.memory_space<vmem>> -> memref<128xi32, #tpu.memory_space<vmem>>
      %dma_wait3A_176 = arith.constant 0 : i32
      %dma_wait3A_177 = tpu.memref_slice %arg17[%dma_wait3A_176] : memref<100352xf32, #tpu.memory_space<vmem_shared>> -> memref<100352xf32, #tpu.memory_space<vmem_shared>>
      %dma_wait3A_178 = tpu.memref_slice %arg20[%rem3A_130] : memref<2x!tpu.dma_semaphore, #tpu.memory_space<semaphore_mem>> -> memref<1x!tpu.dma_semaphore, #tpu.memory_space<semaphore_mem>>
      %dma_wait3A_179 = tpu.memref_squeeze %dma_wait3A_178 : memref<1x!tpu.dma_semaphore, #tpu.memory_space<semaphore_mem>> -> memref<!tpu.dma_semaphore, #tpu.memory_space<semaphore_mem>>
      tpu.wait_indirect_dma semaphore(%dma_wait3A_179 : memref<!tpu.dma_semaphore, #tpu.memory_space<semaphore_mem>>) src(%dma_wait3A_172 : memref<128xf32, #tpu.memory_space<vmem>>) dst(%dma_wait3A_177 : memref<100352xf32, #tpu.memory_space<vmem_shared>>)
      %dma_wait3A_180 = arith.constant 4 : i32
      %dma_wait3A_181 = arith.constant 4 : i32
      %dma_wait3A_182 = arith.constant 0 : i32
      %dma_wait3A_183 = tpu.memref_slice %arg16[%rem3A_130, %dma_wait3A_180, %dma_wait3A_182] : memref<2x8x128xf32, #tpu.memory_space<vmem>> -> memref<1x1x128xf32, #tpu.memory_space<vmem>>
      %dma_wait3A_184 = tpu.memref_squeeze %dma_wait3A_183 : memref<1x1x128xf32, #tpu.memory_space<vmem>> -> memref<128xf32, #tpu.memory_space<vmem>>
      %dma_wait3A_185 = arith.constant 0 : i32
      %dma_wait3A_186 = tpu.memref_slice %arg12[%rem3A_132, %dma_wait3A_181, %dma_wait3A_185] : memref<6x8x128xi32, #tpu.memory_space<vmem>> -> memref<1x1x128xi32, #tpu.memory_space<vmem>>
      %dma_wait3A_187 = tpu.memref_squeeze %dma_wait3A_186 : memref<1x1x128xi32, #tpu.memory_space<vmem>> -> memref<128xi32, #tpu.memory_space<vmem>>
      %dma_wait3A_188 = arith.constant 0 : i32
      %dma_wait3A_189 = tpu.memref_slice %arg17[%dma_wait3A_188] : memref<100352xf32, #tpu.memory_space<vmem_shared>> -> memref<100352xf32, #tpu.memory_space<vmem_shared>>
      %dma_wait3A_190 = tpu.memref_slice %arg20[%rem3A_130] : memref<2x!tpu.dma_semaphore, #tpu.memory_space<semaphore_mem>> -> memref<1x!tpu.dma_semaphore, #tpu.memory_space<semaphore_mem>>
      %dma_wait3A_191 = tpu.memref_squeeze %dma_wait3A_190 : memref<1x!tpu.dma_semaphore, #tpu.memory_space<semaphore_mem>> -> memref<!tpu.dma_semaphore, #tpu.memory_space<semaphore_mem>>
      tpu.wait_indirect_dma semaphore(%dma_wait3A_191 : memref<!tpu.dma_semaphore, #tpu.memory_space<semaphore_mem>>) src(%dma_wait3A_184 : memref<128xf32, #tpu.memory_space<vmem>>) dst(%dma_wait3A_189 : memref<100352xf32, #tpu.memory_space<vmem_shared>>)
      %dma_wait3A_192 = arith.constant 5 : i32
      %dma_wait3A_193 = arith.constant 5 : i32
      %dma_wait3A_194 = arith.constant 0 : i32
      %dma_wait3A_195 = tpu.memref_slice %arg16[%rem3A_130, %dma_wait3A_192, %dma_wait3A_194] : memref<2x8x128xf32, #tpu.memory_space<vmem>> -> memref<1x1x128xf32, #tpu.memory_space<vmem>>
      %dma_wait3A_196 = tpu.memref_squeeze %dma_wait3A_195 : memref<1x1x128xf32, #tpu.memory_space<vmem>> -> memref<128xf32, #tpu.memory_space<vmem>>
      %dma_wait3A_197 = arith.constant 0 : i32
      %dma_wait3A_198 = tpu.memref_slice %arg12[%rem3A_132, %dma_wait3A_193, %dma_wait3A_197] : memref<6x8x128xi32, #tpu.memory_space<vmem>> -> memref<1x1x128xi32, #tpu.memory_space<vmem>>
      %dma_wait3A_199 = tpu.memref_squeeze %dma_wait3A_198 : memref<1x1x128xi32, #tpu.memory_space<vmem>> -> memref<128xi32, #tpu.memory_space<vmem>>
      %dma_wait3A_200 = arith.constant 0 : i32
      %dma_wait3A_201 = tpu.memref_slice %arg17[%dma_wait3A_200] : memref<100352xf32, #tpu.memory_space<vmem_shared>> -> memref<100352xf32, #tpu.memory_space<vmem_shared>>
      %dma_wait3A_202 = tpu.memref_slice %arg20[%rem3A_130] : memref<2x!tpu.dma_semaphore, #tpu.memory_space<semaphore_mem>> -> memref<1x!tpu.dma_semaphore, #tpu.memory_space<semaphore_mem>>
      %dma_wait3A_203 = tpu.memref_squeeze %dma_wait3A_202 : memref<1x!tpu.dma_semaphore, #tpu.memory_space<semaphore_mem>> -> memref<!tpu.dma_semaphore, #tpu.memory_space<semaphore_mem>>
      tpu.wait_indirect_dma semaphore(%dma_wait3A_203 : memref<!tpu.dma_semaphore, #tpu.memory_space<semaphore_mem>>) src(%dma_wait3A_196 : memref<128xf32, #tpu.memory_space<vmem>>) dst(%dma_wait3A_201 : memref<100352xf32, #tpu.memory_space<vmem_shared>>)
      %dma_wait3A_204 = arith.constant 6 : i32
      %dma_wait3A_205 = arith.constant 6 : i32
      %dma_wait3A_206 = arith.constant 0 : i32
      %dma_wait3A_207 = tpu.memref_slice %arg16[%rem3A_130, %dma_wait3A_204, %dma_wait3A_206] : memref<2x8x128xf32, #tpu.memory_space<vmem>> -> memref<1x1x128xf32, #tpu.memory_space<vmem>>
      %dma_wait3A_208 = tpu.memref_squeeze %dma_wait3A_207 : memref<1x1x128xf32, #tpu.memory_space<vmem>> -> memref<128xf32, #tpu.memory_space<vmem>>
      %dma_wait3A_209 = arith.constant 0 : i32
      %dma_wait3A_210 = tpu.memref_slice %arg12[%rem3A_132, %dma_wait3A_205, %dma_wait3A_209] : memref<6x8x128xi32, #tpu.memory_space<vmem>> -> memref<1x1x128xi32, #tpu.memory_space<vmem>>
      %dma_wait3A_211 = tpu.memref_squeeze %dma_wait3A_210 : memref<1x1x128xi32, #tpu.memory_space<vmem>> -> memref<128xi32, #tpu.memory_space<vmem>>
      %dma_wait3A_212 = arith.constant 0 : i32
      %dma_wait3A_213 = tpu.memref_slice %arg17[%dma_wait3A_212] : memref<100352xf32, #tpu.memory_space<vmem_shared>> -> memref<100352xf32, #tpu.memory_space<vmem_shared>>
      %dma_wait3A_214 = tpu.memref_slice %arg20[%rem3A_130] : memref<2x!tpu.dma_semaphore, #tpu.memory_space<semaphore_mem>> -> memref<1x!tpu.dma_semaphore, #tpu.memory_space<semaphore_mem>>
      %dma_wait3A_215 = tpu.memref_squeeze %dma_wait3A_214 : memref<1x!tpu.dma_semaphore, #tpu.memory_space<semaphore_mem>> -> memref<!tpu.dma_semaphore, #tpu.memory_space<semaphore_mem>>
      tpu.wait_indirect_dma semaphore(%dma_wait3A_215 : memref<!tpu.dma_semaphore, #tpu.memory_space<semaphore_mem>>) src(%dma_wait3A_208 : memref<128xf32, #tpu.memory_space<vmem>>) dst(%dma_wait3A_213 : memref<100352xf32, #tpu.memory_space<vmem_shared>>)
      %dma_wait3A_216 = arith.constant 7 : i32
      %dma_wait3A_217 = arith.constant 7 : i32
      %dma_wait3A_218 = arith.constant 0 : i32
      %dma_wait3A_219 = tpu.memref_slice %arg16[%rem3A_130, %dma_wait3A_216, %dma_wait3A_218] : memref<2x8x128xf32, #tpu.memory_space<vmem>> -> memref<1x1x128xf32, #tpu.memory_space<vmem>>
      %dma_wait3A_220 = tpu.memref_squeeze %dma_wait3A_219 : memref<1x1x128xf32, #tpu.memory_space<vmem>> -> memref<128xf32, #tpu.memory_space<vmem>>
      %dma_wait3A_221 = arith.constant 0 : i32
      %dma_wait3A_222 = tpu.memref_slice %arg12[%rem3A_132, %dma_wait3A_217, %dma_wait3A_221] : memref<6x8x128xi32, #tpu.memory_space<vmem>> -> memref<1x1x128xi32, #tpu.memory_space<vmem>>
      %dma_wait3A_223 = tpu.memref_squeeze %dma_wait3A_222 : memref<1x1x128xi32, #tpu.memory_space<vmem>> -> memref<128xi32, #tpu.memory_space<vmem>>
      %dma_wait3A_224 = arith.constant 0 : i32
      %dma_wait3A_225 = tpu.memref_slice %arg17[%dma_wait3A_224] : memref<100352xf32, #tpu.memory_space<vmem_shared>> -> memref<100352xf32, #tpu.memory_space<vmem_shared>>
      %dma_wait3A_226 = tpu.memref_slice %arg20[%rem3A_130] : memref<2x!tpu.dma_semaphore, #tpu.memory_space<semaphore_mem>> -> memref<1x!tpu.dma_semaphore, #tpu.memory_space<semaphore_mem>>
      %dma_wait3A_227 = tpu.memref_squeeze %dma_wait3A_226 : memref<1x!tpu.dma_semaphore, #tpu.memory_space<semaphore_mem>> -> memref<!tpu.dma_semaphore, #tpu.memory_space<semaphore_mem>>
      tpu.wait_indirect_dma semaphore(%dma_wait3A_227 : memref<!tpu.dma_semaphore, #tpu.memory_space<semaphore_mem>>) src(%dma_wait3A_220 : memref<128xf32, #tpu.memory_space<vmem>>) dst(%dma_wait3A_225 : memref<100352xf32, #tpu.memory_space<vmem_shared>>)
    } else {
    }
    %ge3A_119 = arith.constant 1 : i32
    %ge3A_120 = arith.cmpi sge, %add3A_3, %ge3A_119 : i32
    %convert_element_type3A_121 = arith.extui %ge3A_120 : i1 to i32
    %cond3A_122 = arith.constant 0 : i32
    %cond3A_123 = arith.cmpi ne, %convert_element_type3A_121, %cond3A_122 : i32
    scf.if %cond3A_123 {
      %sub3A = arith.constant 1 : i32
      %sub3A_129 = arith.subi %add3A_3, %sub3A : i32
      %rem3A = arith.constant 2 : i32
      %rem3A_130 = arith.remsi %sub3A_129, %rem3A : i32
      %rem3A_131 = arith.constant 6 : i32
      %rem3A_132 = arith.remsi %sub3A_129, %rem3A_131 : i32
      %dma_wait3A = arith.constant 0 : i32
      %dma_wait3A_133 = arith.constant 0 : i32
      %dma_wait3A_134 = arith.constant 0 : i32
      %dma_wait3A_135 = tpu.memref_slice %arg16[%rem3A_130, %dma_wait3A, %dma_wait3A_134] : memref<2x8x128xf32, #tpu.memory_space<vmem>> -> memref<1x1x128xf32, #tpu.memory_space<vmem>>
      %dma_wait3A_136 = tpu.memref_squeeze %dma_wait3A_135 : memref<1x1x128xf32, #tpu.memory_space<vmem>> -> memref<128xf32, #tpu.memory_space<vmem>>
      %dma_wait3A_137 = arith.constant 0 : i32
      %dma_wait3A_138 = tpu.memref_slice %arg12[%rem3A_132, %dma_wait3A_133, %dma_wait3A_137] : memref<6x8x128xi32, #tpu.memory_space<vmem>> -> memref<1x1x128xi32, #tpu.memory_space<vmem>>
      %dma_wait3A_139 = tpu.memref_squeeze %dma_wait3A_138 : memref<1x1x128xi32, #tpu.memory_space<vmem>> -> memref<128xi32, #tpu.memory_space<vmem>>
      %dma_wait3A_140 = arith.constant 0 : i32
      %dma_wait3A_141 = tpu.memref_slice %arg17[%dma_wait3A_140] : memref<100352xf32, #tpu.memory_space<vmem_shared>> -> memref<100352xf32, #tpu.memory_space<vmem_shared>>
      %dma_wait3A_142 = tpu.memref_slice %arg20[%rem3A_130] : memref<2x!tpu.dma_semaphore, #tpu.memory_space<semaphore_mem>> -> memref<1x!tpu.dma_semaphore, #tpu.memory_space<semaphore_mem>>
      %dma_wait3A_143 = tpu.memref_squeeze %dma_wait3A_142 : memref<1x!tpu.dma_semaphore, #tpu.memory_space<semaphore_mem>> -> memref<!tpu.dma_semaphore, #tpu.memory_space<semaphore_mem>>
      tpu.wait_indirect_dma semaphore(%dma_wait3A_143 : memref<!tpu.dma_semaphore, #tpu.memory_space<semaphore_mem>>) src(%dma_wait3A_136 : memref<128xf32, #tpu.memory_space<vmem>>) dst(%dma_wait3A_141 : memref<100352xf32, #tpu.memory_space<vmem_shared>>)
      %dma_wait3A_144 = arith.constant 1 : i32
      %dma_wait3A_145 = arith.constant 1 : i32
      %dma_wait3A_146 = arith.constant 0 : i32
      %dma_wait3A_147 = tpu.memref_slice %arg16[%rem3A_130, %dma_wait3A_144, %dma_wait3A_146] : memref<2x8x128xf32, #tpu.memory_space<vmem>> -> memref<1x1x128xf32, #tpu.memory_space<vmem>>
      %dma_wait3A_148 = tpu.memref_squeeze %dma_wait3A_147 : memref<1x1x128xf32, #tpu.memory_space<vmem>> -> memref<128xf32, #tpu.memory_space<vmem>>
      %dma_wait3A_149 = arith.constant 0 : i32
      %dma_wait3A_150 = tpu.memref_slice %arg12[%rem3A_132, %dma_wait3A_145, %dma_wait3A_149] : memref<6x8x128xi32, #tpu.memory_space<vmem>> -> memref<1x1x128xi32, #tpu.memory_space<vmem>>
      %dma_wait3A_151 = tpu.memref_squeeze %dma_wait3A_150 : memref<1x1x128xi32, #tpu.memory_space<vmem>> -> memref<128xi32, #tpu.memory_space<vmem>>
      %dma_wait3A_152 = arith.constant 0 : i32
      %dma_wait3A_153 = tpu.memref_slice %arg17[%dma_wait3A_152] : memref<100352xf32, #tpu.memory_space<vmem_shared>> -> memref<100352xf32, #tpu.memory_space<vmem_shared>>
      %dma_wait3A_154 = tpu.memref_slice %arg20[%rem3A_130] : memref<2x!tpu.dma_semaphore, #tpu.memory_space<semaphore_mem>> -> memref<1x!tpu.dma_semaphore, #tpu.memory_space<semaphore_mem>>
      %dma_wait3A_155 = tpu.memref_squeeze %dma_wait3A_154 : memref<1x!tpu.dma_semaphore, #tpu.memory_space<semaphore_mem>> -> memref<!tpu.dma_semaphore, #tpu.memory_space<semaphore_mem>>
      tpu.wait_indirect_dma semaphore(%dma_wait3A_155 : memref<!tpu.dma_semaphore, #tpu.memory_space<semaphore_mem>>) src(%dma_wait3A_148 : memref<128xf32, #tpu.memory_space<vmem>>) dst(%dma_wait3A_153 : memref<100352xf32, #tpu.memory_space<vmem_shared>>)
      %dma_wait3A_156 = arith.constant 2 : i32
      %dma_wait3A_157 = arith.constant 2 : i32
      %dma_wait3A_158 = arith.constant 0 : i32
      %dma_wait3A_159 = tpu.memref_slice %arg16[%rem3A_130, %dma_wait3A_156, %dma_wait3A_158] : memref<2x8x128xf32, #tpu.memory_space<vmem>> -> memref<1x1x128xf32, #tpu.memory_space<vmem>>
      %dma_wait3A_160 = tpu.memref_squeeze %dma_wait3A_159 : memref<1x1x128xf32, #tpu.memory_space<vmem>> -> memref<128xf32, #tpu.memory_space<vmem>>
      %dma_wait3A_161 = arith.constant 0 : i32
      %dma_wait3A_162 = tpu.memref_slice %arg12[%rem3A_132, %dma_wait3A_157, %dma_wait3A_161] : memref<6x8x128xi32, #tpu.memory_space<vmem>> -> memref<1x1x128xi32, #tpu.memory_space<vmem>>
      %dma_wait3A_163 = tpu.memref_squeeze %dma_wait3A_162 : memref<1x1x128xi32, #tpu.memory_space<vmem>> -> memref<128xi32, #tpu.memory_space<vmem>>
      %dma_wait3A_164 = arith.constant 0 : i32
      %dma_wait3A_165 = tpu.memref_slice %arg17[%dma_wait3A_164] : memref<100352xf32, #tpu.memory_space<vmem_shared>> -> memref<100352xf32, #tpu.memory_space<vmem_shared>>
      %dma_wait3A_166 = tpu.memref_slice %arg20[%rem3A_130] : memref<2x!tpu.dma_semaphore, #tpu.memory_space<semaphore_mem>> -> memref<1x!tpu.dma_semaphore, #tpu.memory_space<semaphore_mem>>
      %dma_wait3A_167 = tpu.memref_squeeze %dma_wait3A_166 : memref<1x!tpu.dma_semaphore, #tpu.memory_space<semaphore_mem>> -> memref<!tpu.dma_semaphore, #tpu.memory_space<semaphore_mem>>
      tpu.wait_indirect_dma semaphore(%dma_wait3A_167 : memref<!tpu.dma_semaphore, #tpu.memory_space<semaphore_mem>>) src(%dma_wait3A_160 : memref<128xf32, #tpu.memory_space<vmem>>) dst(%dma_wait3A_165 : memref<100352xf32, #tpu.memory_space<vmem_shared>>)
      %dma_wait3A_168 = arith.constant 3 : i32
      %dma_wait3A_169 = arith.constant 3 : i32
      %dma_wait3A_170 = arith.constant 0 : i32
      %dma_wait3A_171 = tpu.memref_slice %arg16[%rem3A_130, %dma_wait3A_168, %dma_wait3A_170] : memref<2x8x128xf32, #tpu.memory_space<vmem>> -> memref<1x1x128xf32, #tpu.memory_space<vmem>>
      %dma_wait3A_172 = tpu.memref_squeeze %dma_wait3A_171 : memref<1x1x128xf32, #tpu.memory_space<vmem>> -> memref<128xf32, #tpu.memory_space<vmem>>
      %dma_wait3A_173 = arith.constant 0 : i32
      %dma_wait3A_174 = tpu.memref_slice %arg12[%rem3A_132, %dma_wait3A_169, %dma_wait3A_173] : memref<6x8x128xi32, #tpu.memory_space<vmem>> -> memref<1x1x128xi32, #tpu.memory_space<vmem>>
      %dma_wait3A_175 = tpu.memref_squeeze %dma_wait3A_174 : memref<1x1x128xi32, #tpu.memory_space<vmem>> -> memref<128xi32, #tpu.memory_space<vmem>>
      %dma_wait3A_176 = arith.constant 0 : i32
      %dma_wait3A_177 = tpu.memref_slice %arg17[%dma_wait3A_176] : memref<100352xf32, #tpu.memory_space<vmem_shared>> -> memref<100352xf32, #tpu.memory_space<vmem_shared>>
      %dma_wait3A_178 = tpu.memref_slice %arg20[%rem3A_130] : memref<2x!tpu.dma_semaphore, #tpu.memory_space<semaphore_mem>> -> memref<1x!tpu.dma_semaphore, #tpu.memory_space<semaphore_mem>>
      %dma_wait3A_179 = tpu.memref_squeeze %dma_wait3A_178 : memref<1x!tpu.dma_semaphore, #tpu.memory_space<semaphore_mem>> -> memref<!tpu.dma_semaphore, #tpu.memory_space<semaphore_mem>>
      tpu.wait_indirect_dma semaphore(%dma_wait3A_179 : memref<!tpu.dma_semaphore, #tpu.memory_space<semaphore_mem>>) src(%dma_wait3A_172 : memref<128xf32, #tpu.memory_space<vmem>>) dst(%dma_wait3A_177 : memref<100352xf32, #tpu.memory_space<vmem_shared>>)
      %dma_wait3A_180 = arith.constant 4 : i32
      %dma_wait3A_181 = arith.constant 4 : i32
      %dma_wait3A_182 = arith.constant 0 : i32
      %dma_wait3A_183 = tpu.memref_slice %arg16[%rem3A_130, %dma_wait3A_180, %dma_wait3A_182] : memref<2x8x128xf32, #tpu.memory_space<vmem>> -> memref<1x1x128xf32, #tpu.memory_space<vmem>>
      %dma_wait3A_184 = tpu.memref_squeeze %dma_wait3A_183 : memref<1x1x128xf32, #tpu.memory_space<vmem>> -> memref<128xf32, #tpu.memory_space<vmem>>
      %dma_wait3A_185 = arith.constant 0 : i32
      %dma_wait3A_186 = tpu.memref_slice %arg12[%rem3A_132, %dma_wait3A_181, %dma_wait3A_185] : memref<6x8x128xi32, #tpu.memory_space<vmem>> -> memref<1x1x128xi32, #tpu.memory_space<vmem>>
      %dma_wait3A_187 = tpu.memref_squeeze %dma_wait3A_186 : memref<1x1x128xi32, #tpu.memory_space<vmem>> -> memref<128xi32, #tpu.memory_space<vmem>>
      %dma_wait3A_188 = arith.constant 0 : i32
      %dma_wait3A_189 = tpu.memref_slice %arg17[%dma_wait3A_188] : memref<100352xf32, #tpu.memory_space<vmem_shared>> -> memref<100352xf32, #tpu.memory_space<vmem_shared>>
      %dma_wait3A_190 = tpu.memref_slice %arg20[%rem3A_130] : memref<2x!tpu.dma_semaphore, #tpu.memory_space<semaphore_mem>> -> memref<1x!tpu.dma_semaphore, #tpu.memory_space<semaphore_mem>>
      %dma_wait3A_191 = tpu.memref_squeeze %dma_wait3A_190 : memref<1x!tpu.dma_semaphore, #tpu.memory_space<semaphore_mem>> -> memref<!tpu.dma_semaphore, #tpu.memory_space<semaphore_mem>>
      tpu.wait_indirect_dma semaphore(%dma_wait3A_191 : memref<!tpu.dma_semaphore, #tpu.memory_space<semaphore_mem>>) src(%dma_wait3A_184 : memref<128xf32, #tpu.memory_space<vmem>>) dst(%dma_wait3A_189 : memref<100352xf32, #tpu.memory_space<vmem_shared>>)
      %dma_wait3A_192 = arith.constant 5 : i32
      %dma_wait3A_193 = arith.constant 5 : i32
      %dma_wait3A_194 = arith.constant 0 : i32
      %dma_wait3A_195 = tpu.memref_slice %arg16[%rem3A_130, %dma_wait3A_192, %dma_wait3A_194] : memref<2x8x128xf32, #tpu.memory_space<vmem>> -> memref<1x1x128xf32, #tpu.memory_space<vmem>>
      %dma_wait3A_196 = tpu.memref_squeeze %dma_wait3A_195 : memref<1x1x128xf32, #tpu.memory_space<vmem>> -> memref<128xf32, #tpu.memory_space<vmem>>
      %dma_wait3A_197 = arith.constant 0 : i32
      %dma_wait3A_198 = tpu.memref_slice %arg12[%rem3A_132, %dma_wait3A_193, %dma_wait3A_197] : memref<6x8x128xi32, #tpu.memory_space<vmem>> -> memref<1x1x128xi32, #tpu.memory_space<vmem>>
      %dma_wait3A_199 = tpu.memref_squeeze %dma_wait3A_198 : memref<1x1x128xi32, #tpu.memory_space<vmem>> -> memref<128xi32, #tpu.memory_space<vmem>>
      %dma_wait3A_200 = arith.constant 0 : i32
      %dma_wait3A_201 = tpu.memref_slice %arg17[%dma_wait3A_200] : memref<100352xf32, #tpu.memory_space<vmem_shared>> -> memref<100352xf32, #tpu.memory_space<vmem_shared>>
      %dma_wait3A_202 = tpu.memref_slice %arg20[%rem3A_130] : memref<2x!tpu.dma_semaphore, #tpu.memory_space<semaphore_mem>> -> memref<1x!tpu.dma_semaphore, #tpu.memory_space<semaphore_mem>>
      %dma_wait3A_203 = tpu.memref_squeeze %dma_wait3A_202 : memref<1x!tpu.dma_semaphore, #tpu.memory_space<semaphore_mem>> -> memref<!tpu.dma_semaphore, #tpu.memory_space<semaphore_mem>>
      tpu.wait_indirect_dma semaphore(%dma_wait3A_203 : memref<!tpu.dma_semaphore, #tpu.memory_space<semaphore_mem>>) src(%dma_wait3A_196 : memref<128xf32, #tpu.memory_space<vmem>>) dst(%dma_wait3A_201 : memref<100352xf32, #tpu.memory_space<vmem_shared>>)
      %dma_wait3A_204 = arith.constant 6 : i32
      %dma_wait3A_205 = arith.constant 6 : i32
      %dma_wait3A_206 = arith.constant 0 : i32
      %dma_wait3A_207 = tpu.memref_slice %arg16[%rem3A_130, %dma_wait3A_204, %dma_wait3A_206] : memref<2x8x128xf32, #tpu.memory_space<vmem>> -> memref<1x1x128xf32, #tpu.memory_space<vmem>>
      %dma_wait3A_208 = tpu.memref_squeeze %dma_wait3A_207 : memref<1x1x128xf32, #tpu.memory_space<vmem>> -> memref<128xf32, #tpu.memory_space<vmem>>
      %dma_wait3A_209 = arith.constant 0 : i32
      %dma_wait3A_210 = tpu.memref_slice %arg12[%rem3A_132, %dma_wait3A_205, %dma_wait3A_209] : memref<6x8x128xi32, #tpu.memory_space<vmem>> -> memref<1x1x128xi32, #tpu.memory_space<vmem>>
      %dma_wait3A_211 = tpu.memref_squeeze %dma_wait3A_210 : memref<1x1x128xi32, #tpu.memory_space<vmem>> -> memref<128xi32, #tpu.memory_space<vmem>>
      %dma_wait3A_212 = arith.constant 0 : i32
      %dma_wait3A_213 = tpu.memref_slice %arg17[%dma_wait3A_212] : memref<100352xf32, #tpu.memory_space<vmem_shared>> -> memref<100352xf32, #tpu.memory_space<vmem_shared>>
      %dma_wait3A_214 = tpu.memref_slice %arg20[%rem3A_130] : memref<2x!tpu.dma_semaphore, #tpu.memory_space<semaphore_mem>> -> memref<1x!tpu.dma_semaphore, #tpu.memory_space<semaphore_mem>>
      %dma_wait3A_215 = tpu.memref_squeeze %dma_wait3A_214 : memref<1x!tpu.dma_semaphore, #tpu.memory_space<semaphore_mem>> -> memref<!tpu.dma_semaphore, #tpu.memory_space<semaphore_mem>>
      tpu.wait_indirect_dma semaphore(%dma_wait3A_215 : memref<!tpu.dma_semaphore, #tpu.memory_space<semaphore_mem>>) src(%dma_wait3A_208 : memref<128xf32, #tpu.memory_space<vmem>>) dst(%dma_wait3A_213 : memref<100352xf32, #tpu.memory_space<vmem_shared>>)
      %dma_wait3A_216 = arith.constant 7 : i32
      %dma_wait3A_217 = arith.constant 7 : i32
      %dma_wait3A_218 = arith.constant 0 : i32
      %dma_wait3A_219 = tpu.memref_slice %arg16[%rem3A_130, %dma_wait3A_216, %dma_wait3A_218] : memref<2x8x128xf32, #tpu.memory_space<vmem>> -> memref<1x1x128xf32, #tpu.memory_space<vmem>>
      %dma_wait3A_220 = tpu.memref_squeeze %dma_wait3A_219 : memref<1x1x128xf32, #tpu.memory_space<vmem>> -> memref<128xf32, #tpu.memory_space<vmem>>
      %dma_wait3A_221 = arith.constant 0 : i32
      %dma_wait3A_222 = tpu.memref_slice %arg12[%rem3A_132, %dma_wait3A_217, %dma_wait3A_221] : memref<6x8x128xi32, #tpu.memory_space<vmem>> -> memref<1x1x128xi32, #tpu.memory_space<vmem>>
      %dma_wait3A_223 = tpu.memref_squeeze %dma_wait3A_222 : memref<1x1x128xi32, #tpu.memory_space<vmem>> -> memref<128xi32, #tpu.memory_space<vmem>>
      %dma_wait3A_224 = arith.constant 0 : i32
      %dma_wait3A_225 = tpu.memref_slice %arg17[%dma_wait3A_224] : memref<100352xf32, #tpu.memory_space<vmem_shared>> -> memref<100352xf32, #tpu.memory_space<vmem_shared>>
      %dma_wait3A_226 = tpu.memref_slice %arg20[%rem3A_130] : memref<2x!tpu.dma_semaphore, #tpu.memory_space<semaphore_mem>> -> memref<1x!tpu.dma_semaphore, #tpu.memory_space<semaphore_mem>>
      %dma_wait3A_227 = tpu.memref_squeeze %dma_wait3A_226 : memref<1x!tpu.dma_semaphore, #tpu.memory_space<semaphore_mem>> -> memref<!tpu.dma_semaphore, #tpu.memory_space<semaphore_mem>>
      tpu.wait_indirect_dma semaphore(%dma_wait3A_227 : memref<!tpu.dma_semaphore, #tpu.memory_space<semaphore_mem>>) src(%dma_wait3A_220 : memref<128xf32, #tpu.memory_space<vmem>>) dst(%dma_wait3A_225 : memref<100352xf32, #tpu.memory_space<vmem_shared>>)
    } else {
    }
    %barrier3A_124 = arith.constant 0 : index
    tpu.barrier barrier_id(%barrier3A_124)
    %eq3A = arith.constant 0 : i32
    %eq3A_125 = arith.cmpi eq, %arg1, %eq3A : i32
    %convert_element_type3A_126 = arith.extui %eq3A_125 : i1 to i32
    %cond3A_127 = arith.constant 0 : i32
    %cond3A_128 = arith.cmpi ne, %convert_element_type3A_126, %cond3A_127 : i32
    scf.if %cond3A_128 {
      "tpu.region"() ({
        %run_scoped3A = tpu.sem_alloc : memref<!tpu.dma_semaphore, #tpu.memory_space<semaphore_mem>>
        %dma_start3A = arith.constant 0 : i32
        %dma_start3A_129 = tpu.memref_slice %arg9[%arg0, %dma_start3A] : memref<2x100352xf32, #tpu.memory_space<hbm>> -> memref<1x100352xf32, #tpu.memory_space<hbm>>
        %dma_start3A_130 = tpu.memref_squeeze %dma_start3A_129 : memref<1x100352xf32, #tpu.memory_space<hbm>> -> memref<100352xf32, #tpu.memory_space<hbm>>
        tpu.enqueue_dma source(%arg17 : memref<100352xf32, #tpu.memory_space<vmem_shared>>) target(%dma_start3A_130 : memref<100352xf32, #tpu.memory_space<hbm>>) target_semaphore(%run_scoped3A : memref<!tpu.dma_semaphore, #tpu.memory_space<semaphore_mem>>)
        %dma_wait3A = arith.constant 0 : i32
        %dma_wait3A_131 = tpu.memref_slice %arg9[%arg0, %dma_wait3A] : memref<2x100352xf32, #tpu.memory_space<hbm>> -> memref<1x100352xf32, #tpu.memory_space<hbm>>
        %dma_wait3A_132 = tpu.memref_squeeze %dma_wait3A_131 : memref<1x100352xf32, #tpu.memory_space<hbm>> -> memref<100352xf32, #tpu.memory_space<hbm>>
        tpu.wait_dma2 semaphore(%run_scoped3A : memref<!tpu.dma_semaphore, #tpu.memory_space<semaphore_mem>>) src(%arg17 : memref<100352xf32, #tpu.memory_space<vmem_shared>>) dst(%dma_wait3A_132 : memref<100352xf32, #tpu.memory_space<hbm>>)
        tpu.yield
      }) : () -> ()
    } else {
    }
    return
  }
}

module attributes {stable_mosaic.version = 14 : i64} {
  func.func @_sum_body(%arg0: memref<2x784x128xf32, #tpu.memory_space<vmem>>, %arg1: memref<784x128xf32, #tpu.memory_space<vmem>>) attributes {dimension_semantics = [], scalar_prefetch = 0 : i64, scratch_operands = 0 : i64, tpu.core_type = #tpu.core_type<tc>} {
    %get3A = arith.constant 0 : index
    %get3A_0 = arith.constant 0 : index
    %get3A_1 = arith.constant 0 : index
    %get3A_2 = vector.load %arg0[%get3A, %get3A_0, %get3A_1] : memref<2x784x128xf32, #tpu.memory_space<vmem>>, vector<1x784x128xf32>
    %get3A_3 = vector.shape_cast %get3A_2 : vector<1x784x128xf32> to vector<784x128xf32>
    %get3A_4 = arith.constant 1 : index
    %get3A_5 = arith.constant 0 : index
    %get3A_6 = arith.constant 0 : index
    %get3A_7 = vector.load %arg0[%get3A_4, %get3A_5, %get3A_6] : memref<2x784x128xf32, #tpu.memory_space<vmem>>, vector<1x784x128xf32>
    %get3A_8 = vector.shape_cast %get3A_7 : vector<1x784x128xf32> to vector<784x128xf32>
    %add3A = arith.addf %get3A_3, %get3A_8 : vector<784x128xf32>
    %swap3A = arith.constant 0 : index
    %swap3A_9 = arith.constant 0 : index
    %swap3A_10 = vector.load %arg1[%swap3A, %swap3A_9] : memref<784x128xf32, #tpu.memory_space<vmem>>, vector<784x128xf32>
    tpu.vector_store %arg1[%swap3A, %swap3A_9], %add3A {strides = array<i32>} : memref<784x128xf32, #tpu.memory_space<vmem>>, vector<784x128xf32>,
    return
  }
}

module attributes {stable_mosaic.version = 14 : i64} {
  func.func @_table_body(%arg0: memref<784x128xf32, #tpu.memory_space<vmem>>, %arg1: memref<1xf32, #tpu.memory_space<smem>>, %arg2: memref<784x128xi32, #tpu.memory_space<vmem>>) attributes {dimension_semantics = [], scalar_prefetch = 0 : i64, scratch_operands = 0 : i64, tpu.core_type = #tpu.core_type<tc>} {
    %get3A = arith.constant 0 : index
    %get3A_0 = arith.constant 0 : index
    %get3A_1 = vector.load %arg0[%get3A, %get3A_0] : memref<784x128xf32, #tpu.memory_space<vmem>>, vector<784x128xf32>
    %get3A_2 = arith.constant 0 : index
    %get3A_3 = memref.load %arg1[%get3A_2] : memref<1xf32, #tpu.memory_space<smem>>
    %log3A = math.log %get3A_1 : vector<784x128xf32>
    %mul3A = vector.broadcast %get3A_3 : f32 to vector<784x128xf32>
    %mul3A_4 = arith.mulf %mul3A, %log3A : vector<784x128xf32>
    %exp3A = math.exp %mul3A_4 : vector<784x128xf32>
    %bitcast_convert_type3A = tpu.bitcast %exp3A : vector<784x128xf32> -> vector<784x128xi32>
    %shift_right_logical3A = arith.constant 13 : i32
    %shift_right_logical3A_5 = vector.broadcast %shift_right_logical3A : i32 to vector<784x128xi32>
    %shift_right_logical3A_6 = arith.shrui %bitcast_convert_type3A, %shift_right_logical3A_5 : vector<784x128xi32>
    %and3A = arith.constant 1 : i32
    %and3A_7 = vector.broadcast %and3A : i32 to vector<784x128xi32>
    %and3A_8 = arith.andi %shift_right_logical3A_6, %and3A_7 : vector<784x128xi32>
    %add3A = arith.constant 4095 : i32
    %add3A_9 = vector.broadcast %add3A : i32 to vector<784x128xi32>
    %add3A_10 = arith.addi %bitcast_convert_type3A, %add3A_9 : vector<784x128xi32>
    %add3A_11 = arith.addi %add3A_10, %and3A_8 : vector<784x128xi32>
    %sub3A = arith.constant 939524096 : i32
    %sub3A_12 = vector.broadcast %sub3A : i32 to vector<784x128xi32>
    %sub3A_13 = arith.subi %add3A_11, %sub3A_12 : vector<784x128xi32>
    %shift_right_logical3A_14 = arith.constant 13 : i32
    %shift_right_logical3A_15 = vector.broadcast %shift_right_logical3A_14 : i32 to vector<784x128xi32>
    %shift_right_logical3A_16 = arith.shrui %sub3A_13, %shift_right_logical3A_15 : vector<784x128xi32>
    %bitcast_convert_type3A_17 = tpu.bitcast %get3A_1 : vector<784x128xf32> -> vector<784x128xi32>
    %shift_right_logical3A_18 = arith.constant 13 : i32
    %shift_right_logical3A_19 = vector.broadcast %shift_right_logical3A_18 : i32 to vector<784x128xi32>
    %shift_right_logical3A_20 = arith.shrui %bitcast_convert_type3A_17, %shift_right_logical3A_19 : vector<784x128xi32>
    %and3A_21 = arith.constant 1 : i32
    %and3A_22 = vector.broadcast %and3A_21 : i32 to vector<784x128xi32>
    %and3A_23 = arith.andi %shift_right_logical3A_20, %and3A_22 : vector<784x128xi32>
    %add3A_24 = arith.constant 4095 : i32
    %add3A_25 = vector.broadcast %add3A_24 : i32 to vector<784x128xi32>
    %add3A_26 = arith.addi %bitcast_convert_type3A_17, %add3A_25 : vector<784x128xi32>
    %add3A_27 = arith.addi %add3A_26, %and3A_23 : vector<784x128xi32>
    %sub3A_28 = arith.constant 939524096 : i32
    %sub3A_29 = vector.broadcast %sub3A_28 : i32 to vector<784x128xi32>
    %sub3A_30 = arith.subi %add3A_27, %sub3A_29 : vector<784x128xi32>
    %shift_right_logical3A_31 = arith.constant 13 : i32
    %shift_right_logical3A_32 = vector.broadcast %shift_right_logical3A_31 : i32 to vector<784x128xi32>
    %shift_right_logical3A_33 = arith.shrui %sub3A_30, %shift_right_logical3A_32 : vector<784x128xi32>
    %shift_left3A = arith.constant 16 : i32
    %shift_left3A_34 = vector.broadcast %shift_left3A : i32 to vector<784x128xi32>
    %shift_left3A_35 = arith.shli %shift_right_logical3A_16, %shift_left3A_34 : vector<784x128xi32>
    %or3A = arith.ori %shift_left3A_35, %shift_right_logical3A_33 : vector<784x128xi32>
    %swap3A = arith.constant 0 : index
    %swap3A_36 = arith.constant 0 : index
    %swap3A_37 = vector.load %arg2[%swap3A, %swap3A_36] : memref<784x128xi32, #tpu.memory_space<vmem>>, vector<784x128xi32>
    tpu.vector_store %arg2[%swap3A, %swap3A_36], %or3A {strides = array<i32>} : memref<784x128xi32, #tpu.memory_space<vmem>>, vector<784x128xi32>,
    return
  }
}

</mosaic_0001>

<sc_bundles>
// kernel: kernel.5.cloned.1.call-start
scs
__scs_entry_jumppad:
0x0: {  	(pc) =	sbr.rel $0x88, $3  }
0x1: {  	(tag) =	ssettag $0x0;
	lr =	simm.s32 $0x1  }
0x2: {  	[smem:$0x3F92] =	sst lr;
	_ =	strace $0xD0000000  }
0x3: {  	_ = 	snop  }
0x4: {  	_ = 	snop  }
0x5: {  	_ = 	snop  }
0x6: {  	_ = 	snop  }
0x7: {  	_ = 	snop  }
__scs_overlays_trampoline_lowered:
0x8: {  	[smem:$0x3FA1] =	sst s0  }
0x9: {  	[smem:$0x3FA2] =	sst s1  }
0xa: {  	[smem:$0x3FA3] =	sst s2  }
0xb: {  	[smem:$0x3FA4] =	sst s3  }
0xc: {  	[smem:$0x3FA5] =	sst s4  }
0xd: {  	[smem:$0x3FA6] =	sst s5  }
0xe: {  	[smem:$0x3FA7] =	sst s6  }
0xf: {  	[smem:$0x3FA8] =	sst s7  }
0x10: {  	[smem:$0x3FA9] =	sst s8  }
0x11: {  	[smem:$0x3FAA] =	sst s9;
	s0 =	simm.s32 @!p0 $0x0  }
0x12: {  	s1 =	sld [smem:$0x3F90];
	s0 =	simm.s32 @p0 $0x1  }
0x13: {  	[smem:$0x3FAB] =	sst s0;
	s0 =	simm.s32 @!p1 $0x0  }
0x14: {  	s2 =	sld [smem:$0x3F8F];
	s0 =	simm.s32 @p1 $0x1  }
0x15: {  	[smem:$0x3FAC] =	sst s0;
	s0 =	simm.s32 @!p2 $0x0  }
0x16: {  	s3 =	sld [smem:$0x3FDB];
	s0 =	simm.s32 @p2 $0x1  }
0x17: {  	s4 =	simm.s32 $0x1BF5;
	[smem:$0x3FAE] =	sst s0  }
0x18: {  	s0 =	sld [smem:$0x3F91];
	_ =	swait.ge [sflag:s4], $0x0  }
0x19: {  	s7 =	sld [smem:$0x3F92]  }
0x1a: {  	s8 =	sadd.s32 $0xFFFFE003, lr  }
0x1b: {  	s9 =	sadd.s32 $0xFFFFFEF7, lr;
	s5 =	simm.s32 $0xFFFFFFFF;
	p2 =	slt.u32 s8, $0xFFFFF086  }
0x1c: {  	p1 =	slt.u32 s9, $0xF7A;
	s5 =	simm.s32 @!p2 $0x0  }
0x1d: {  	s5 =	simm.s32 @p1 $0x1;
	p0 =	seq.s32 s7, s2  }
0x1e: {  	s7 =	smul.u32 @!p0 $0xF7A, s2;
	p2 =	seq.s32 @!p0 s5, $0x0  }
0x1f: {  	s9 =	smul.u32 $0xF7A, s1;
	s8 =	simm.s32 @!p0 $0x1BF5;
	p2 =	por !p2, p0  }
0x20: {  	[sflag:s8] =	ssyncset.s32 @!p0 $0xFFFFF086;
	s6 =	sadd.s32 @!p0 s3, s7;
	s7 =	simm.s32 @!p0 $0x108  }
0x21: {  	s3 =	sadd.s32 s3, s9;
	s6 =	sadd.s32 @!p0 $0x88, s6;
	s7 =	simm.s32 @p2 $0x1082  }
0x22: {  	[simem:s7], [sflag:s8] =	dma.local @!p0 [hbm:s6], $0xF7A  }
0x23: {  	s9 =	sor.u32 $0xD0000000, s2;
	s6 =	simm.s32 $0x108;
	_ =	swait.ge @!p0 [sflag:s8], $0x0  }
0x24: {  	s3 =	sadd.s32 $0x88, s3;
	s6 =	simm.s32 @!p1 $0x1082;
	[sflag:s4] =	ssyncset.s32 $0xFFFFF086  }
0x25: {  	[simem:s6], [sflag:s4] =	dma.local [hbm:s3], $0xF7A  }
0x26: {  	[smem:$0x3F92] =	sst s1;
	(tag) =	ssettag s2;
	_ =	strace s9  }
0x27: {  	s1 =	sld [smem:$0x3FA2]  }
0x28: {  	s2 =	sld [smem:$0x3FA3]  }
0x29: {  	s4 =	sld [smem:$0x3FA5]  }
0x2a: {  	p0 =	seq.s32 s5, $0x0;
	s5 =	sld [smem:$0x3FA6]  }
0x2b: {  	s6 =	sld [smem:$0x3FA7]  }
0x2c: {  	s7 =	sld [smem:$0x3FA8]  }
0x2d: {  	s3 =	simm.s32 $0x108;
	s8 =	sld [smem:$0x3FA9]  }
0x2e: {  	s3 =	simm.s32 @!p0 $0x1082;
	s9 =	sld [smem:$0x3FAA]  }
0x2f: {  	lr =	sadd.s32 s0, s3;
	s0 =	sld [smem:$0x3FA1]  }
0x30: {  	s3 =	sld [smem:$0x3FA4]  }
0x31: {  	[smem:$0x3FAD] =	sst s10  }
0x32: {  	s10 =	sld [smem:$0x3FAB];
	_ =	sdelay $0x3  }
0x33: {  	p0 =	seq.s32 s10, $0x1;
	s10 =	sld [smem:$0x3FAD];
	_ =	sdelay $0x3  }
0x34: {  	[smem:$0x3FAD] =	sst s10  }
0x35: {  	s10 =	sld [smem:$0x3FAC];
	_ =	sdelay $0x3  }
0x36: {  	p1 =	seq.s32 s10, $0x1;
	s10 =	sld [smem:$0x3FAD];
	_ =	sdelay $0x3  }
0x37: {  	[smem:$0x3FAD] =	sst s10  }
0x38: {  	s10 =	sld [smem:$0x3FAE]  }
0x39: {  	_ = 	snop;
	(pc) =	sbr.ind lr, $3  }
0x3a: {  	_ = 	snop  }
0x3b: {  	_ = 	snop  }
0x3c: {  	p2 =	seq.s32 s10, $0x1;
	s10 =	sld [smem:$0x3FAD]  }
0x3d: {  	_ =	shalt  }
0x3e: {  	_ =	shalt  }
0x3f: {  	_ =	shalt  }
0x40: {  	_ =	shalt  }
0x41: {  	_ =	shalt  }
0x42: {  	_ =	shalt  }
0x43: {  	_ =	shalt  }
0x44: {  	_ =	shalt  }
0x45: {  	_ =	shalt  }
0x46: {  	_ =	shalt  }
0x47: {  	_ =	shalt  }
0x48: {  	_ =	shalt  }
0x49: {  	_ =	shalt  }
0x4a: {  	_ =	shalt  }
0x4b: {  	_ =	shalt  }
0x4c: {  	_ =	shalt  }
0x4d: {  	_ =	shalt  }
0x4e: {  	_ =	shalt  }
0x4f: {  	_ =	shalt  }
0x50: {  	_ =	shalt  }
0x51: {  	_ =	shalt  }
0x52: {  	_ =	shalt  }
0x53: {  	_ =	shalt  }
0x54: {  	_ =	shalt  }
0x55: {  	_ =	shalt  }
0x56: {  	_ =	shalt  }
0x57: {  	_ =	shalt  }
0x58: {  	_ =	shalt  }
0x59: {  	_ =	shalt  }
0x5a: {  	_ =	shalt  }
0x5b: {  	_ =	shalt  }
0x5c: {  	_ =	shalt  }
0x5d: {  	_ =	shalt  }
0x5e: {  	_ =	shalt  }
0x5f: {  	_ =	shalt  }
0x60: {  	_ =	shalt  }
0x61: {  	_ =	shalt  }
0x62: {  	_ =	shalt  }
0x63: {  	_ =	shalt  }
0x64: {  	_ =	shalt  }
0x65: {  	_ =	shalt  }
0x66: {  	_ =	shalt  }
0x67: {  	_ =	shalt  }
0x68: {  	_ =	shalt  }
0x69: {  	_ =	shalt  }
0x6a: {  	_ =	shalt  }
0x6b: {  	_ =	shalt  }
0x6c: {  	_ =	shalt  }
0x6d: {  	_ =	shalt  }
0x6e: {  	_ =	shalt  }
0x6f: {  	_ =	shalt  }
0x70: {  	_ =	shalt  }
0x71: {  	_ =	shalt  }
0x72: {  	_ =	shalt  }
0x73: {  	_ =	shalt  }
0x74: {  	_ =	shalt  }
0x75: {  	_ =	shalt  }
0x76: {  	_ =	shalt  }
0x77: {  	_ =	shalt  }
0x78: {  	_ =	shalt  }
0x79: {  	_ =	shalt  }
0x7a: {  	_ =	shalt  }
0x7b: {  	_ =	shalt  }
0x7c: {  	_ =	shalt  }
0x7d: {  	_ =	shalt  }
0x7e: {  	_ =	shalt  }
0x7f: {  	_ =	shalt  }
0x80: {  	_ =	shalt  }
0x81: {  	_ =	shalt  }
0x82: {  	_ =	shalt  }
0x83: {  	_ =	shalt  }
0x84: {  	_ =	shalt  }
0x85: {  	_ =	shalt  }
0x86: {  	_ =	shalt  }
0x87: {  	_ =	shalt  }
.Lfunc_end0:
.L_simem_size_0:
called_computation_lowered:
.L_overlay_start_0:
0x88: {  	s2 =	sld [smem:$0x3FD9]  }
0x89: {  	s3 =	sld [smem:$0x3FFE];
	_ =	sdelay $0x1  }
0x8a: {  	s1 =	srdreg.scid  }
0x8b: {  	s0 =	sand.u32 $0x1, s1  }
0x8c: {  	s17 =	sshll.u32 s0, $0xA;
	s2 =	sadd.s32 s3, s2  }
0x8d: {  	s2 =	sadd.s32 s2, s17  }
0x8e: {  	[smem:$0x3FB9] =	sst s2  }
0x8f: {  	_ = 	snop  }
0x90: {  	s2 =	sld [smem:$0x3FC8]  }
0x91: {  	s18 =	sld [smem:$0x3FC7]  }
0x92: {  	s4 =	sld [smem:$0x3FC6]  }
0x93: {  	s5 =	sld [smem:$0x3FC5]  }
0x94: {  	s6 =	sld [smem:$0x3FD0];
	(tm) =	ssettm $0x1  }
0x95: {  	s7 =	sld [smem:$0x3FFB];
	_ =	sdelay $0x3  }
0x96: {  	_ =	strace s7  }
0x97: {  	s7 =	sld [smem:$0x3FFC];
	_ =	sdelay $0x3  }
0x98: {  	_ =	strace s7  }
0x99: {  	s7 =	sld [smem:$0x3FFD];
	_ =	sdelay $0x3  }
0x9a: {  	_ =	strace s7  }
0x9b: {  	_ =	strace $0x8FFFFFFF  }
0x9c: {  	s19 =	sld [smem:$0x3FDB];
	_ =	sdelay $0x1  }
0x9d: {  	s8 =	simm.s32 $_scs_section_size  }
0x9e: {  	s9 =	simm.s32 $_size__tile_overlayer_lowered;
	s10 =	simm.s32 $_tile_overlayer_lowered  }
0x9f: {  	s22 =	simm.s32 $0x1BFF;
	s21 =	sshll.u32 s10, $0x1;
	s7 =	sadd.s32 s8, s19  }
0xa0: {  	s11 =	simm.s32 $0x0;
	s20 =	sshll.u32 s9, $0x1;
	s9 =	sadd.s32 s21, s7  }
0xa1: {  	[timem:s11], [sflag:s22] =	dma.local [hbm:s9], s20  }
0xa2: {  	_ =	swait.ge [sflag:s22], s20  }
0xa3: {  	s8 =	ssub.s32 $0x0, s20;
	[sflag:s22] =	ssyncset.done $0x0  }
0xa4: {  	[sflag:s22] =	ssyncadd.s32 s8;
	_ =	sdelay $0x1  }
0xa5: {  	s23 =	simm.s32 $0x1B8B  }
0xa6: {  	_ =	swait.ge [sflag:s23], $0x1  }
0xa7: {  	[sflag:s23] =	ssyncset.done $0x0  }
0xa8: {  	s25 =	simm.s32 $0x1B8E;
	s24 =	sld [smem:$0x3FFE];
	[sflag:s23] =	ssyncadd.s32 $0xFFFFFFFF  }
0xa9: {  	s26 =	simm.s32 $execute0_lowered;
	[smem:$0x3FD2] =	sst s25  }
0xaa: {  	s9 =	sshll.u32 s26, $0x1;
	_ =	strace $0x80000046;
	[dreg:$0x1] =	wrdreg $0xFFFFFFFF  }
0xab: {  	s28 =	simm.s32 $_size_execute0_lowered;
	s7 =	sadd.s32 s7, s9;
	[dreg:$0x0] =	wrdreg $0x0  }
0xac: {  	s9 =	sshll.u32 s28, $0x1;
	[dreg:$0x2] =	wrdreg s7  }
0xad: {  	[dreg:$0x3] =	wrdreg s9  }
0xae: {  	[dreg:$0x4] =	wrdreg $0xC0  }
0xaf: {  	_ =	task [dreg:s11], $0x5FFFF  }
0xb0: {  	[dreg:$0x1] =	wrdreg $0xFFFFFFFF  }
0xb1: {  	[dreg:$0x0] =	wrdreg $0x60  }
0xb2: {  	[dreg:$0x2] =	wrdreg s6  }
0xb3: {  	[dreg:$0x3] =	wrdreg s24  }
0xb4: {  	[dreg:$0x4] =	wrdreg s4  }
0xb5: {  	[dreg:$0x5] =	wrdreg s5  }
0xb6: {  	[dreg:$0x6] =	wrdreg s2  }
0xb7: {  	[dreg:$0x7] =	wrdreg s18  }
0xb8: {  	[dreg:$0x8] =	wrdreg $0x1E7000  }
0xb9: {  	[dreg:$0x9] =	wrdreg $0x9  }
0xba: {  	_ =	task.clear_ibuf [dreg:s11], $0xAFFFF;
	_ =	strace $0x90000046  }
0xbb: {  	s29 =	simm.s32 $0x9;
	_ =	strace $0x80000048  }
0xbc: {  	_ =	swait.ge [sflag:s29], $0x1  }
0xbd: {  	[sflag:s29] =	ssyncadd.s32 $0xFFFFFFFF  }
0xbe: {  	_ =	strace $0x90000048  }
0xbf: {  	_ =	sfence  }
0xc0: {  	s30 =	sld [smem:$0x0];
	_ =	sdelay $0x2  }
0xc1: {  	s31 =	sshll.u32 s1, $0xD;
	s1 =	sshrl.u32 s1, $0x2  }
0xc2: {  	s3 =	sand.u32 $0x4000, s31;
	s1 =	sadd.s32 s1, s30  }
0xc3: {  	s0 =	sor.u32 s3, s0;
	s1 =	sshll.u32 s1, $0x11  }
0xc4: {  	s0 =	sor.u32 s1, s0  }
0xc5: {  	s0 =	sadd.s32 $0x8F2B, s0  }
0xc6: {  	[sflag:s0] =	ssyncadd.remote.s32 $0x1  }
0xc7: {  	_ =	sfence.sel $0xFFFF  }
0xc8: {  	[dreg:$0x0] =	wrdreg $0xFFFFFFFF;
	(pc) =	sbr.abs _section_cstart, $3  }
0xc9: {  	[dreg:$0x1] =	wrdreg $0xFFFFFFFF  }
0xca: {  	_ =	task.clear_ibuf [dreg:s11], $0x2FFFF;
	_ =	strace $0x9FFFFFFF  }
0xcb: {  	(tm) =	ssettm $0x7FFFFFFF  }
tec
execute0_lowered:
.L_overlay_start_1:
0x0: {  	(tag) =	ssettag $0x1  }
0x1: {  	s8 =	rddreg [dreg:$0x1]  }
0x2: {  	s1 =	rddreg [dreg:$0x2]  }
0x3: {  	s2 =	rddreg [dreg:$0x3]  }
0x4: {  	s3 =	rddreg [dreg:$0x4]  }
0x5: {  	s21 =	rddreg [dreg:$0x5]  }
0x6: {  	s5 =	rddreg [dreg:$0x6]  }
0x7: {  	s6 =	simm.s32 $0x0;
	s0 =	srdreg.scid;
	s9 =	stileid.u32  }
0x8: {  	[smem:$0x7FF] =	sst s6;
	s0 =	sand.u32 $0x1, s0;
	s7 =	sshll.u32 s9, $0x1  }
0x9: {  	s10 =	sadd.s32 $0x800, s8;
	s22 =	sshll.u32 s9, $0x7;
	p0 =	sgt.u32 s9, $0x4  }
0xa: {  	p1 =	slt.u32 s9, $0x5;
	s11 =	ssub.s32 $0x2, s0;
	s7 =	sor.u32 s0, s7  }
0xb: {  	s12 =	sshll.u32 s0, $0x4;
	s4 =	sadd.s32 s10, s22;
	s13 =	smul.u32 $0xC3, s7  }
0xc: {  	s20 =	sshrl.u32 s11, $0x1;
	s7 =	smin.u32 s7, $0xA;
	[dreg:$0x8] =	wrdreg s4  }
0xd: {  	s0 =	ssub.s32 s11, s20;
	s11 =	sshll.u32 s9, $0xA;
	s7 =	sadd.s32 s7, s13  }
0xe: {  	s14 =	sor.u32 $0x4000, s11;
	s15 =	sor.u32 $0x8000, s11;
	s17 =	sor.u32 $0xC000, s11  }
0xf: {  	s18 =	sor.u32 $0x10000, s11;
	s19 =	sor.u32 $0x14000, s11;
	s20 =	sor.u32 $0x18000, s11  }
0x10: {  	s0 =	smax.u32 s0, $0x1;
	s23 =	sshrl.u32 s14, $0x3;
	s25 =	sshrl.u32 s15, $0x3  }
0x11: {  	s28 =	sshrl.u32 s17, $0x3;
	s30 =	sshrl.u32 s18, $0x3;
	s24 =	sadd.s32 s10, s23  }
0x12: {  	s4 =	sshrl.u32 s19, $0x3;
	s26 =	sadd.s32 s10, s25;
	[dreg:$0x9] =	wrdreg s24  }
0x13: {  	s16 =	sshrl.u32 s20, $0x3;
	s29 =	sadd.s32 s10, s28;
	[dreg:$0xa] =	wrdreg s26  }
0x14: {  	s20 =	sadd.s32 s20, s5;
	s31 =	sadd.s32 s10, s30;
	[dreg:$0xb] =	wrdreg s29  }
0x15: {  	s13 =	sadd.s32 s10, s4;
	s22 =	sadd.s32 s10, s16;
	[dreg:$0xc] =	wrdreg s31  }
0x16: {  	s16 =	simm.s32 $0xC4;
	s10 =	simm.s32 $0x1;
	[dreg:$0xd] =	wrdreg s13  }
0x17: {  	s23 =	sadd.s32 $0x600, s8;
	[dreg:$0xe] =	wrdreg s22;
	s16 =	simm.s32 @!p1 $0xC3  }
0x18: {  	s13 =	simm.s32 $0x1;
	s10 =	simm.s32 @!p0 $0x0;
	p0 =	sne.s32 s9, $0x0  }
0x19: {  	s24 =	sshll.u32 s9, $0x6;
	_ =	strace $0x80000047;
	[dreg:$0xf] =	wrdreg s23  }
0x1a: {  	s13 =	simm.s32 @!p1 $0x0;
	p1 =	sgt.u32 s9, $0x1;
	s9 =	sadd.s32 s11, s5  }
0x1b: {  	s22 =	sor.u32 $0x1C0F, s24;
	s11 =	sshll.u32 s7, $0x7;
	[smem:$0x7F6] =	sst s0  }
0x1c: {  	s25 =	sadd.s32 $0x80, s11;
	s0 =	sshrl.u32 @!p1 s20, $0x3;
	[dreg:$0x10] =	wrdreg s22  }
0x1d: {  	s26 =	sadd.s32 s1, s25;
	[smem:$0x7FD] =	sst s0  }
0x1e: {  	s28 =	sadd.s32 s2, s25;
	[dreg:$0x11] =	wrdreg s26  }
0x1f: {  	s29 =	sadd.s32 s3, s25;
	[dreg:$0x12] =	wrdreg s28  }
0x20: {  	s31 =	sadd.s32 $0x100, s11;
	s30 =	sadd.s32 s21, s25;
	[dreg:$0x13] =	wrdreg s29  }
0x21: {  	s23 =	sadd.s32 s1, s31;
	[dreg:$0x14] =	wrdreg s30  }
0x22: {  	s24 =	sadd.s32 s2, s31;
	[dreg:$0x15] =	wrdreg s23  }
0x23: {  	s25 =	sadd.s32 s3, s31;
	[dreg:$0x16] =	wrdreg s24  }
0x24: {  	[dreg:$0x17] =	wrdreg s25;
	s26 =	sadd.s32 s21, s31  }
0x25: {  	s28 =	sadd.s32 s1, s11;
	[dreg:$0x18] =	wrdreg s26  }
0x26: {  	s29 =	sadd.s32 s2, s11;
	[dreg:$0x19] =	wrdreg s28  }
0x27: {  	s12 =	sadd.s32 s12, s8;
	s30 =	sadd.s32 s3, s11;
	[dreg:$0x1a] =	wrdreg s29  }
0x28: {  	s8 =	sadd.s32 s14, s5;
	s31 =	sadd.s32 s21, s11;
	[dreg:$0x1b] =	wrdreg s30  }
0x29: {  	s14 =	sadd.s32 s15, s5;
	s24 =	sadd.s32 $0x3A00, s12;
	[dreg:$0x1c] =	wrdreg s31  }
0x2a: {  	s11 =	sadd.s32 $0x180, s11;
	s25 =	sshrl.u32 s9, $0x3;
	[smem:$0x7F5] =	sst s24  }
0x2b: {  	s15 =	sadd.s32 s17, s5;
	s1 =	sadd.s32 s1, s11;
	[smem:$0x7F7] =	sst s25  }
0x2c: {  	s17 =	sadd.s32 s18, s5;
	s4 =	sadd.s32 s2, s11;
	[dreg:$0x1d] =	wrdreg s1  }
0x2d: {  	s18 =	sadd.s32 s19, s5;
	s19 =	sadd.s32 s3, s11;
	[dreg:$0x1e] =	wrdreg s4  }
0x2e: {  	s23 =	sadd.s32 s21, s11;
	[dreg:$0x1f] =	wrdreg s19  }
0x2f: {  	s26 =	sshrl.u32 s8, $0x3;
	[smem:$0x7F4] =	sst s23  }
0x30: {  	s28 =	sshrl.u32 s14, $0x3;
	[smem:$0x7F8] =	sst s26  }
0x31: {  	s10 =	sor.u32 $0xC, s10;
	s29 =	sshrl.u32 s15, $0x3;
	[smem:$0x7F9] =	sst s28  }
0x32: {  	s11 =	sor.u32 $0xC, s13;
	s30 =	sshrl.u32 s17, $0x3;
	[smem:$0x7FA] =	sst s29  }
0x33: {  	s31 =	sshrl.u32 s18, $0x3;
	s2 =	simm.s32 $0x0;
	[smem:$0x7FB] =	sst s30  }
0x34: {  	s4 =	smov.u32 s21;
	[smem:$0x7FC] =	sst s31;
	s26 =	simm.s32 $0x80  }
.LBB2_1:
0x35: {  	[smem:$0x7F3] =	sst s2  }
0x36: {  	s0 =	rddreg [dreg:$0x0]  }
0x37: {  	s20 =	rddreg [dreg:$0xf]  }
0x38: {  	s23 =	sld [smem:$0x7F7]  }
0x39: {  	[tilespmem:s6], [sflag:$0xE] =	stream.linear.gather [hbm4b:s0+s6], $0x18700, $0x38;
	[tilespmem:$0x1FF80] =	vst v63  }
0x3a: {  	s1 =	simm.s32 $0x18700;
	s21 =	rddreg [dreg:$0x8];
	s24 =	simm.s32 $0xF  }
0x3b: {  	[tilespmem:s1], [sflag:$0xE] =	stream.linear.gather [hbm4b:s20+s6], $0x400, $0x38;
	[tilespmem:$0x1FF80] =	vst v63  }
0x3c: {  	[spmem:s23], [sflag:s22] =	dma.local [hbm:s21], $0x80  }
0x3d: {  	_ =	swait.ge [sflag:s24], $0x80  }
0x3e: {  	s28 =	sld [smem:$0x7F8]  }
0x3f: {  	[sflag:s24] =	ssyncset.done $0x0  }
0x40: {  	s25 =	rddreg [dreg:$0x9];
	[sflag:s24] =	ssyncadd.s32 $0xFFFFFF80  }
0x41: {  	[spmem:s28], [sflag:s22] =	dma.local [hbm:s25], $0x80  }
0x42: {  	_ =	swait.ge [sflag:s24], $0x80  }
0x43: {  	s31 =	sld [smem:$0x7F9]  }
0x44: {  	[sflag:s24] =	ssyncset.done $0x0  }
0x45: {  	s30 =	rddreg [dreg:$0xa];
	[sflag:s24] =	ssyncadd.s32 $0xFFFFFF80  }
0x46: {  	[spmem:s31], [sflag:s22] =	dma.local [hbm:s30], $0x80  }
0x47: {  	_ =	swait.ge [sflag:s24], $0x80  }
0x48: {  	s8 =	sld [smem:$0x7FA]  }
0x49: {  	[sflag:s24] =	ssyncset.done $0x0  }
0x4a: {  	s3 =	rddreg [dreg:$0xb];
	[sflag:s24] =	ssyncadd.s32 $0xFFFFFF80  }
0x4b: {  	[spmem:s8], [sflag:s22] =	dma.local [hbm:s3], $0x80  }
0x4c: {  	_ =	swait.ge [sflag:s24], $0x80  }
0x4d: {  	s12 =	sld [smem:$0x7FB]  }
0x4e: {  	[sflag:s24] =	ssyncset.done $0x0  }
0x4f: {  	s9 =	rddreg [dreg:$0xc];
	[sflag:s24] =	ssyncadd.s32 $0xFFFFFF80  }
0x50: {  	[spmem:s12], [sflag:s22] =	dma.local [hbm:s9], $0x80  }
0x51: {  	_ =	swait.ge [sflag:s24], $0x80  }
0x52: {  	s14 =	sld [smem:$0x7FC]  }
0x53: {  	[sflag:s24] =	ssyncset.done $0x0  }
0x54: {  	s13 =	rddreg [dreg:$0xd];
	[sflag:s24] =	ssyncadd.s32 $0xFFFFFF80  }
0x55: {  	[spmem:s14], [sflag:s22] =	dma.local [hbm:s13], $0x80  }
0x56: {  	_ =	swait.ge [sflag:s24], $0x80  }
0x57: {  	s1 =	sld [smem:$0x7FD]  }
0x58: {  	[sflag:s24] =	ssyncset.done $0x0  }
0x59: {  	s0 =	rddreg [dreg:$0xe];
	[sflag:s24] =	ssyncadd.s32 $0xFFFFFF80  }
0x5a: {  	[spmem:s1], [sflag:s22] =	dma.local @!p1 [hbm:s0], $0x80  }
0x5b: {  	s0 =	simm.s32 @!p1 $0xF  }
0x5c: {  	_ =	swait.ge @!p1 [sflag:s0], $0x80  }
0x5d: {  	[sflag:s0] =	ssyncset.done @!p1 $0x0  }
0x5e: {  	s15 =	simm.s32 $0xE;
	[sflag:s0] =	ssyncadd.s32 @!p1 $0xFFFFFF80  }
0x5f: {  	_ =	swait.ge [sflag:s15], $0x18700  }
0x60: {  	[sflag:s15] =	ssyncset.done $0x0  }
0x61: {  	[sflag:s15] =	ssyncadd.s32 $0xFFFE7900  }
0x62: {  	_ =	swait.ge [sflag:s15], $0x400  }
0x63: {  	[sflag:s15] =	ssyncset.done $0x0  }
0x64: {  	[sflag:s15] =	ssyncadd.s32 $0xFFFFFC00  }
0x65: {  	[bflag:$0x0] =	sbarrier.arrive $0xFFFF  }
0x66: {  	v0 =	vld [tilespmem:$0x18700]  }
0x67: {  	v1 =	vld [tilespmem:$0x18780]  }
0x68: {  	v2 =	vld [tilespmem:$0x18800]  }
0x69: {  	v3 =	vld [tilespmem:$0x18880]  }
0x6a: {  	v4 =	vld [tilespmem:$0x18900]  }
0x6b: {  	v5 =	vld [tilespmem:$0x18980];
	s17 =	rddreg [dreg:$0x19]  }
0x6c: {  	s18 =	simm.s32 $0x18B00;
	v6 =	vld [tilespmem:$0x18A00];
	s19 =	rddreg [dreg:$0x1a]  }
0x6d: {  	v7 =	vld [tilespmem:$0x18A80];
	[tilespmem:s18], [sflag:$0x1] =	stream.linear.gather [hbm4b:s17+s6], $0x400, $0x38  }
0x6e: {  	s20 =	simm.s32 $0x1A300;
	s21 =	rddreg [dreg:$0x1b]  }
0x6f: {  	[tilespmem:s20], [sflag:$0x7] =	stream.linear.gather [hbm4b:s19+s6], $0x400, $0x38;
	[tilespmem:$0x1FF80] =	vst v63  }
0x70: {  	s22 =	simm.s32 $0x1B700;
	s23 =	rddreg [dreg:$0x1c]  }
0x71: {  	[tilespmem:s22], [sflag:$0x7] =	stream.linear.gather [hbm4b:s21+s6], $0x400, $0x38;
	[tilespmem:$0x1FF80] =	vst v63  }
0x72: {  	s24 =	simm.s32 $0x1CB00;
	s25 =	rddreg [dreg:$0x11]  }
0x73: {  	[tilespmem:s24], [sflag:$0x7] =	stream.linear.gather [hbm4b:s23+s6], $0x400, $0x38;
	[tilespmem:$0x1FF80] =	vst v63  }
0x74: {  	s28 =	simm.s32 $0x18F00;
	s30 =	rddreg [dreg:$0x12]  }
0x75: {  	[tilespmem:s28], [sflag:$0x2] =	stream.linear.gather [hbm4b:s25+s6], $0x400, $0x38;
	[tilespmem:$0x1FF80] =	vst v63  }
0x76: {  	s31 =	simm.s32 $0x1A700;
	s2 =	rddreg [dreg:$0x13]  }
0x77: {  	[tilespmem:s31], [sflag:$0x8] =	stream.linear.gather [hbm4b:s30+s6], $0x400, $0x38;
	[tilespmem:$0x1FF80] =	vst v63  }
0x78: {  	s3 =	simm.s32 $0x1BB00;
	s8 =	rddreg [dreg:$0x14]  }
0x79: {  	[tilespmem:s3], [sflag:$0x8] =	stream.linear.gather [hbm4b:s2+s6], $0x400, $0x38;
	[tilespmem:$0x1FF80] =	vst v63  }
0x7a: {  	s9 =	simm.s32 $0x1CF00;
	s12 =	rddreg [dreg:$0x15]  }
0x7b: {  	[tilespmem:s9], [sflag:$0x8] =	stream.linear.gather [hbm4b:s8+s6], $0x400, $0x38;
	[tilespmem:$0x1FF80] =	vst v63  }
0x7c: {  	s13 =	simm.s32 $0x19300;
	s14 =	rddreg [dreg:$0x16]  }
0x7d: {  	[tilespmem:s13], [sflag:$0x3] =	stream.linear.gather [hbm4b:s12+s6], $0x400, $0x38;
	[tilespmem:$0x1FF80] =	vst v63  }
0x7e: {  	s15 =	simm.s32 $0x1AB00;
	s17 =	rddreg [dreg:$0x17]  }
0x7f: {  	[tilespmem:s15], [sflag:$0x9] =	stream.linear.gather [hbm4b:s14+s6], $0x400, $0x38;
	[tilespmem:$0x1FF80] =	vst v63  }
0x80: {  	s18 =	simm.s32 $0x1BF00;
	s19 =	rddreg [dreg:$0x18]  }
0x81: {  	[tilespmem:s18], [sflag:$0x9] =	stream.linear.gather [hbm4b:s17+s6], $0x400, $0x38;
	[tilespmem:$0x1FF80] =	vst v63  }
0x82: {  	s20 =	simm.s32 $0x1D300;
	s21 =	rddreg [dreg:$0x1d]  }
0x83: {  	[tilespmem:s20], [sflag:$0x9] =	stream.linear.gather [hbm4b:s19+s6], $0x400, $0x38;
	[tilespmem:$0x1FF80] =	vst v63  }
0x84: {  	s22 =	simm.s32 $0x19700;
	s23 =	rddreg [dreg:$0x1e]  }
0x85: {  	[tilespmem:s22], [sflag:$0x4] =	stream.linear.gather [hbm4b:s21+s6], $0x400, $0x38;
	[tilespmem:$0x1FF80] =	vst v63  }
0x86: {  	s24 =	simm.s32 $0x1AF00;
	s25 =	rddreg [dreg:$0x1f]  }
0x87: {  	[tilespmem:s24], [sflag:$0xA] =	stream.linear.gather [hbm4b:s23+s6], $0x400, $0x38;
	[tilespmem:$0x1FF80] =	vst v63  }
0x88: {  	s28 =	simm.s32 $0x1C300;
	s30 =	sld [smem:$0x7F4]  }
0x89: {  	[tilespmem:s28], [sflag:$0xA] =	stream.linear.gather [hbm4b:s25+s6], $0x400, $0x38;
	[tilespmem:$0x1FF80] =	vst v63  }
0x8a: {  	s29 =	simm.s32 $0x0;
	s31 =	simm.s32 $0x1D700  }
0x8b: {  	[tilespmem:s31], [sflag:$0xA] =	stream.linear.gather [hbm4b:s30+s6], $0x400, $0x38;
	[tilespmem:$0x1FF80] =	vst v63  }
.LBB2_2:
0x8c: {  	s30 =	sand.u32 $0x1, s29;
	p3 =	slt.u32 s29, $0x2  }
0x8d: {  	s0 =	sor.u32 @!p3 $0xC, s30  }
0x8e: {  	_ =	swait.ge @!p3 [sflag:s0], $0x80  }
0x8f: {  	[sflag:s0] =	ssyncset.done @!p3 $0x0  }
0x90: {  	[sflag:s0] =	ssyncadd.s32 @!p3 $0xFFFFFF80  }
0x91: {  	_ =	swait.ge @!p3 [sflag:s0], $0x80  }
0x92: {  	[sflag:s0] =	ssyncset.done @!p3 $0x0  }
0x93: {  	[sflag:s0] =	ssyncadd.s32 @!p3 $0xFFFFFF80  }
0x94: {  	_ =	swait.ge @!p3 [sflag:s0], $0x80  }
0x95: {  	[sflag:s0] =	ssyncset.done @!p3 $0x0  }
0x96: {  	[sflag:s0] =	ssyncadd.s32 @!p3 $0xFFFFFF80  }
0x97: {  	_ =	swait.ge @!p3 [sflag:s0], $0x80  }
0x98: {  	[sflag:s0] =	ssyncset.done @!p3 $0x0  }
0x99: {  	[sflag:s0] =	ssyncadd.s32 @!p3 $0xFFFFFF80  }
0x9a: {  	_ =	swait.ge @!p3 [sflag:s0], $0x80  }
0x9b: {  	[sflag:s0] =	ssyncset.done @!p3 $0x0  }
0x9c: {  	s8 =	sadd.s32 $0x4, s29;
	s12 =	smulhi.u32 $0xAAAAAAAB, s29;
	[sflag:s0] =	ssyncadd.s32 @!p3 $0xFFFFFF80  }
0x9d: {  	s3 =	smulhi.u32 $0xCCCCCCCD, s29;
	p2 =	sge.u32 s8, s16;
	_ =	swait.ge @!p3 [sflag:s0], $0x80  }
0x9e: {  	s9 =	smulhi.u32 @!p2 $0xAAAAAAAB, s8;
	[sflag:s0] =	ssyncset.done @!p3 $0x0  }
0x9f: {  	s12 =	sshrl.u32 s12, $0x2;
	s13 =	smulhi.u32 @!p2 $0xCCCCCCCD, s8;
	[sflag:s0] =	ssyncadd.s32 @!p3 $0xFFFFFF80  }
0xa0: {  	s15 =	simm.s32 @!p2 $0x0;
	s2 =	smul.u32 $0x6, s12;
	_ =	swait.ge @!p3 [sflag:s0], $0x80  }
0xa1: {  	s9 =	sshrl.u32 @!p2 s9, $0x2;
	s12 =	sshrl.u32 @!p2 s13, $0x2;
	[sflag:s0] =	ssyncset.done @!p3 $0x0  }
0xa2: {  	s13 =	sadd.s32 @!p2 s7, s8;
	s9 =	smul.u32 @!p2 $0x6, s9;
	[sflag:s0] =	ssyncadd.s32 @!p3 $0xFFFFFF80  }
0xa3: {  	s12 =	smul.u32 @!p2 $0x5, s12;
	s13 =	sshll.u32 @!p2 s13, $0x7;
	_ =	swait.ge @!p3 [sflag:s0], $0x80  }
0xa4: {  	s13 =	sand.u32 @!p2 $0x1FFFFF80, s13;
	s9 =	ssub.s32 @!p2 s8, s9;
	[sflag:s0] =	ssyncset.done @!p3 $0x0  }
0xa5: {  	s8 =	ssub.s32 @!p2 s8, s12;
	s14 =	sshll.u32 @!p2 s9, $0xA;
	[sflag:s0] =	ssyncadd.s32 @!p3 $0xFFFFFF80  }
0xa6: {  	s9 =	sadd.s32 @!p2 $0x1, s9;
	s0 =	ssub.s32 s29, s2;
	s1 =	rddreg [dreg:$0x2]  }
0xa7: {  	s14 =	sadd.s32 @!p2 $0x18B00, s14;
	s19 =	sadd.s32 $0x1, s0;
	s12 =	sadd.s32 @!p2 s1, s13  }
0xa8: {  	[tilespmem:s14], [sflag:s9] =	stream.linear.gather @!p2 [hbm4b:s12+s15], $0x400, $0x38;
	[tilespmem:$0x1FF80] =	vst v63  }
0xa9: {  	s1 =	rddreg [dreg:$0x3];
	s9 =	sshll.u32 @!p2 s8, $0xA;
	s8 =	sadd.s32 @!p2 $0x7, s8  }
0xaa: {  	s14 =	sadd.s32 @!p2 s1, s13;
	s1 =	rddreg [dreg:$0x4];
	s12 =	sor.u32 @!p2 $0x1A300, s9  }
0xab: {  	[tilespmem:s12], [sflag:s8] =	stream.linear.gather @!p2 [hbm4b:s14+s15], $0x400, $0x38;
	[tilespmem:$0x1FF80] =	vst v63  }
0xac: {  	s17 =	sadd.s32 @!p2 s1, s13;
	s14 =	sadd.s32 @!p2 $0x1B700, s9;
	s12 =	sshrl.u32 s3, $0x2  }
0xad: {  	[tilespmem:s14], [sflag:s8] =	stream.linear.gather @!p2 [hbm4b:s17+s15], $0x400, $0x38;
	[tilespmem:$0x1FF80] =	vst v63  }
0xae: {  	s13 =	sadd.s32 @!p2 s4, s13;
	s9 =	sadd.s32 @!p2 $0x1CB00, s9;
	s18 =	smul.u32 $0x5, s12  }
0xaf: {  	[tilespmem:s9], [sflag:s8] =	stream.linear.gather @!p2 [hbm4b:s13+s15], $0x400, $0x38;
	[tilespmem:$0x1FF80] =	vst v63  }
0xb0: {  	_ =	swait.ge [sflag:s19], $0x400  }
0xb1: {  	s8 =	ssub.s32 s29, s18;
	[sflag:s19] =	ssyncset.done $0x0  }
0xb2: {  	s20 =	sadd.s32 $0x7, s8;
	[sflag:s19] =	ssyncadd.s32 $0xFFFFFC00  }
0xb3: {  	_ =	swait.ge [sflag:s20], $0x400  }
0xb4: {  	[sflag:s20] =	ssyncset.done $0x0  }
0xb5: {  	[sflag:s20] =	ssyncadd.s32 $0xFFFFFC00  }
0xb6: {  	s0 =	sshll.u32 s0, $0xA;
	_ =	swait.ge [sflag:s20], $0x400  }
0xb7: {  	s21 =	simm.s32 $0x0;
	s31 =	sand.u32 $0x3FFFFC00, s0;
	[sflag:s20] =	ssyncset.done $0x0  }
0xb8: {  	s12 =	sadd.s32 $0x18B00, s31;
	s17 =	sand.u32 $0x60, s21;
	[sflag:s20] =	ssyncadd.s32 $0xFFFFFC00  }
0xb9: {  	s15 =	sor.u32 $0x10, s17;
	s19 =	sand.u32 $0x380, s21;
	_ =	swait.ge [sflag:s20], $0x400  }
0xba: {  	s0 =	sshll.u32 s8, $0xA;
	s22 =	sadd.s32 s19, s12;
	[sflag:s20] =	ssyncset.done $0x0  }
0xbb: {  	s8 =	sor.u32 s0, s19;
	s23 =	sadd.s32 s15, s22;
	[sflag:s20] =	ssyncadd.s32 $0xFFFFFC00  }
0xbc: {  	s24 =	sor.u32 s15, s8;
	v8 =	vld [tilespmem:s23+$0x0]  }
0xbd: {  	v9 =	vld [tilespmem:s24+$0x1A300];
	_ =	sdelay $0x1  }
0xbe: {  	s13 =	sadd.s32 s17, s22  }
0xbf: {  	v11 =	vld [tilespmem:s13+$0x0]  }
0xc0: {  	s8 =	sor.u32 s17, s8  }
0xc1: {  	v10 =	vld [tilespmem:s8+$0x1A300];
	_ =	sdelay $0x1  }
0xc2: {  	v8 =	vld.idx.msk [tilespmem:v8+s6+$0x0], $0xffff  }
0xc3: {  	v9 =	vld.idx.msk [tilespmem:v9+s6+$0x0], $0xffff  }
0xc4: {  	v14 =	vld [tilespmem:s24+$0x1B700];
	_ =	sdelay $0x1  }
0xc5: {  	v11 =	vld.idx.msk [tilespmem:v11+s6+$0x0], $0xffff  }
0xc6: {  	s28 =	simm.s32 $0x20  }
0xc7: {  	s20 =	sand.u32 $0x60, s28;
	s23 =	sand.u32 $0x380, s28;
	v10 =	vld.idx.msk [tilespmem:v10+s6+$0x0], $0xffff;
	v12 =	vshrl.u32 v8, $0x3;
	v13 =	vshrl.u32 v9, $0x3  }
0xc8: {  	s22 =	sor.u32 $0x10, s20;
	s18 =	sor.u32 s0, s23;
	(erf) = vrcp.f32 v14;
	v12 =	vand.u32 $0x1FFFE000, v12;
	v13 =	vand.u32 $0x1FFFE000, v13  }
0xc9: {  	s3 =	sor.u32 s22, s18;
	v8 =	vshll.u32 v8, $0xD;
	v12 =	vadd.s32 $0x38000000, v12;
	v13 =	vadd.s32 $0x38000000, v13  }
0xca: {  	s1 =	sadd.s32 s23, s12;
	v19 =	vld [tilespmem:s3+$0x1A300];
	v9 =	vshll.u32 v9, $0xD;
	v16 =	vshrl.u32 v11, $0x3;
	v12 =	vadd.f32 v13, v12  }
0xcb: {  	v15 =	vld [tilespmem:s8+$0x1B700];
	s2 =	sadd.s32 s22, s1;
	v16 =	vand.u32 $0x1FFFE000, v16;
	v8 =	vand.u32 $0x1FFFE000, v8;
	v9 =	vand.u32 $0x1FFFE000, v9  }
0xcc: {  	v17 =	vld [tilespmem:s2+$0x0];
	v16 =	vadd.s32 $0x38000000, v16;
	v13 =	vshrl.u32 v10, $0x3;
	v12 =	vmul.f32 v12, v14  }
0xcd: {  	v8 =	vadd.s32 $0x38000000, v8;
	v9 =	vadd.s32 $0x38000000, v9;
	v13 =	vand.u32 $0x1FFFE000, v13  }
0xce: {  	v9 =	vmul.f32 v9, v8;
	v13 =	vadd.s32 $0x38000000, v13;
	v18 =	vmul.f32 v12, v1  }
0xcf: {  	s25 =	sor.u32 s20, s18;
	v13 =	vadd.f32 v13, v16;
	v20 =	vmul.f32 v12, v0;
	v21 =	vmul.f32 v12, v2  }
0xd0: {  	v16 =	vld [tilespmem:s25+$0x1A300];
	v12 =	vmul.f32 v12, v3;
	v18 =	vmul.f32 $1.442695020e+00, v18  }
0xd1: {  	v13 =	vmul.f32 v13, v15;
	v20 =	vmul.f32 $1.442695020e+00, v20  }
0xd2: {  	s14 =	sadd.s32 s20, s1;
	v19 =	vld.idx.msk [tilespmem:v19+s6+$0x0], $0xffff;
	v14 =	vmul.f32 $1.442695020e+00, v21;
	(erf) = vpow2.f32 v18  }
0xd3: {  	v8 =	vshll.u32 v10, $0xD;
	v12 =	vmul.f32 $1.442695020e+00, v12;
	v10 =	vmul.f32 v13, v0;
	v18 =	vld [tilespmem:s14+$0x0]  }
0xd4: {  	v11 =	vshll.u32 v11, $0xD;
	(erf) = vrcp.f32 v15;
	v15 =	vld.idx.msk [tilespmem:v17+s6+$0x0], $0xffff;
	v17 =	vmul.f32 v13, v1  }
0xd5: {  	v11 =	vand.u32 $0x1FFFE000, v11;
	v21 =	vld [tilespmem:s24+$0x1CB00];
	v10 =	vmul.f32 $1.442695020e+00, v10;
	(erf) = vpow2.f32 v20  }
0xd6: {  	v11 =	vadd.s32 $0x38000000, v11;
	v20 =	vmul.f32 v13, v3;
	v17 =	vmul.f32 $1.442695020e+00, v17  }
0xd7: {  	v8 =	vand.u32 $0x1FFFE000, v8;
	(erf) = vpow2.f32 v12;
	v12 =	vmul.f32 v13, v2  }
0xd8: {  	v8 =	vadd.s32 $0x38000000, v8;
	(erf) = vpow2.f32 v14;
	v13 =	vmul.f32 $1.442695020e+00, v20;
	v14 =	vld.idx.msk [tilespmem:v16+s6+$0x0], $0xffff  }
0xd9: {  	v16 =	vpop (erf);
	v20 =	vshrl.u32 v19, $0x3;
	(erf) = vpow2.f32 v17;
	v12 =	vmul.f32 $1.442695020e+00, v12  }
0xda: {  	v22 =	vld [tilespmem:s3+$0x1B700];
	v16 =	vmul.f32 v16, v21;
	v20 =	vand.u32 $0x1FFFE000, v20;
	v17 =	vshrl.u32 v15, $0x3  }
0xdb: {  	v25 =	vld [tilespmem:s8+$0x1CB00];
	v15 =	vshll.u32 v15, $0xD;
	v20 =	vadd.s32 $0x38000000, v20;
	v17 =	vand.u32 $0x1FFFE000, v17;
	v23 =	vpop (erf)  }
0xdc: {  	v15 =	vand.u32 $0x1FFFE000, v15;
	v18 =	vld.idx.msk [tilespmem:v18+s6+$0x0], $0xffff;
	v17 =	vadd.s32 $0x38000000, v17;
	v23 =	vmul.f32 v23, v5  }
0xdd: {  	v21 =	vpop (erf);
	(erf) = vpow2.f32 v12;
	v12 =	vadd.f32 v20, v17;
	v20 =	vshrl.u32 v14, $0x3  }
0xde: {  	v26 =	vmul.f32 v8, v11;
	v15 =	vadd.s32 $0x38000000, v15;
	v24 =	vpop (erf);
	(erf) = vpow2.f32 v10  }
0xdf: {  	v14 =	vshll.u32 v14, $0xD;
	v17 =	vmul.f32 v24, v4;
	v12 =	vmul.f32 v12, v22  }
0xe0: {  	s18 =	simm.s32 $0x40;
	v10 =	vshll.u32 v19, $0xD;
	v19 =	vand.u32 $0x1FFFE000, v20;
	v30 =	vmul.f32 v21, v25;
	v20 =	vpop (erf)  }
0xe1: {  	s28 =	sand.u32 $0x60, s18;
	s24 =	sand.u32 $0x380, s18;
	v24 =	vshrl.u32 v18, $0x3;
	v17 =	vadd.f32 v23, v17;
	v23 =	vpop (erf);
	v8 =	vmul.f32 v12, v1  }
0xe2: {  	s18 =	sor.u32 $0x10, s28;
	s21 =	sadd.s32 s24, s12;
	v24 =	vand.u32 $0x1FFFE000, v24;
	v20 =	vmul.f32 v20, v7;
	v11 =	vmul.f32 v23, v6  }
0xe3: {  	v28 =	vld [tilespmem:s25+$0x1B700];
	s1 =	sor.u32 s0, s24;
	s2 =	sadd.s32 s18, s21;
	v23 =	vadd.s32 $0x38000000, v24;
	v24 =	vmul.f32 v12, v0;
	v27 =	vpop (erf);
	(erf) = vpow2.f32 v13  }
0xe4: {  	s8 =	sor.u32 s18, s1;
	v29 =	vld [tilespmem:s2+$0x0];
	v19 =	vadd.s32 $0x38000000, v19;
	v13 =	vmul.f32 v12, v2;
	v12 =	vmul.f32 v12, v3  }
0xe5: {  	v21 =	vld [tilespmem:s8+$0x1A300];
	v10 =	vand.u32 $0x1FFFE000, v10;
	v8 =	vmul.f32 $1.442695020e+00, v8;
	v27 =	vmul.f32 v27, v5  }
0xe6: {  	(erf) = vrcp.f32 v22;
	v19 =	vadd.f32 v19, v23;
	v24 =	vmul.f32 $1.442695020e+00, v24  }
0xe7: {  	v10 =	vadd.s32 $0x38000000, v10;
	v13 =	vmul.f32 $1.442695020e+00, v13;
	v12 =	vmul.f32 $1.442695020e+00, v12  }
0xe8: {  	v11 =	vadd.f32 v17, v11;
	(erf) = vpow2.f32 v8;
	v19 =	vmul.f32 v19, v28;
	v17 =	vpop (erf)  }
0xe9: {  	s9 =	sor.u32 s28, s1;
	v14 =	vand.u32 $0x1FFFE000, v14;
	v8 =	vmul.f32 v10, v15;
	v17 =	vmul.f32 v17, v6  }
0xea: {  	s14 =	sadd.s32 s28, s21;
	v25 =	vadd.s32 $0x38000000, v14;
	v23 =	vld [tilespmem:s9+$0x1A300];
	v22 =	vpop (erf);
	(erf) = vrcp.f32 v28;
	v14 =	vmul.f32 v19, v0  }
0xeb: {  	v10 =	vld [tilespmem:s14+$0x0];
	v15 =	vshll.u32 v18, $0xD;
	v18 =	vmul.f32 v19, v1;
	v22 =	vmul.f32 v22, v4  }
0xec: {  	v29 =	vld.idx.msk [tilespmem:v29+s6+$0x0], $0xffff;
	(erf) = vpow2.f32 v24;
	v24 =	vmul.f32 v19, v3  }
0xed: {  	v21 =	vld.idx.msk [tilespmem:v21+s6+$0x0], $0xffff;
	v11 =	vadd.f32 v11, v20;
	v19 =	vmul.f32 v19, v2;
	v31 =	vmul.f32 $1.442695020e+00, v14  }
0xee: {  	v28 =	vld [tilespmem:s3+$0x1CB00];
	(erf) = vpow2.f32 v12;
	v18 =	vmul.f32 $1.442695020e+00, v18;
	v14 =	vadd.f32 v27, v22  }
0xef: {  	v22 =	vmul.f32 v11, v9;
	v19 =	vmul.f32 $1.442695020e+00, v19;
	v12 =	vpop (erf)  }
0xf0: {  	(erf) = vpow2.f32 v13;
	v13 =	vadd.f32 v14, v17;
	v17 =	vmul.f32 v12, v7  }
0xf1: {  	v15 =	vand.u32 $0x1FFFE000, v15;
	v14 =	vmul.f32 $1.442695020e+00, v24;
	(erf) = vpow2.f32 v18  }
0xf2: {  	v20 =	vpop (erf);
	v18 =	vadd.s32 $0x38000000, v15;
	v12 =	vld.idx.msk [tilespmem:v23+s6+$0x0], $0xffff;
	v15 =	vshll.u32 v29, $0xD;
	v27 =	vmul.f32 v22, v16  }
0xf3: {  	v22 =	vshrl.u32 v21, $0x3;
	v16 =	vshll.u32 v21, $0xD;
	v9 =	vmul.f32 v20, v28;
	v11 =	vld.idx.msk [tilespmem:v10+s6+$0x0], $0xffff  }
0xf4: {  	v20 =	vshrl.u32 v29, $0x3;
	v22 =	vand.u32 $0x1FFFE000, v22;
	v23 =	vadd.f32 v13, v17;
	v10 =	vpop (erf);
	v17 =	vld [tilespmem:s8+$0x1B700]  }
0xf5: {  	v20 =	vand.u32 $0x1FFFE000, v20;
	(erf) = vpow2.f32 v19;
	v10 =	vmul.f32 v10, v5;
	v13 =	vpop (erf)  }
0xf6: {  	s13 =	sshll.u32 s30, $0xA;
	v19 =	vadd.s32 $0x38000000, v20;
	v20 =	vadd.s32 $0x38000000, v22;
	(erf) = vpow2.f32 v31;
	v21 =	vpop (erf)  }
0xf7: {  	s14 =	sadd.s32 $0x1DF00, s13;
	v20 =	vadd.f32 v20, v19;
	v24 =	vshrl.u32 v12, $0x3;
	v22 =	vmul.f32 v21, v4  }
0xf8: {  	s19 =	sadd.s32 s19, s14;
	s23 =	sadd.s32 s23, s14;
	v31 =	vmul.f32 v23, v26;
	v28 =	vshrl.u32 v11, $0x3;
	v24 =	vand.u32 $0x1FFFE000, v24  }
0xf9: {  	s24 =	sadd.s32 s24, s14;
	s21 =	sadd.s32 s17, s19;
	s3 =	sadd.s32 s15, s19;
	v21 =	vpop (erf);
	v24 =	vadd.s32 $0x38000000, v24;
	v19 =	vadd.f32 v10, v22;
	v22 =	vmul.f32 v20, v17  }
0xfa: {  	s19 =	sadd.s32 s20, s23;
	s17 =	sadd.s32 s22, s23;
	s15 =	sadd.s32 s28, s24;
	v28 =	vand.u32 $0x1FFFE000, v28;
	v29 =	vpop (erf);
	v20 =	vld [tilespmem:s25+$0x1CB00];
	v10 =	vmul.f32 v25, v18;
	v18 =	vmul.f32 v31, v30  }
0xfb: {  	s20 =	sadd.s32 s18, s24;
	s22 =	simm.s32 $0x4;
	s23 =	simm.s32 $0x60;
	[tilespmem:s3+$0x0] =	vst v27;
	v27 =	vadd.s32 $0x38000000, v28;
	v25 =	vld [tilespmem:s9+$0x1B700];
	v23 =	vmul.f32 v29, v6;
	v26 =	vpop (erf);
	v28 =	vmul.f32 v22, v1  }
.LBB2_3:
0xfc: {  	s1 =	sand.u32 $0x60, s23;
	s18 =	sand.u32 $0x380, s23;
	s22 =	sadd.s32 $0x2, s22;
	v15 =	vand.u32 $0x1FFFE000, v15;
	v29 =	vmul.f32 v22, v0;
	v21 =	vmul.f32 v21, v7  }
0xfd: {  	v16 =	vand.u32 $0x1FFFE000, v16;
	v26 =	vmul.f32 v26, v5;
	s24 =	sadd.s32 s18, s12;
	s28 =	sor.u32 s0, s18;
	s2 =	sor.u32 $0x10, s1;
	v28 =	vmul.f32 $1.442695020e+00, v28;
	[tilespmem:s21+$0x0] =	vst v18  }
0xfe: {  	v19 =	vadd.f32 v19, v23;
	s3 =	sadd.s32 s1, s24;
	s25 =	sor.u32 s1, s28;
	s21 =	sadd.s32 s2, s24;
	v18 =	vmul.f32 $1.442695020e+00, v29;
	v23 =	vpop (erf);
	(erf) = vpow2.f32 v14  }
0xff: {  	s18 =	sadd.s32 s18, s14;
	p2 =	slt.u32 s22, $0x3E;
	v15 =	vadd.s32 $0x38000000, v15;
	s24 =	sor.u32 s2, s28;
	v29 =	vmul.f32 v22, v2;
	v14 =	vld [tilespmem:s21+$0x0];
	v30 =	vmul.f32 v13, v20  }
0x100: {  	s1 =	sadd.s32 s1, s18;
	s18 =	sadd.s32 s2, s18;
	v20 =	vadd.f32 v24, v27;
	s21 =	smov.u32 s19;
	v13 =	vld [tilespmem:s24+$0x1A300];
	(erf) = vrcp.f32 v17;
	v17 =	vmul.f32 v23, v6;
	v23 =	vpop (erf)  }
0x101: {  	v16 =	vadd.s32 $0x38000000, v16;
	v22 =	vmul.f32 v22, v3;
	s19 =	smov.u32 s15;
	s15 =	smov.u32 s1;
	v24 =	vld [tilespmem:s3+$0x0];
	v23 =	vmul.f32 v23, v4  }
0x102: {  	v12 =	vshll.u32 v12, $0xD;
	v27 =	vmul.f32 $1.442695020e+00, v29;
	(erf) = vpow2.f32 v28  }
0x103: {  	v12 =	vand.u32 $0x1FFFE000, v12;
	v20 =	vmul.f32 v20, v25;
	v28 =	vld [tilespmem:s25+$0x1A300];
	(erf) = vrcp.f32 v25  }
0x104: {  	v15 =	vmul.f32 v16, v15;
	v25 =	vadd.s32 $0x38000000, v12;
	(erf) = vpow2.f32 v18  }
0x105: {  	v11 =	vshll.u32 v11, $0xD;
	v12 =	vmul.f32 v20, v0;
	v16 =	vmul.f32 v20, v1  }
0x106: {  	v29 =	vmul.f32 v20, v3;
	v18 =	vand.u32 $0x1FFFE000, v11;
	v11 =	vmul.f32 $1.442695020e+00, v22;
	v31 =	vld [tilespmem:s8+$0x1CB00];
	s8 =	smov.u32 s24  }
0x107: {  	v20 =	vmul.f32 v20, v2;
	v32 =	vmul.f32 $1.442695020e+00, v12;
	v12 =	vadd.f32 v26, v23;
	v22 =	vld.idx.msk [tilespmem:v14+s6+$0x0], $0xffff;
	v14 =	vpop (erf)  }
0x108: {  	v23 =	vld.idx.msk [tilespmem:v13+s6+$0x0], $0xffff;
	v13 =	vmul.f32 $1.442695020e+00, v16;
	(erf) = vpow2.f32 v11;
	v16 =	vadd.f32 v19, v21  }
0x109: {  	v17 =	vadd.f32 v12, v17;
	v21 =	vmul.f32 v14, v7;
	v11 =	vld.idx.msk [tilespmem:v24+s6+$0x0], $0xffff;
	(erf) = vpow2.f32 v27;
	v19 =	vpop (erf)  }
0x10a: {  	v14 =	vmul.f32 $1.442695020e+00, v29;
	(erf) = vpow2.f32 v13  }
0x10b: {  	v18 =	vadd.s32 $0x38000000, v18;
	v27 =	vadd.f32 v17, v21;
	v16 =	vmul.f32 v16, v8;
	v12 =	vld.idx.msk [tilespmem:v28+s6+$0x0], $0xffff;
	v24 =	vpop (erf)  }
0x10c: {  	v20 =	vmul.f32 $1.442695020e+00, v20;
	v8 =	vmov v15;
	v19 =	vmul.f32 v19, v31;
	v13 =	vpop (erf)  }
0x10d: {  	v21 =	vshrl.u32 v22, $0x3;
	v15 =	vshll.u32 v22, $0xD;
	v26 =	vmul.f32 v16, v9;
	v22 =	vpop (erf)  }
0x10e: {  	v28 =	vshrl.u32 v23, $0x3;
	v16 =	vshll.u32 v23, $0xD;
	v23 =	vmul.f32 v24, v5;
	v9 =	vmovc v19;
	v17 =	vld [tilespmem:s8+$0x1B700]  }
0x10f: {  	v19 =	vand.u32 $0x1FFFE000, v21;
	v28 =	vand.u32 $0x1FFFE000, v28;
	(erf) = vpow2.f32 v20;
	[tilespmem:s17+$0x0] =	vst v26;
	s17 =	smov.u32 s20;
	s20 =	smov.u32 s18  }
0x110: {  	v19 =	vadd.s32 $0x38000000, v19;
	v22 =	vmul.f32 v22, v4;
	v20 =	vadd.s32 $0x38000000, v28  }
.Ltmp0:
0x111: {  	v24 =	vshrl.u32 v12, $0x3;
	v20 =	vadd.f32 v20, v19;
	(erf) = vpow2.f32 v32;
	v21 =	vpop (erf);
	(pc) =	sbr.rel @p2 .LBB2_3-.Ltmp0, $4  }
0x112: {  	v28 =	vshrl.u32 v11, $0x3;
	v19 =	vadd.f32 v23, v22;
	v24 =	vand.u32 $0x1FFFE000, v24;
	v23 =	vpop (erf)  }
0x113: {  	v29 =	vmul.f32 v27, v10;
	v24 =	vadd.s32 $0x38000000, v24;
	v22 =	vmul.f32 v20, v17;
	v26 =	vpop (erf)  }
0x114: {  	v10 =	vmul.f32 v25, v18;
	v27 =	vand.u32 $0x1FFFE000, v28;
	v23 =	vmul.f32 v23, v6;
	v20 =	vld [tilespmem:s9+$0x1CB00];
	s9 =	smov.u32 s25  }
0x115: {  	s23 =	sadd.s32 $0x20, s23;
	v18 =	vmul.f32 v29, v30;
	v27 =	vadd.s32 $0x38000000, v27;
	v25 =	vld [tilespmem:s9+$0x1B700];
	v28 =	vmul.f32 v22, v1  }
0x116: {  	v29 =	vmul.f32 v22, v0;
	(erf) = vpow2.f32 v14  }
0x117: {  	v30 =	vmul.f32 v22, v2;
	v31 =	vmul.f32 v22, v3  }
0x118: {  	v24 =	vadd.f32 v24, v27;
	v28 =	vmul.f32 $1.442695020e+00, v28;
	(erf) = vrcp.f32 v17  }
0x119: {  	v29 =	vmul.f32 $1.442695020e+00, v29;
	v14 =	vmul.f32 $1.442695020e+00, v30  }
0x11a: {  	(erf) = vpow2.f32 v28;
	v32 =	vmul.f32 v24, v25  }
0x11b: {  	v17 =	vmul.f32 $1.442695020e+00, v31;
	(erf) = vrcp.f32 v25  }
0x11c: {  	(erf) = vpow2.f32 v29;
	v24 =	vmul.f32 v32, v1  }
0x11d: {  	v33 =	vmul.f32 v32, v0;
	v34 =	vmul.f32 v32, v2  }
0x11e: {  	(erf) = vpow2.f32 v17;
	v24 =	vmul.f32 $1.442695020e+00, v24  }
0x11f: {  	(erf) = vpow2.f32 v14;
	v35 =	vmul.f32 $1.442695020e+00, v34  }
0x120: {  	v36 =	vpop (erf);
	v25 =	vmul.f32 $1.442695020e+00, v33;
	(erf) = vpow2.f32 v24  }
0x121: {  	v37 =	vpop (erf);
	(erf) = vpow2.f32 v35  }
0x122: {  	v38 =	vmul.f32 v32, v3;
	v39 =	vpop (erf);
	(erf) = vpow2.f32 v25  }
0x123: {  	v40 =	vpop (erf)  }
0x124: {  	v14 =	vmul.f32 $1.442695020e+00, v38;
	v41 =	vpop (erf)  }
0x125: {  	v15 =	vand.u32 $0x1FFFE000, v15;
	v21 =	vmul.f32 v21, v7;
	v16 =	vand.u32 $0x1FFFE000, v16;
	v42 =	vpop (erf)  }
0x126: {  	v26 =	vmul.f32 v26, v5;
	v19 =	vadd.f32 v19, v23;
	(erf) = vpow2.f32 v14;
	v43 =	vpop (erf)  }
0x127: {  	v12 =	vshll.u32 v12, $0xD;
	v11 =	vshll.u32 v11, $0xD;
	v44 =	vadd.s32 $0x38000000, v15;
	v45 =	vpop (erf)  }
0x128: {  	v12 =	vand.u32 $0x1FFFE000, v12;
	v16 =	vadd.s32 $0x38000000, v16;
	v11 =	vand.u32 $0x1FFFE000, v11;
	v47 =	vpop (erf)  }
0x129: {  	v12 =	vadd.s32 $0x38000000, v12;
	v13 =	vmul.f32 v13, v20;
	v46 =	vmul.f32 v37, v4;
	v48 =	vpop (erf)  }
0x12a: {  	v19 =	vadd.f32 v19, v21;
	v17 =	vmul.f32 v36, v6;
	v22 =	vmul.f32 v39, v7;
	v50 =	vpop (erf)  }
0x12b: {  	v11 =	vadd.s32 $0x38000000, v11;
	v51 =	vmul.f32 v41, v5;
	v23 =	vmul.f32 v43, v4;
	v52 =	vpop (erf)  }
0x12c: {  	v49 =	vadd.f32 v26, v46;
	v54 =	vmul.f32 v48, v5;
	v26 =	vmul.f32 v52, v4  }
0x12d: {  	v53 =	vld [tilespmem:s8+$0x1CB00];
	v14 =	vmul.f32 v16, v44;
	v21 =	vadd.f32 v51, v23;
	v55 =	vmul.f32 v47, v6  }
0x12e: {  	v56 =	vld [tilespmem:s9+$0x1CB00];
	v16 =	vadd.f32 v49, v17;
	v20 =	vmul.f32 v50, v6;
	v17 =	vadd.f32 v54, v26  }
0x12f: {  	v8 =	vmul.f32 v19, v8;
	v15 =	vmul.f32 v45, v7;
	v21 =	vadd.f32 v21, v55;
	v57 =	vpop (erf)  }
0x130: {  	v16 =	vadd.f32 v16, v22;
	v58 =	vmul.f32 v57, v7;
	v17 =	vadd.f32 v17, v20  }
0x131: {  	v60 =	vmul.f32 v12, v11;
	v8 =	vmul.f32 v8, v9;
	v15 =	vadd.f32 v21, v15  }
0x132: {  	v59 =	vmul.f32 v40, v53;
	v10 =	vmul.f32 v16, v10;
	v61 =	vadd.f32 v17, v58  }
0x133: {  	v63 =	vmul.f32 v42, v56;
	v62 =	vmul.f32 v15, v14  }
0x134: {  	[tilespmem:s21+$0x0] =	vst v18;
	v10 =	vmul.f32 v10, v13;
	v9 =	vmul.f32 v61, v60  }
0x135: {  	[tilespmem:s17+$0x0] =	vst v8;
	v8 =	vmul.f32 v62, v59  }
0x136: {  	[tilespmem:s19+$0x0] =	vst v10;
	v9 =	vmul.f32 v9, v63  }
0x137: {  	[tilespmem:s20+$0x0] =	vst v8  }
0x138: {  	s0 =	sor.u32 $0xC, s30;
	[tilespmem:s15+$0x0] =	vst v9  }
0x139: {  	[spmem:s5] =	stream.indirect.scatter.add.f32 [tilespmem:s14], [sflag:s0], $0x1, s12, s26, $0xb8;
	[tilespmem:$0x1FF80] =	vst v63  }
0x13a: {  	s1 =	sadd.s32 $0x1DF80, s13;
	s2 =	sadd.s32 $0x18B80, s31  }
0x13b: {  	[spmem:s5] =	stream.indirect.scatter.add.f32 [tilespmem:s1], [sflag:s0], $0x1, s2, s26, $0xb8;
	[tilespmem:$0x1FF80] =	vst v63  }
0x13c: {  	s18 =	sadd.s32 $0x18C00, s31;
	s17 =	sor.u32 $0x1E000, s13  }
0x13d: {  	[spmem:s5] =	stream.indirect.scatter.add.f32 [tilespmem:s17], [sflag:s0], $0x1, s18, s26, $0xb8;
	[tilespmem:$0x1FF80] =	vst v63  }
0x13e: {  	s19 =	sadd.s32 $0x1E080, s13;
	s20 =	sadd.s32 $0x18C80, s31  }
0x13f: {  	[spmem:s5] =	stream.indirect.scatter.add.f32 [tilespmem:s19], [sflag:s0], $0x1, s20, s26, $0xb8;
	[tilespmem:$0x1FF80] =	vst v63  }
0x140: {  	s22 =	sadd.s32 $0x18D00, s31;
	s29 =	sadd.s32 $0x1, s29;
	s21 =	sadd.s32 $0x1E100, s13  }
0x141: {  	[spmem:s5] =	stream.indirect.scatter.add.f32 [tilespmem:s21], [sflag:s0], $0x1, s22, s26, $0xb8;
	[tilespmem:$0x1FF80] =	vst v63  }
0x142: {  	s23 =	sadd.s32 $0x1E180, s13;
	s24 =	sadd.s32 $0x18D80, s31;
	p2 =	sne.s32 s29, s16  }
0x143: {  	[spmem:s5] =	stream.indirect.scatter.add.f32 [tilespmem:s23], [sflag:s0], $0x1, s24, s26, $0xb8;
	[tilespmem:$0x1FF80] =	vst v63  }
.Ltmp1:
0x144: {  	_ = 	snop;
	(pc) =	sbr.rel @p2 .LBB2_2-.Ltmp1, $4  }
0x145: {  	s25 =	sadd.s32 $0x1E200, s13;
	s28 =	sadd.s32 $0x18E00, s31  }
0x146: {  	[spmem:s5] =	stream.indirect.scatter.add.f32 [tilespmem:s25], [sflag:s0], $0x1, s28, s26, $0xb8;
	[tilespmem:$0x1FF80] =	vst v63  }
0x147: {  	s30 =	sadd.s32 $0x1E280, s13;
	s31 =	sadd.s32 $0x18E80, s31  }
0x148: {  	[spmem:s5] =	stream.indirect.scatter.add.f32 [tilespmem:s30], [sflag:s0], $0x1, s31, s26, $0xb8;
	[tilespmem:$0x1FF80] =	vst v63  }
0x149: {  	_ =	swait.ge [sflag:s10], $0x80  }
0x14a: {  	[sflag:s10] =	ssyncset.done $0x0  }
0x14b: {  	[sflag:s10] =	ssyncadd.s32 $0xFFFFFF80  }
0x14c: {  	_ =	swait.ge [sflag:s10], $0x80  }
0x14d: {  	[sflag:s10] =	ssyncset.done $0x0  }
0x14e: {  	[sflag:s10] =	ssyncadd.s32 $0xFFFFFF80  }
0x14f: {  	_ =	swait.ge [sflag:s10], $0x80  }
0x150: {  	[sflag:s10] =	ssyncset.done $0x0  }
0x151: {  	[sflag:s10] =	ssyncadd.s32 $0xFFFFFF80  }
0x152: {  	_ =	swait.ge [sflag:s10], $0x80  }
0x153: {  	[sflag:s10] =	ssyncset.done $0x0  }
0x154: {  	[sflag:s10] =	ssyncadd.s32 $0xFFFFFF80  }
0x155: {  	_ =	swait.ge [sflag:s10], $0x80  }
0x156: {  	[sflag:s10] =	ssyncset.done $0x0  }
0x157: {  	[sflag:s10] =	ssyncadd.s32 $0xFFFFFF80  }
0x158: {  	_ =	swait.ge [sflag:s10], $0x80  }
0x159: {  	[sflag:s10] =	ssyncset.done $0x0  }
0x15a: {  	[sflag:s10] =	ssyncadd.s32 $0xFFFFFF80  }
0x15b: {  	_ =	swait.ge [sflag:s10], $0x80  }
0x15c: {  	[sflag:s10] =	ssyncset.done $0x0  }
0x15d: {  	[sflag:s10] =	ssyncadd.s32 $0xFFFFFF80  }
0x15e: {  	_ =	swait.ge [sflag:s10], $0x80  }
0x15f: {  	[sflag:s10] =	ssyncset.done $0x0  }
0x160: {  	[sflag:s10] =	ssyncadd.s32 $0xFFFFFF80  }
0x161: {  	_ =	swait.ge [sflag:s11], $0x80  }
0x162: {  	[sflag:s11] =	ssyncset.done $0x0  }
0x163: {  	[sflag:s11] =	ssyncadd.s32 $0xFFFFFF80  }
0x164: {  	_ =	swait.ge [sflag:s11], $0x80  }
0x165: {  	[sflag:s11] =	ssyncset.done $0x0  }
0x166: {  	[sflag:s11] =	ssyncadd.s32 $0xFFFFFF80  }
0x167: {  	_ =	swait.ge [sflag:s11], $0x80  }
0x168: {  	[sflag:s11] =	ssyncset.done $0x0  }
0x169: {  	[sflag:s11] =	ssyncadd.s32 $0xFFFFFF80  }
0x16a: {  	_ =	swait.ge [sflag:s11], $0x80  }
0x16b: {  	[sflag:s11] =	ssyncset.done $0x0  }
0x16c: {  	[sflag:s11] =	ssyncadd.s32 $0xFFFFFF80  }
0x16d: {  	_ =	swait.ge [sflag:s11], $0x80  }
0x16e: {  	[sflag:s11] =	ssyncset.done $0x0  }
0x16f: {  	[sflag:s11] =	ssyncadd.s32 $0xFFFFFF80  }
0x170: {  	_ =	swait.ge [sflag:s11], $0x80  }
0x171: {  	[sflag:s11] =	ssyncset.done $0x0  }
0x172: {  	[sflag:s11] =	ssyncadd.s32 $0xFFFFFF80  }
0x173: {  	_ =	swait.ge [sflag:s11], $0x80  }
0x174: {  	[sflag:s11] =	ssyncset.done $0x0  }
0x175: {  	[sflag:s11] =	ssyncadd.s32 $0xFFFFFF80  }
0x176: {  	_ =	swait.ge [sflag:s11], $0x80  }
0x177: {  	[sflag:s11] =	ssyncset.done $0x0  }
0x178: {  	[sflag:s11] =	ssyncadd.s32 $0xFFFFFF80  }
0x179: {  	[bflag:$0x0] =	sbarrier.arrive $0xFFFF  }
0x17a: {  	s8 =	sld [smem:$0x7F5]  }
0x17b: {  	s0 =	sshrl.u32 @!p0 s5, $0x3;
	s1 =	simm.s32 @!p0 $0x1  }
0x17c: {  	s2 =	simm.s32 @!p0 $0x20;
	s3 =	simm.s32 @!p0 $0x10;
	s22 =	rddreg [dreg:$0x10]  }
0x17d: {  	[hbm:s8@s2], [sflag:s22] =	dma.strided @!p0 [spmem:s0@s3], $0x3100, s1, $0x10   }
0x17e: {  	s0 =	simm.s32 @!p0 $0xF  }
0x17f: {  	_ =	swait.ge @!p0 [sflag:s0], $0x3100  }
0x180: {  	s30 =	sld [smem:$0x7F3]  }
0x181: {  	s31 =	sld [smem:$0x7F6];
	_ =	sdelay $0x1  }
0x182: {  	s2 =	sadd.s32 $0x1, s30  }
0x183: {  	p2 =	sne.s32 s2, s31  }
.Ltmp2:
0x184: {  	_ = 	snop;
	(pc) =	sbr.rel @p2 .LBB2_1-.Ltmp2, $3  }
0x185: {  	_ =	sdelay $0x1  }
0x186: {  	[sflag:s0] =	ssyncset.done @!p0 $0x0  }
0x187: {  	[sflag:s0] =	ssyncadd.s32 @!p0 $0xFFFFCF00  }
0x188: {  	_ =	sfence.sel $0x180000  }
0x189: {  	[bflag:$0x0] =	sbarrier.arrive $0xFFFF  }
0x18a: {  	_ =	strace $0x90000047  }
0x18b: {  	[bflag:$0x2] =	sbarrier.arrive $0xFFFF  }
0x18c: {  	s0 =	rddreg [dreg:$0x7]  }
0x18d: {  	s0 =	sadd.s32 @!p0 $0x100000, s0  }
0x18e: {  	[sflag:s0] =	ssyncadd.tile.s32 @!p0 $0x1;
	_ =	shalt  }
.Lfunc_end2:
_tile_overlayer_lowered:
.L_overlay_start_2:
0x18f: {  	(tag) =	ssettag $0x2  }
0x190: {  	s0 =	rddreg [dreg:$0x0];
	s2 =	stileid.u32  }
0x191: {  	s1 =	rddreg [dreg:$0x1];
	p0 =	sne.s32 s2, $0x0  }
0x192: {  	s3 =	rddreg [dreg:$0x2];
	[bflag:$0x3] =	sbarrier.arrive $0xFFFF;
	s2 =	simm.s32 @!p0 $0x1C0F  }
0x193: {  	[timem:s3], [sflag:s2] =	dma.local @!p0 [hbm:s0], s1  }
0x194: {  	s0 =	simm.s32 @!p0 $0xF  }
0x195: {  	_ =	swait.ge @!p0 [sflag:s0], s1  }
0x196: {  	s1 =	ssub.s32 @!p0 $0x0, s1;
	[sflag:s0] =	ssyncset.done @!p0 $0x0  }
0x197: {  	[sflag:s0] =	ssyncadd.s32 @!p0 s1  }
0x198: {  	[bflag:$0x3] =	sbarrier.arrive $0xFFFF  }
0x199: {  	_ =	shalt  }

</sc_bundles>
